<compile_context>
chip_gen: v7x
topology: tpu7x:2x2x1
jax: 0.10.2.dev20260603
libtpu: 0.0.44.dev20260713+nightly
codegen_flags: <defaults>
</compile_context>

<pallas_src>
import functools

import jax
import jax.numpy as jnp
from jax import lax
from jax.experimental import pallas as pl
from jax.experimental.pallas import tpu as pltpu
from jax.experimental.pallas import tpu_sc as plsc

NN = 10000
NE = 320000
D = 128
G = 16
EPS = 1e-5

NC, NS = 2, 16
NW = NC * NS
K = 80
NCHUNK = 128
E_W = K * NCHUNK
NE_PAD = NW * E_W
NN_PAD = 10240
R_TILE = NN_PAD // NS



def _edge_agg(h, src_r, dst_r):
    mesh = plsc.VectorSubcoreMesh(core_axis_name="c", subcore_axis_name="s")

    @functools.partial(
        pl.kernel,
        mesh=mesh,
        out_type=jax.ShapeDtypeStruct((NC, NN_PAD, D), jnp.float32),
        scratch_types=[
            pltpu.VMEM((NCHUNK, K), jnp.int32),
            pltpu.VMEM((NCHUNK, K), jnp.int32),
            pltpu.VMEM((K, D), jnp.float32),
            pltpu.VMEM_SHARED((NN_PAD, D), jnp.float32),
            pltpu.SemaphoreType.DMA,
        ],
    )
    def agg_kernel(h_hbm, src_hbm, dst_hbm, out_hbm,
                   src_v, dst_v, rows_v, agg_sh, sem):
        c = lax.axis_index("c")
        s = lax.axis_index("s")
        wid = s * NC + c

        def zb(i, carry):
            for j in range(D // 16):
                rows_v[i, pl.ds(j * 16, 16)] = jnp.zeros((16,), jnp.float32)
            return carry
        lax.fori_loop(0, K, zb, 0)
        for t in range(R_TILE // K):
            pltpu.sync_copy(rows_v, agg_sh.at[pl.ds(s * R_TILE + t * K, K)])
        plsc.subcore_barrier()

        pltpu.sync_copy(src_hbm.at[wid], src_v)
        pltpu.sync_copy(dst_hbm.at[wid], dst_v)

        def body(j, carry):
            pltpu.async_copy(h_hbm.at[src_v.at[j]], rows_v, sem).wait()
            pltpu.sync_copy(rows_v, agg_sh.at[dst_v.at[j]], add=True)
            return carry
        lax.fori_loop(0, NCHUNK, body, 0)

        plsc.subcore_barrier()
        pltpu.sync_copy(agg_sh.at[pl.ds(s * R_TILE, R_TILE)],
                        out_hbm.at[c, pl.ds(s * R_TILE, R_TILE)])

    return agg_kernel(h, src_r, dst_r)[:, :NN]



RW = 320
RW_PAD = RW + 16
BLK = 10000
NBLK = NE // BLK
GC = 80
CCAP = BLK + GC + 32
TRASH = CCAP - 1


def _edge_agg_ordered(h, src_f, dst_f):
    mesh = plsc.VectorSubcoreMesh(core_axis_name="c", subcore_axis_name="s")

    @functools.partial(
        pl.kernel,
        mesh=mesh,
        compiler_params=pltpu.CompilerParams(needs_layout_passes=False),
        out_type=jax.ShapeDtypeStruct((NW * RW, D), jnp.float32),
        scratch_types=[
            pltpu.VMEM((BLK,), jnp.int32),
            pltpu.VMEM((BLK,), jnp.int32),
            pltpu.VMEM((CCAP,), jnp.int32),
            pltpu.VMEM((CCAP,), jnp.int32),
            pltpu.VMEM((GC,), jnp.int32),
            pltpu.VMEM((GC,), jnp.int32),
            pltpu.VMEM((GC, D), jnp.float32),
            pltpu.VMEM_SHARED((NS * RW_PAD, D), jnp.float32),
            pltpu.SemaphoreType.DMA,
        ],
    )
    def agg_kernel(h_hbm, src_hbm, dst_hbm, out_hbm,
                   dvm, svm, cdst, csrc, d80, s80, rows_v, acc_sh, sem):
        c = lax.axis_index("c")
        s = lax.axis_index("s")
        wid = s * NC + c
        lo = wid * RW
        base = s * RW_PAD

        def zb(k, carry):
            rows_v[k // 8, pl.ds((k % 8) * 16, 16)] = jnp.zeros((16,), jnp.float32)
            return carry
        lax.fori_loop(0, GC * 8, zb, 0)
        for t in range(RW_PAD // GC):
            pltpu.sync_copy(rows_v, acc_sh.at[pl.ds(base + t * GC, GC)])
        pltpu.sync_copy(rows_v.at[pl.ds(0, RW_PAD % GC)],
                        acc_sh.at[pl.ds(base + (RW_PAD // GC) * GC, RW_PAD % GC)])

        def block(b, carry):
            pltpu.sync_copy(dst_hbm.at[pl.ds(b * BLK, BLK)], dvm)
            pltpu.sync_copy(src_hbm.at[pl.ds(b * BLK, BLK)], svm)

            def compact(i, off):
                d = dvm[pl.ds(i * 16, 16)]
                sv = svm[pl.ds(i * 16, 16)]
                m = (d >= lo) & (d < lo + RW)
                mi = m.astype(jnp.int32)
                pos = mi * (off - 1 + plsc.cumsum(mi)) + (1 - mi) * TRASH
                plsc.store_scatter(cdst, [pos], d - lo + base)
                plsc.store_scatter(csrc, [pos], sv)
                return off + jnp.sum(mi)
            off = lax.fori_loop(0, BLK // 16, compact, 0)

            for k in range(5):
                cdst[pl.ds(off + k * 16, 16)] = jnp.full((16,), RW, jnp.int32) + base
                csrc[pl.ds(off + k * 16, 16)] = jnp.zeros((16,), jnp.int32)

            def chunk(j, carry2):
                for k in range(GC // 16):
                    d80[pl.ds(k * 16, 16)] = cdst[pl.ds(j * GC + k * 16, 16)]
                    s80[pl.ds(k * 16, 16)] = csrc[pl.ds(j * GC + k * 16, 16)]
                pltpu.async_copy(h_hbm.at[s80], rows_v, sem).wait()
                pltpu.sync_copy(rows_v, acc_sh.at[d80], add=True)
                return carry2
            lax.fori_loop(0, (off + GC - 1) // GC, chunk, 0)
            return carry
        lax.fori_loop(0, NBLK, block, 0)

        pltpu.sync_copy(acc_sh.at[pl.ds(base, RW)], out_hbm.at[pl.ds(lo, RW)])

    return agg_kernel(h, src_f, dst_f)[:NN]



def _mm(z, W):
    return jnp.dot(z.astype(jnp.bfloat16), W.astype(jnp.bfloat16),
                   preferred_element_type=jnp.float32)


def _bn_cols(z, g, b):
    m = jnp.mean(z, axis=0, keepdims=True)
    v = jnp.mean((z - m) * (z - m), axis=0, keepdims=True)
    return g * (z - m) * lax.rsqrt(v + EPS) + b


def _gin_mlp(z, W1, b1, g1, be1, W2, b2):
    z = _mm(z, W1) + b1
    z = jnp.maximum(_bn_cols(z, g1, be1), 0.0)
    return _mm(z, W2) + b2


def _colsum_exact(sref, C):
    HB = NN // 16

    def half(base):
        def body(i, acc):
            return acc + sref[pl.ds((base + i) * 8, 8), :]
        return lax.fori_loop(0, HB, body, jnp.zeros((8, C), jnp.float32))

    def foldh(a):
        h = a[0:4] + a[4:8]
        h = h[0:2] + h[2:4]
        return h[0:1] + h[1:2]

    return foldh(half(0)) + foldh(half(HB))


def _bn_cols_exact(sref, z, g, b, C):
    m = _colsum_exact(sref, C) * jnp.float32(1.0 / NN)
    dev = z - m
    sref[...] = dev * dev
    v = _colsum_exact(sref, C) * jnp.float32(1.0 / NN)
    return g * dev / jnp.sqrt(v + EPS) + b


def _layer1_body(x_ref, a0, W1, b1, g1, be1, W2, b2, gbn, bbn, vn,
                 out_ref, s1, s2):
    z = x_ref[...] + a0[...]
    z = _mm(z, W1[...]) + b1[...]
    s1[...] = z
    z = jnp.maximum(_bn_cols_exact(s1, z, g1[...], be1[...], 2 * D), 0.0)
    z = _mm(z, W2[...]) + b2[...]
    s2[...] = z
    z = jnp.maximum(_bn_cols_exact(s2, z, gbn[...], bbn[...], D), 0.0)
    out_ref[...] = z + vn[...]


def _layer2_body(h, a0, W1, b1, g1, be1, W2, b2, gbn, bbn,
                 bcol, brow, vn, Wv1, bv1, gv1, bev1, Wv2, bv2, gv2, bev2,
                 out_ref):
    z = h[...] + a0[...]
    z = _gin_mlp(z, W1[...], b1[...], g1[...], be1[...], W2[...], b2[...])
    post = jnp.maximum(_bn_cols(z, gbn[...], bbn[...]), 0.0)
    oh = (bcol[...] == lax.broadcasted_iota(jnp.int32, (1, G), 1)
          ).astype(jnp.float32)
    ohT = (lax.broadcasted_iota(jnp.int32, (G, 1), 0) == brow[...]
           ).astype(jnp.float32)
    pooled = jnp.dot(ohT, post, preferred_element_type=jnp.float32, precision=lax.Precision.HIGHEST)
    v = pooled + vn[...]
    v = _mm(v, Wv1[...]) + bv1[...]
    v = jnp.maximum(_bn_cols(v, gv1[...], bev1[...]), 0.0)
    v = _mm(v, Wv2[...]) + bv2[...]
    v = jnp.maximum(_bn_cols(v, gv2[...], bev2[...]), 0.0)
    out_ref[...] = post + jnp.dot(oh, v, preferred_element_type=jnp.float32, precision=lax.Precision.HIGHEST)


def _layer3_body(h, a0, a1, W1, b1, g1, be1, W2, b2, gbn, bbn, brow,
                 out_ref):
    z = h[...] + a0[...] + a1[...]
    z = _gin_mlp(z, W1[...], b1[...], g1[...], be1[...], W2[...], b2[...])
    post = _bn_cols(z, gbn[...], bbn[...])
    ohT = (lax.broadcasted_iota(jnp.int32, (G, 1), 0) == brow[...]
           ).astype(jnp.float32)
    sums = jnp.dot(ohT, post, preferred_element_type=jnp.float32, precision=lax.Precision.HIGHEST)
    counts = jnp.sum(ohT, axis=1, keepdims=True)
    out_ref[...] = sums / jnp.maximum(counts, 1.0)


def _row(a):
    return a.reshape(1, -1)


def kernel(x, edge_index, batch, params):
    pad = NE_PAD - NE
    src_r = jnp.concatenate(
        [edge_index[0], jnp.zeros((pad,), jnp.int32)]).reshape(NW, NCHUNK, K)
    dst_r = jnp.concatenate(
        [edge_index[1], jnp.full((pad,), NN, jnp.int32)]).reshape(NW, NCHUNK, K)
    bcol = batch.reshape(NN, 1)
    brow = batch.reshape(1, NN)

    p1 = params["conv1"]
    bn1 = params["bn1"]
    vn = params["vn_emb"]
    vm = params["vmlp"]

    agg = _edge_agg_ordered(x, edge_index[0], edge_index[1])
    h2 = pl.pallas_call(
        _layer1_body,
        out_shape=jax.ShapeDtypeStruct((NN, D), jnp.float32),
        scratch_shapes=[pltpu.VMEM((NN, 2 * D), jnp.float32),
                        pltpu.VMEM((NN, D), jnp.float32)],
    )(x, agg,
      p1["W1"], _row(p1["b1"]), _row(p1["g1"]), _row(p1["be1"]),
      p1["W2"], _row(p1["b2"]), _row(bn1["g"]), _row(bn1["b"]), vn)

    p2 = params["convs"][0]
    bn2 = params["bns"][0]
    agg = _edge_agg_ordered(h2, edge_index[0], edge_index[1])
    h3 = pl.pallas_call(
        _layer2_body,
        out_shape=jax.ShapeDtypeStruct((NN, D), jnp.float32),
    )(h2, agg,
      p2["W1"], _row(p2["b1"]), _row(p2["g1"]), _row(p2["be1"]),
      p2["W2"], _row(p2["b2"]), _row(bn2["g"]), _row(bn2["b"]),
      bcol, brow, vn,
      vm["W1"], _row(vm["b1"]), _row(vm["g1"]), _row(vm["be1"]),
      vm["W2"], _row(vm["b2"]), _row(vm["g2"]), _row(vm["be2"]))

    p3 = params["convs"][1]
    bn3 = params["bns"][1]
    agg = _edge_agg(h3, src_r, dst_r)
    out = pl.pallas_call(
        _layer3_body,
        out_shape=jax.ShapeDtypeStruct((G, D), jnp.float32),
    )(h3, agg[0], agg[1],
      p3["W1"], _row(p3["b1"]), _row(p3["g1"]), _row(p3["be1"]),
      p3["W2"], _row(p3["b2"]), _row(bn3["g"]), _row(bn3["b"]), brow)
    return out

# --- scband reference (transcript-rebuilt; emitter-appended) ---
"""Pipeline reference for scband-v-ginencoder-15556371546340 (READ-ONLY COPY).

The authoritative reference and input builder live on the scoring server;
editing this copy changes nothing except your own understanding.
"""

import jax, jax.numpy as jnp
import numpy as np

N_NODES = 10000
N_EDGES = 320000
DIM_NODE = 128
DIM_HIDDEN = 128
N_LAYERS = 3
N_GRAPHS = 16
BN_EPS = 1e-5


def _linear(key, din, dout):
    kw, kb = jax.random.split(key)
    lim = 1.0 / np.sqrt(din)
    W = jax.random.uniform(kw, (din, dout), jnp.float32, -lim, lim)
    b = jax.random.uniform(kb, (dout,), jnp.float32, -lim, lim)
    return W, b


def _gin_mlp_params(key, din, dh):
    k1, k2 = jax.random.split(key)
    W1, b1 = _linear(k1, din, 2 * dh)
    W2, b2 = _linear(k2, 2 * dh, dh)
    return {"W1": W1, "b1": b1, "g1": jnp.ones(2 * dh, jnp.float32), "be1": jnp.zeros(2 * dh, jnp.float32), "W2": W2, "b2": b2}


def setup_inputs(seed: int = 0):
    key = jax.random.key(seed)
    ks = jax.random.split(key, 16)
    x = jax.random.normal(ks[0], (N_NODES, DIM_NODE), jnp.float32)
    edge_index = jax.random.randint(ks[1], (2, N_EDGES), 0, N_NODES, dtype=jnp.int32)
    batch = jnp.sort(jax.random.randint(ks[2], (N_NODES,), 0, N_GRAPHS, dtype=jnp.int32))
    batch = batch.at[0].set(0).at[-1].set(N_GRAPHS - 1)
    kv1, kv2 = jax.random.split(ks[9])
    Wv1, bv1 = _linear(kv1, DIM_HIDDEN, 2 * DIM_HIDDEN)
    Wv2, bv2 = _linear(kv2, 2 * DIM_HIDDEN, DIM_HIDDEN)
    params = {
        "conv1": _gin_mlp_params(ks[3], DIM_NODE, DIM_HIDDEN),
        "bn1": {"g": jnp.ones(DIM_HIDDEN, jnp.float32), "b": jnp.zeros(DIM_HIDDEN, jnp.float32)},
        "convs": [_gin_mlp_params(ks[4 + i], DIM_HIDDEN, DIM_HIDDEN) for i in range(N_LAYERS - 1)],
        "bns": [{"g": jnp.ones(DIM_HIDDEN, jnp.float32), "b": jnp.zeros(DIM_HIDDEN, jnp.float32)} for _ in range(N_LAYERS - 1)],
        "vn_emb": jax.random.normal(ks[8], (1, DIM_HIDDEN), jnp.float32),
        "vmlp": {"W1": Wv1, "b1": bv1, "g1": jnp.ones(2 * DIM_HIDDEN, jnp.float32), "be1": jnp.zeros(2 * DIM_HIDDEN, jnp.float32), "W2": Wv2, "b2": bv2, "g2": jnp.ones(DIM_HIDDEN, jnp.float32), "be2": jnp.zeros(DIM_HIDDEN, jnp.float32)},
    }
    return {"x": x, "edge_index": edge_index, "batch": batch, "params": params}


def _bn(h, g, b):
    m = jnp.mean(h, axis=0)
    v = jnp.var(h, axis=0)
    return g * (h - m) / jnp.sqrt(v + BN_EPS) + b


def _gin_conv(p, h, src, dst):
    # GINConv, eps=0: MLP(x + sum_{j in N(i)} x_j); gather + scatter-add
    agg = jnp.zeros(h.shape, h.dtype).at[dst].add(h[src])
    z = h + agg
    z = z @ p["W1"] + p["b1"]
    z = jax.nn.relu(_bn(z, p["g1"], p["be1"]))
    z = z @ p["W2"] + p["b2"]
    return z


def _vmlp(p, v):
    z = v @ p["W1"] + p["b1"]
    z = jax.nn.relu(_bn(z, p["g1"], p["be1"]))
    z = z @ p["W2"] + p["b2"]
    z = jax.nn.relu(_bn(z, p["g2"], p["be2"]))
    return z  # dropout is identity in eval


def _forward(x, params, edge_index, batch):
    src, dst = edge_index[0], edge_index[1]
    B = N_GRAPHS  # batch[-1] + 1 (forced in setup)
    # virtual_node_embedding(zeros(B)) -> row 0 broadcast to all graphs
    vfeat = params["vn_emb"][jnp.zeros((B,), jnp.int32)]
    post = jax.nn.relu(_bn(_gin_conv(params["conv1"], x, src, dst), params["bn1"]["g"], params["bn1"]["b"]))
    for i in range(N_LAYERS - 1):
        post = post + vfeat[batch]
        post = _bn(_gin_conv(params["convs"][i], post, src, dst), params["bns"][i]["g"], params["bns"][i]["b"])
        if i < N_LAYERS - 2:
            post = jax.nn.relu(post)
            pooled = jax.ops.segment_sum(post, batch, num_segments=B)
            vfeat = _vmlp(params["vmlp"], pooled + vfeat)
    # GlobalMeanPool readout
    sums = jax.ops.segment_sum(post, batch, num_segments=B)
    counts = jax.ops.segment_sum(jnp.ones((post.shape[0],), jnp.float32), batch, num_segments=B)
    return sums / jnp.maximum(counts, 1.0)[:, None]


def reference(x, edge_index, batch, params):
    return _forward(x, params, edge_index, batch)

if __name__ == "__main__":
    import jax
    _d = setup_inputs()
    print(jax.jit(kernel)(*tuple(_d.values())))

</pallas_src>

<mosaic_0001>
#map = affine_map<(d0, d1) -> (0, 0)>
#map1 = affine_map<(d0, d1) -> (0)>
module attributes {stable_mosaic.version = 14 : i64} {
  func.func @agg_kernel(%arg0: i32, %arg1: i32, %arg2: memref<10000x128xf32, #tpu.memory_space<hbm>>, %arg3: memref<320000xi32, #tpu.memory_space<hbm>>, %arg4: memref<320000xi32, #tpu.memory_space<hbm>>, %arg5: memref<10240x128xf32, #tpu.memory_space<hbm>>, %arg6: memref<10000xi32, #tpu.memory_space<vmem>>, %arg7: memref<10000xi32, #tpu.memory_space<vmem>>, %arg8: memref<10112xi32, #tpu.memory_space<vmem>>, %arg9: memref<10112xi32, #tpu.memory_space<vmem>>, %arg10: memref<80xi32, #tpu.memory_space<vmem>>, %arg11: memref<80xi32, #tpu.memory_space<vmem>>, %arg12: memref<80x128xf32, #tpu.memory_space<vmem>>, %arg13: memref<5376x128xf32, #tpu.memory_space<vmem_shared>>, %arg14: memref<!tpu.dma_semaphore, #tpu.memory_space<semaphore_mem>>) attributes {dimension_semantics = [#tpu.dimension_semantics<core_parallel>, #tpu.dimension_semantics<subcore_parallel>], iteration_bounds = array<i64: 2, 16>, scalar_prefetch = 0 : i64, scratch_operands = 9 : i64, tpu.core_type = #tpu.core_type<sc_vector_subcore>, window_params = [{transform_indices = #map}, {transform_indices = #map1}, {transform_indices = #map1}, {transform_indices = #map}]} {
    %mul3A = arith.constant 2 : i32
    %mul3A_0 = arith.muli %arg1, %mul3A : i32
    %add3A = arith.addi %mul3A_0, %arg0 : i32
    %mul3A_1 = arith.constant 320 : i32
    %mul3A_2 = arith.muli %add3A, %mul3A_1 : i32
    %mul3A_3 = arith.constant 336 : i32
    %mul3A_4 = arith.muli %arg1, %mul3A_3 : i32
    %scan3A = arith.constant 0 : i32
    %scan3A_5 = arith.constant 0 : i32
    %scan3A_6 = arith.constant 640 : i32
    %scan3A_7 = arith.addi %scan3A_5, %scan3A_6 : i32
    %scan3A_8 = arith.constant 1 : i32
    scf.for %scan3A_26 = %scan3A_5 to %scan3A_7 step %scan3A_8  : i32 {
      %broadcast_in_dim3A = arith.constant 0.000000e+00 : f32
      %broadcast_in_dim3A_27 = vector.broadcast %broadcast_in_dim3A : f32 to vector<16xf32>
      %jit3A = arith.constant 8 : i32
      %div3A = arith.divsi %scan3A_26, %jit3A : i32
      %sign3A = arith.constant 0 : i32
      %sign3A_28 = arith.cmpi sgt, %scan3A_26, %sign3A : i32
      %sign3A_29 = arith.extui %sign3A_28 : i1 to i32
      %sign3A_30 = arith.constant 0 : i32
      %sign3A_31 = arith.cmpi slt, %scan3A_26, %sign3A_30 : i32
      %sign3A_32 = arith.extui %sign3A_31 : i1 to i32
      %sign3A_33 = arith.subi %sign3A_29, %sign3A_32 : i32
      %sign3A_34 = arith.constant 0 : i32
      %sign3A_35 = arith.cmpi sgt, %jit3A, %sign3A_34 : i32
      %sign3A_36 = arith.extui %sign3A_35 : i1 to i32
      %sign3A_37 = arith.constant 0 : i32
      %sign3A_38 = arith.cmpi slt, %jit3A, %sign3A_37 : i32
      %sign3A_39 = arith.extui %sign3A_38 : i1 to i32
      %sign3A_40 = arith.subi %sign3A_36, %sign3A_39 : i32
      %ne3A = arith.cmpi ne, %sign3A_33, %sign3A_40 : i32
      %rem3A = arith.remsi %scan3A_26, %jit3A : i32
      %ne3A_41 = arith.constant 0 : i32
      %ne3A_42 = arith.cmpi ne, %rem3A, %ne3A_41 : i32
      %and3A = arith.andi %ne3A, %ne3A_42 : i1
      %sub3A = arith.constant 1 : i32
      %sub3A_43 = arith.subi %div3A, %sub3A : i32
      %select_n3A = arith.select %and3A, %sub3A_43, %div3A : i32
      %jit3A_44 = arith.constant 8 : i32
      %eq3A = arith.constant 0 : i32
      %eq3A_45 = arith.cmpi eq, %jit3A_44, %eq3A : i32
      %jit3A_46 = arith.constant 1 : i32
      %select_n3A_47 = arith.select %eq3A_45, %jit3A_46, %jit3A_44 : i32
      %rem3A_48 = arith.remsi %scan3A_26, %select_n3A_47 : i32
      %ne3A_49 = arith.constant 0 : i32
      %ne3A_50 = arith.cmpi ne, %rem3A_48, %ne3A_49 : i32
      %lt3A = arith.constant 0 : i32
      %lt3A_51 = arith.cmpi slt, %rem3A_48, %lt3A : i32
      %lt3A_52 = arith.constant 0 : i32
      %lt3A_53 = arith.cmpi slt, %select_n3A_47, %lt3A_52 : i32
      %ne3A_54 = arith.xori %lt3A_51, %lt3A_53 : i1
      %and3A_55 = arith.andi %ne3A_54, %ne3A_50 : i1
      %add3A_56 = arith.addi %rem3A_48, %select_n3A_47 : i32
      %select_n3A_57 = arith.select %and3A_55, %add3A_56, %rem3A_48 : i32
      %mul3A_58 = arith.constant 16 : i32
      %mul3A_59 = arith.muli %select_n3A_57, %mul3A_58 : i32
      %swap3A = arith.index_cast %select_n3A : i32 to index
      %swap3A_60 = arith.index_cast %mul3A_59 : i32 to index
      %swap3A_61 = tpu.vector_load %arg12[%swap3A, %swap3A_60] {strides = array<i32>} : memref<80x128xf32, #tpu.memory_space<vmem>>, vector<16xf32>,
      tpu.vector_store %arg12[%swap3A, %swap3A_60], %broadcast_in_dim3A_27 {strides = array<i32>} : memref<80x128xf32, #tpu.memory_space<vmem>>, vector<16xf32>,
    }
    %scan3A_9 = arith.constant 640 : i32
    %add3A_10 = arith.constant 0 : i32
    %add3A_11 = arith.addi %mul3A_4, %add3A_10 : i32
    "tpu.region"() ({
      %run_scoped3A = tpu.sem_alloc : memref<!tpu.dma_semaphore, #tpu.memory_space<semaphore_mem>>
      %dma_start3A = arith.constant 0 : i32
      %dma_start3A_26 = tpu.memref_slice %arg13[%add3A_11, %dma_start3A] : memref<5376x128xf32, #tpu.memory_space<vmem_shared>> -> memref<80x128xf32, #tpu.memory_space<vmem_shared>>
      %dma_start3A_27 = arith.constant 0 : i32
      %dma_start3A_28 = tpu.memref_slice %arg13[%add3A_11, %dma_start3A_27] : memref<5376x128xf32, #tpu.memory_space<vmem_shared>> -> memref<80x128xf32, #tpu.memory_space<vmem_shared>>
      tpu.enqueue_dma source(%arg12 : memref<80x128xf32, #tpu.memory_space<vmem>>) target(%dma_start3A_28 : memref<80x128xf32, #tpu.memory_space<vmem_shared>>) target_semaphore(%run_scoped3A : memref<!tpu.dma_semaphore, #tpu.memory_space<semaphore_mem>>)
      %dma_wait3A = arith.constant 0 : i32
      %dma_wait3A_29 = tpu.memref_slice %arg13[%add3A_11, %dma_wait3A] : memref<5376x128xf32, #tpu.memory_space<vmem_shared>> -> memref<80x128xf32, #tpu.memory_space<vmem_shared>>
      %dma_wait3A_30 = arith.constant 0 : i32
      %dma_wait3A_31 = tpu.memref_slice %arg13[%add3A_11, %dma_wait3A_30] : memref<5376x128xf32, #tpu.memory_space<vmem_shared>> -> memref<80x128xf32, #tpu.memory_space<vmem_shared>>
      tpu.wait_dma2 semaphore(%run_scoped3A : memref<!tpu.dma_semaphore, #tpu.memory_space<semaphore_mem>>) src(%arg12 : memref<80x128xf32, #tpu.memory_space<vmem>>) dst(%dma_wait3A_31 : memref<80x128xf32, #tpu.memory_space<vmem_shared>>)
      tpu.yield
    }) : () -> ()
    %add3A_12 = arith.constant 80 : i32
    %add3A_13 = arith.addi %mul3A_4, %add3A_12 : i32
    "tpu.region"() ({
      %run_scoped3A = tpu.sem_alloc : memref<!tpu.dma_semaphore, #tpu.memory_space<semaphore_mem>>
      %dma_start3A = arith.constant 0 : i32
      %dma_start3A_26 = tpu.memref_slice %arg13[%add3A_13, %dma_start3A] : memref<5376x128xf32, #tpu.memory_space<vmem_shared>> -> memref<80x128xf32, #tpu.memory_space<vmem_shared>>
      %dma_start3A_27 = arith.constant 0 : i32
      %dma_start3A_28 = tpu.memref_slice %arg13[%add3A_13, %dma_start3A_27] : memref<5376x128xf32, #tpu.memory_space<vmem_shared>> -> memref<80x128xf32, #tpu.memory_space<vmem_shared>>
      tpu.enqueue_dma source(%arg12 : memref<80x128xf32, #tpu.memory_space<vmem>>) target(%dma_start3A_28 : memref<80x128xf32, #tpu.memory_space<vmem_shared>>) target_semaphore(%run_scoped3A : memref<!tpu.dma_semaphore, #tpu.memory_space<semaphore_mem>>)
      %dma_wait3A = arith.constant 0 : i32
      %dma_wait3A_29 = tpu.memref_slice %arg13[%add3A_13, %dma_wait3A] : memref<5376x128xf32, #tpu.memory_space<vmem_shared>> -> memref<80x128xf32, #tpu.memory_space<vmem_shared>>
      %dma_wait3A_30 = arith.constant 0 : i32
      %dma_wait3A_31 = tpu.memref_slice %arg13[%add3A_13, %dma_wait3A_30] : memref<5376x128xf32, #tpu.memory_space<vmem_shared>> -> memref<80x128xf32, #tpu.memory_space<vmem_shared>>
      tpu.wait_dma2 semaphore(%run_scoped3A : memref<!tpu.dma_semaphore, #tpu.memory_space<semaphore_mem>>) src(%arg12 : memref<80x128xf32, #tpu.memory_space<vmem>>) dst(%dma_wait3A_31 : memref<80x128xf32, #tpu.memory_space<vmem_shared>>)
      tpu.yield
    }) : () -> ()
    %add3A_14 = arith.constant 160 : i32
    %add3A_15 = arith.addi %mul3A_4, %add3A_14 : i32
    "tpu.region"() ({
      %run_scoped3A = tpu.sem_alloc : memref<!tpu.dma_semaphore, #tpu.memory_space<semaphore_mem>>
      %dma_start3A = arith.constant 0 : i32
      %dma_start3A_26 = tpu.memref_slice %arg13[%add3A_15, %dma_start3A] : memref<5376x128xf32, #tpu.memory_space<vmem_shared>> -> memref<80x128xf32, #tpu.memory_space<vmem_shared>>
      %dma_start3A_27 = arith.constant 0 : i32
      %dma_start3A_28 = tpu.memref_slice %arg13[%add3A_15, %dma_start3A_27] : memref<5376x128xf32, #tpu.memory_space<vmem_shared>> -> memref<80x128xf32, #tpu.memory_space<vmem_shared>>
      tpu.enqueue_dma source(%arg12 : memref<80x128xf32, #tpu.memory_space<vmem>>) target(%dma_start3A_28 : memref<80x128xf32, #tpu.memory_space<vmem_shared>>) target_semaphore(%run_scoped3A : memref<!tpu.dma_semaphore, #tpu.memory_space<semaphore_mem>>)
      %dma_wait3A = arith.constant 0 : i32
      %dma_wait3A_29 = tpu.memref_slice %arg13[%add3A_15, %dma_wait3A] : memref<5376x128xf32, #tpu.memory_space<vmem_shared>> -> memref<80x128xf32, #tpu.memory_space<vmem_shared>>
      %dma_wait3A_30 = arith.constant 0 : i32
      %dma_wait3A_31 = tpu.memref_slice %arg13[%add3A_15, %dma_wait3A_30] : memref<5376x128xf32, #tpu.memory_space<vmem_shared>> -> memref<80x128xf32, #tpu.memory_space<vmem_shared>>
      tpu.wait_dma2 semaphore(%run_scoped3A : memref<!tpu.dma_semaphore, #tpu.memory_space<semaphore_mem>>) src(%arg12 : memref<80x128xf32, #tpu.memory_space<vmem>>) dst(%dma_wait3A_31 : memref<80x128xf32, #tpu.memory_space<vmem_shared>>)
      tpu.yield
    }) : () -> ()
    %add3A_16 = arith.constant 240 : i32
    %add3A_17 = arith.addi %mul3A_4, %add3A_16 : i32
    "tpu.region"() ({
      %run_scoped3A = tpu.sem_alloc : memref<!tpu.dma_semaphore, #tpu.memory_space<semaphore_mem>>
      %dma_start3A = arith.constant 0 : i32
      %dma_start3A_26 = tpu.memref_slice %arg13[%add3A_17, %dma_start3A] : memref<5376x128xf32, #tpu.memory_space<vmem_shared>> -> memref<80x128xf32, #tpu.memory_space<vmem_shared>>
      %dma_start3A_27 = arith.constant 0 : i32
      %dma_start3A_28 = tpu.memref_slice %arg13[%add3A_17, %dma_start3A_27] : memref<5376x128xf32, #tpu.memory_space<vmem_shared>> -> memref<80x128xf32, #tpu.memory_space<vmem_shared>>
      tpu.enqueue_dma source(%arg12 : memref<80x128xf32, #tpu.memory_space<vmem>>) target(%dma_start3A_28 : memref<80x128xf32, #tpu.memory_space<vmem_shared>>) target_semaphore(%run_scoped3A : memref<!tpu.dma_semaphore, #tpu.memory_space<semaphore_mem>>)
      %dma_wait3A = arith.constant 0 : i32
      %dma_wait3A_29 = tpu.memref_slice %arg13[%add3A_17, %dma_wait3A] : memref<5376x128xf32, #tpu.memory_space<vmem_shared>> -> memref<80x128xf32, #tpu.memory_space<vmem_shared>>
      %dma_wait3A_30 = arith.constant 0 : i32
      %dma_wait3A_31 = tpu.memref_slice %arg13[%add3A_17, %dma_wait3A_30] : memref<5376x128xf32, #tpu.memory_space<vmem_shared>> -> memref<80x128xf32, #tpu.memory_space<vmem_shared>>
      tpu.wait_dma2 semaphore(%run_scoped3A : memref<!tpu.dma_semaphore, #tpu.memory_space<semaphore_mem>>) src(%arg12 : memref<80x128xf32, #tpu.memory_space<vmem>>) dst(%dma_wait3A_31 : memref<80x128xf32, #tpu.memory_space<vmem_shared>>)
      tpu.yield
    }) : () -> ()
    %add3A_18 = arith.constant 320 : i32
    %add3A_19 = arith.addi %mul3A_4, %add3A_18 : i32
    "tpu.region"() ({
      %run_scoped3A = tpu.sem_alloc : memref<!tpu.dma_semaphore, #tpu.memory_space<semaphore_mem>>
      %dma_start3A = arith.constant 0 : i32
      %dma_start3A_26 = arith.constant 0 : i32
      %dma_start3A_27 = tpu.memref_slice %arg12[%dma_start3A, %dma_start3A_26] : memref<80x128xf32, #tpu.memory_space<vmem>> -> memref<16x128xf32, #tpu.memory_space<vmem>>
      %dma_start3A_28 = arith.constant 0 : i32
      %dma_start3A_29 = tpu.memref_slice %arg13[%add3A_19, %dma_start3A_28] : memref<5376x128xf32, #tpu.memory_space<vmem_shared>> -> memref<16x128xf32, #tpu.memory_space<vmem_shared>>
      %dma_start3A_30 = arith.constant 0 : i32
      %dma_start3A_31 = tpu.memref_slice %arg13[%add3A_19, %dma_start3A_30] : memref<5376x128xf32, #tpu.memory_space<vmem_shared>> -> memref<16x128xf32, #tpu.memory_space<vmem_shared>>
      %dma_start3A_32 = arith.constant 0 : i32
      %dma_start3A_33 = arith.constant 0 : i32
      %dma_start3A_34 = tpu.memref_slice %arg12[%dma_start3A_32, %dma_start3A_33] : memref<80x128xf32, #tpu.memory_space<vmem>> -> memref<16x128xf32, #tpu.memory_space<vmem>>
      tpu.enqueue_dma source(%dma_start3A_34 : memref<16x128xf32, #tpu.memory_space<vmem>>) target(%dma_start3A_31 : memref<16x128xf32, #tpu.memory_space<vmem_shared>>) target_semaphore(%run_scoped3A : memref<!tpu.dma_semaphore, #tpu.memory_space<semaphore_mem>>)
      %dma_wait3A = arith.constant 0 : i32
      %dma_wait3A_35 = arith.constant 0 : i32
      %dma_wait3A_36 = tpu.memref_slice %arg12[%dma_wait3A, %dma_wait3A_35] : memref<80x128xf32, #tpu.memory_space<vmem>> -> memref<16x128xf32, #tpu.memory_space<vmem>>
      %dma_wait3A_37 = arith.constant 0 : i32
      %dma_wait3A_38 = tpu.memref_slice %arg13[%add3A_19, %dma_wait3A_37] : memref<5376x128xf32, #tpu.memory_space<vmem_shared>> -> memref<16x128xf32, #tpu.memory_space<vmem_shared>>
      %dma_wait3A_39 = arith.constant 0 : i32
      %dma_wait3A_40 = tpu.memref_slice %arg13[%add3A_19, %dma_wait3A_39] : memref<5376x128xf32, #tpu.memory_space<vmem_shared>> -> memref<16x128xf32, #tpu.memory_space<vmem_shared>>
      %dma_wait3A_41 = arith.constant 0 : i32
      %dma_wait3A_42 = arith.constant 0 : i32
      %dma_wait3A_43 = tpu.memref_slice %arg12[%dma_wait3A_41, %dma_wait3A_42] : memref<80x128xf32, #tpu.memory_space<vmem>> -> memref<16x128xf32, #tpu.memory_space<vmem>>
      tpu.wait_dma2 semaphore(%run_scoped3A : memref<!tpu.dma_semaphore, #tpu.memory_space<semaphore_mem>>) src(%dma_wait3A_43 : memref<16x128xf32, #tpu.memory_space<vmem>>) dst(%dma_wait3A_40 : memref<16x128xf32, #tpu.memory_space<vmem_shared>>)
      tpu.yield
    }) : () -> ()
    %scan3A_20 = arith.constant 0 : i32
    %scan3A_21 = arith.constant 0 : i32
    %scan3A_22 = arith.constant 32 : i32
    %scan3A_23 = arith.addi %scan3A_21, %scan3A_22 : i32
    %scan3A_24 = arith.constant 1 : i32
    scf.for %scan3A_26 = %scan3A_21 to %scan3A_23 step %scan3A_24  : i32 {
      %mul3A_27 = arith.constant 10000 : i32
      %mul3A_28 = arith.muli %scan3A_26, %mul3A_27 : i32
      "tpu.region"() ({
        %run_scoped3A = tpu.sem_alloc : memref<!tpu.dma_semaphore, #tpu.memory_space<semaphore_mem>>
        %dma_start3A = tpu.memref_slice %arg4[%mul3A_28] : memref<320000xi32, #tpu.memory_space<hbm>> -> memref<10000xi32, #tpu.memory_space<hbm>>
        %dma_start3A_135 = tpu.memref_slice %arg4[%mul3A_28] : memref<320000xi32, #tpu.memory_space<hbm>> -> memref<10000xi32, #tpu.memory_space<hbm>>
        tpu.enqueue_dma source(%dma_start3A_135 : memref<10000xi32, #tpu.memory_space<hbm>>) target(%arg6 : memref<10000xi32, #tpu.memory_space<vmem>>) target_semaphore(%run_scoped3A : memref<!tpu.dma_semaphore, #tpu.memory_space<semaphore_mem>>)
        %dma_wait3A = tpu.memref_slice %arg4[%mul3A_28] : memref<320000xi32, #tpu.memory_space<hbm>> -> memref<10000xi32, #tpu.memory_space<hbm>>
        %dma_wait3A_136 = tpu.memref_slice %arg4[%mul3A_28] : memref<320000xi32, #tpu.memory_space<hbm>> -> memref<10000xi32, #tpu.memory_space<hbm>>
        tpu.wait_dma2 semaphore(%run_scoped3A : memref<!tpu.dma_semaphore, #tpu.memory_space<semaphore_mem>>) src(%dma_wait3A_136 : memref<10000xi32, #tpu.memory_space<hbm>>) dst(%arg6 : memref<10000xi32, #tpu.memory_space<vmem>>)
        tpu.yield
      }) : () -> ()
      %mul3A_29 = arith.constant 10000 : i32
      %mul3A_30 = arith.muli %scan3A_26, %mul3A_29 : i32
      "tpu.region"() ({
        %run_scoped3A = tpu.sem_alloc : memref<!tpu.dma_semaphore, #tpu.memory_space<semaphore_mem>>
        %dma_start3A = tpu.memref_slice %arg3[%mul3A_30] : memref<320000xi32, #tpu.memory_space<hbm>> -> memref<10000xi32, #tpu.memory_space<hbm>>
        %dma_start3A_135 = tpu.memref_slice %arg3[%mul3A_30] : memref<320000xi32, #tpu.memory_space<hbm>> -> memref<10000xi32, #tpu.memory_space<hbm>>
        tpu.enqueue_dma source(%dma_start3A_135 : memref<10000xi32, #tpu.memory_space<hbm>>) target(%arg7 : memref<10000xi32, #tpu.memory_space<vmem>>) target_semaphore(%run_scoped3A : memref<!tpu.dma_semaphore, #tpu.memory_space<semaphore_mem>>)
        %dma_wait3A = tpu.memref_slice %arg3[%mul3A_30] : memref<320000xi32, #tpu.memory_space<hbm>> -> memref<10000xi32, #tpu.memory_space<hbm>>
        %dma_wait3A_136 = tpu.memref_slice %arg3[%mul3A_30] : memref<320000xi32, #tpu.memory_space<hbm>> -> memref<10000xi32, #tpu.memory_space<hbm>>
        tpu.wait_dma2 semaphore(%run_scoped3A : memref<!tpu.dma_semaphore, #tpu.memory_space<semaphore_mem>>) src(%dma_wait3A_136 : memref<10000xi32, #tpu.memory_space<hbm>>) dst(%arg7 : memref<10000xi32, #tpu.memory_space<vmem>>)
        tpu.yield
      }) : () -> ()
      %scan3A_31 = arith.constant 0 : i32
      %scan3A_32 = arith.constant 0 : i32
      %scan3A_33 = arith.constant 625 : i32
      %scan3A_34 = arith.addi %scan3A_32, %scan3A_33 : i32
      %scan3A_35 = arith.constant 1 : i32
      %scan3A_36 = scf.for %scan3A_135 = %scan3A_32 to %scan3A_34 step %scan3A_35 iter_args(%scan3A_136 = %scan3A_31) -> (i32)  : i32 {
        %mul3A_137 = arith.constant 16 : i32
        %mul3A_138 = arith.muli %scan3A_135, %mul3A_137 : i32
        %get3A = arith.index_cast %mul3A_138 : i32 to index
        %get3A_139 = tpu.vector_load %arg6[%get3A] {strides = array<i32>} : memref<10000xi32, #tpu.memory_space<vmem>>, vector<16xi32>,
        %mul3A_140 = arith.constant 16 : i32
        %mul3A_141 = arith.muli %scan3A_135, %mul3A_140 : i32
        %get3A_142 = arith.index_cast %mul3A_141 : i32 to index
        %get3A_143 = tpu.vector_load %arg7[%get3A_142] {strides = array<i32>} : memref<10000xi32, #tpu.memory_space<vmem>>, vector<16xi32>,
        %ge3A = vector.broadcast %mul3A_2 : i32 to vector<16xi32>
        %ge3A_144 = arith.cmpi sge, %get3A_139, %ge3A : vector<16xi32>
        %add3A_145 = arith.constant 320 : i32
        %add3A_146 = arith.addi %mul3A_2, %add3A_145 : i32
        %lt3A = vector.broadcast %add3A_146 : i32 to vector<16xi32>
        %lt3A_147 = arith.cmpi slt, %get3A_139, %lt3A : vector<16xi32>
        %and3A_148 = arith.andi %ge3A_144, %lt3A_147 : vector<16xi1>
        %convert_element_type3A = arith.extui %and3A_148 : vector<16xi1> to vector<16xi32>
        %sub3A_149 = arith.constant 1 : i32
        %sub3A_150 = arith.subi %scan3A_136, %sub3A_149 : i32
        %broadcast_in_dim3A_151 = arith.constant true
        %broadcast_in_dim3A_152 = vector.broadcast %broadcast_in_dim3A_151 : i1 to vector<16xi1>
        %masked_cumsum3A = tpu.scan <sum>, %convert_element_type3A masked %broadcast_in_dim3A_152 : vector<16xi32>, vector<16xi1> -> vector<16xi32>
        %add3A_153 = vector.broadcast %sub3A_150 : i32 to vector<16xi32>
        %add3A_154 = arith.addi %add3A_153, %masked_cumsum3A : vector<16xi32>
        %mul3A_155 = arith.muli %convert_element_type3A, %add3A_154 : vector<16xi32>
        %sub3A_156 = arith.constant 1 : i32
        %sub3A_157 = vector.broadcast %sub3A_156 : i32 to vector<16xi32>
        %sub3A_158 = arith.subi %sub3A_157, %convert_element_type3A : vector<16xi32>
        %mul3A_159 = arith.constant 10111 : i32
        %mul3A_160 = vector.broadcast %mul3A_159 : i32 to vector<16xi32>
        %mul3A_161 = arith.muli %sub3A_158, %mul3A_160 : vector<16xi32>
        %add3A_162 = arith.addi %mul3A_155, %mul3A_161 : vector<16xi32>
        %sub3A_163 = vector.broadcast %mul3A_2 : i32 to vector<16xi32>
        %sub3A_164 = arith.subi %get3A_139, %sub3A_163 : vector<16xi32>
        %add3A_165 = vector.broadcast %mul3A_4 : i32 to vector<16xi32>
        %add3A_166 = arith.addi %sub3A_164, %add3A_165 : vector<16xi32>
        tpu.vector_store_idx %arg8[%add3A_162], %add3A_166 : memref<10112xi32, #tpu.memory_space<vmem>>[vector<16xi32>], vector<16xi32>,
        tpu.vector_store_idx %arg9[%add3A_162], %get3A_143 : memref<10112xi32, #tpu.memory_space<vmem>>[vector<16xi32>], vector<16xi32>,
        %reduce_sum3A = arith.constant true
        %reduce_sum3A_167 = vector.broadcast %reduce_sum3A : i1 to vector<16xi1>
        %reduce_sum3A_168 = tpu.scan <sum>, %convert_element_type3A masked %reduce_sum3A_167 : vector<16xi32>, vector<16xi1> -> vector<16xi32>
        %reduce_sum3A_169 = vector.extract %reduce_sum3A_168[15] : i32 from vector<16xi32>
        %add3A_170 = arith.addi %scan3A_136, %reduce_sum3A_169 : i32
        scf.yield %add3A_170 : i32
      }
      %scan3A_37 = arith.constant 625 : i32
      %broadcast_in_dim3A = arith.constant 320 : i32
      %broadcast_in_dim3A_38 = vector.broadcast %broadcast_in_dim3A : i32 to vector<16xi32>
      %add3A_39 = vector.broadcast %mul3A_4 : i32 to vector<16xi32>
      %add3A_40 = arith.addi %broadcast_in_dim3A_38, %add3A_39 : vector<16xi32>
      %add3A_41 = arith.constant 0 : i32
      %add3A_42 = arith.addi %scan3A_36, %add3A_41 : i32
      %swap3A = arith.index_cast %add3A_42 : i32 to index
      %swap3A_43 = tpu.vector_load %arg8[%swap3A] {strides = array<i32>} : memref<10112xi32, #tpu.memory_space<vmem>>, vector<16xi32>,
      tpu.vector_store %arg8[%swap3A], %add3A_40 {strides = array<i32>} : memref<10112xi32, #tpu.memory_space<vmem>>, vector<16xi32>,
      %broadcast_in_dim3A_44 = arith.constant 0 : i32
      %broadcast_in_dim3A_45 = vector.broadcast %broadcast_in_dim3A_44 : i32 to vector<16xi32>
      %add3A_46 = arith.constant 0 : i32
      %add3A_47 = arith.addi %scan3A_36, %add3A_46 : i32
      %swap3A_48 = arith.index_cast %add3A_47 : i32 to index
      %swap3A_49 = tpu.vector_load %arg9[%swap3A_48] {strides = array<i32>} : memref<10112xi32, #tpu.memory_space<vmem>>, vector<16xi32>,
      tpu.vector_store %arg9[%swap3A_48], %broadcast_in_dim3A_45 {strides = array<i32>} : memref<10112xi32, #tpu.memory_space<vmem>>, vector<16xi32>,
      %broadcast_in_dim3A_50 = arith.constant 320 : i32
      %broadcast_in_dim3A_51 = vector.broadcast %broadcast_in_dim3A_50 : i32 to vector<16xi32>
      %add3A_52 = vector.broadcast %mul3A_4 : i32 to vector<16xi32>
      %add3A_53 = arith.addi %broadcast_in_dim3A_51, %add3A_52 : vector<16xi32>
      %add3A_54 = arith.constant 16 : i32
      %add3A_55 = arith.addi %scan3A_36, %add3A_54 : i32
      %swap3A_56 = arith.index_cast %add3A_55 : i32 to index
      %swap3A_57 = tpu.vector_load %arg8[%swap3A_56] {strides = array<i32>} : memref<10112xi32, #tpu.memory_space<vmem>>, vector<16xi32>,
      tpu.vector_store %arg8[%swap3A_56], %add3A_53 {strides = array<i32>} : memref<10112xi32, #tpu.memory_space<vmem>>, vector<16xi32>,
      %broadcast_in_dim3A_58 = arith.constant 0 : i32
      %broadcast_in_dim3A_59 = vector.broadcast %broadcast_in_dim3A_58 : i32 to vector<16xi32>
      %add3A_60 = arith.constant 16 : i32
      %add3A_61 = arith.addi %scan3A_36, %add3A_60 : i32
      %swap3A_62 = arith.index_cast %add3A_61 : i32 to index
      %swap3A_63 = tpu.vector_load %arg9[%swap3A_62] {strides = array<i32>} : memref<10112xi32, #tpu.memory_space<vmem>>, vector<16xi32>,
      tpu.vector_store %arg9[%swap3A_62], %broadcast_in_dim3A_59 {strides = array<i32>} : memref<10112xi32, #tpu.memory_space<vmem>>, vector<16xi32>,
      %broadcast_in_dim3A_64 = arith.constant 320 : i32
      %broadcast_in_dim3A_65 = vector.broadcast %broadcast_in_dim3A_64 : i32 to vector<16xi32>
      %add3A_66 = vector.broadcast %mul3A_4 : i32 to vector<16xi32>
      %add3A_67 = arith.addi %broadcast_in_dim3A_65, %add3A_66 : vector<16xi32>
      %add3A_68 = arith.constant 32 : i32
      %add3A_69 = arith.addi %scan3A_36, %add3A_68 : i32
      %swap3A_70 = arith.index_cast %add3A_69 : i32 to index
      %swap3A_71 = tpu.vector_load %arg8[%swap3A_70] {strides = array<i32>} : memref<10112xi32, #tpu.memory_space<vmem>>, vector<16xi32>,
      tpu.vector_store %arg8[%swap3A_70], %add3A_67 {strides = array<i32>} : memref<10112xi32, #tpu.memory_space<vmem>>, vector<16xi32>,
      %broadcast_in_dim3A_72 = arith.constant 0 : i32
      %broadcast_in_dim3A_73 = vector.broadcast %broadcast_in_dim3A_72 : i32 to vector<16xi32>
      %add3A_74 = arith.constant 32 : i32
      %add3A_75 = arith.addi %scan3A_36, %add3A_74 : i32
      %swap3A_76 = arith.index_cast %add3A_75 : i32 to index
      %swap3A_77 = tpu.vector_load %arg9[%swap3A_76] {strides = array<i32>} : memref<10112xi32, #tpu.memory_space<vmem>>, vector<16xi32>,
      tpu.vector_store %arg9[%swap3A_76], %broadcast_in_dim3A_73 {strides = array<i32>} : memref<10112xi32, #tpu.memory_space<vmem>>, vector<16xi32>,
      %broadcast_in_dim3A_78 = arith.constant 320 : i32
      %broadcast_in_dim3A_79 = vector.broadcast %broadcast_in_dim3A_78 : i32 to vector<16xi32>
      %add3A_80 = vector.broadcast %mul3A_4 : i32 to vector<16xi32>
      %add3A_81 = arith.addi %broadcast_in_dim3A_79, %add3A_80 : vector<16xi32>
      %add3A_82 = arith.constant 48 : i32
      %add3A_83 = arith.addi %scan3A_36, %add3A_82 : i32
      %swap3A_84 = arith.index_cast %add3A_83 : i32 to index
      %swap3A_85 = tpu.vector_load %arg8[%swap3A_84] {strides = array<i32>} : memref<10112xi32, #tpu.memory_space<vmem>>, vector<16xi32>,
      tpu.vector_store %arg8[%swap3A_84], %add3A_81 {strides = array<i32>} : memref<10112xi32, #tpu.memory_space<vmem>>, vector<16xi32>,
      %broadcast_in_dim3A_86 = arith.constant 0 : i32
      %broadcast_in_dim3A_87 = vector.broadcast %broadcast_in_dim3A_86 : i32 to vector<16xi32>
      %add3A_88 = arith.constant 48 : i32
      %add3A_89 = arith.addi %scan3A_36, %add3A_88 : i32
      %swap3A_90 = arith.index_cast %add3A_89 : i32 to index
      %swap3A_91 = tpu.vector_load %arg9[%swap3A_90] {strides = array<i32>} : memref<10112xi32, #tpu.memory_space<vmem>>, vector<16xi32>,
      tpu.vector_store %arg9[%swap3A_90], %broadcast_in_dim3A_87 {strides = array<i32>} : memref<10112xi32, #tpu.memory_space<vmem>>, vector<16xi32>,
      %broadcast_in_dim3A_92 = arith.constant 320 : i32
      %broadcast_in_dim3A_93 = vector.broadcast %broadcast_in_dim3A_92 : i32 to vector<16xi32>
      %add3A_94 = vector.broadcast %mul3A_4 : i32 to vector<16xi32>
      %add3A_95 = arith.addi %broadcast_in_dim3A_93, %add3A_94 : vector<16xi32>
      %add3A_96 = arith.constant 64 : i32
      %add3A_97 = arith.addi %scan3A_36, %add3A_96 : i32
      %swap3A_98 = arith.index_cast %add3A_97 : i32 to index
      %swap3A_99 = tpu.vector_load %arg8[%swap3A_98] {strides = array<i32>} : memref<10112xi32, #tpu.memory_space<vmem>>, vector<16xi32>,
      tpu.vector_store %arg8[%swap3A_98], %add3A_95 {strides = array<i32>} : memref<10112xi32, #tpu.memory_space<vmem>>, vector<16xi32>,
      %broadcast_in_dim3A_100 = arith.constant 0 : i32
      %broadcast_in_dim3A_101 = vector.broadcast %broadcast_in_dim3A_100 : i32 to vector<16xi32>
      %add3A_102 = arith.constant 64 : i32
      %add3A_103 = arith.addi %scan3A_36, %add3A_102 : i32
      %swap3A_104 = arith.index_cast %add3A_103 : i32 to index
      %swap3A_105 = tpu.vector_load %arg9[%swap3A_104] {strides = array<i32>} : memref<10112xi32, #tpu.memory_space<vmem>>, vector<16xi32>,
      tpu.vector_store %arg9[%swap3A_104], %broadcast_in_dim3A_101 {strides = array<i32>} : memref<10112xi32, #tpu.memory_space<vmem>>, vector<16xi32>,
      %add3A_106 = arith.constant 80 : i32
      %add3A_107 = arith.addi %scan3A_36, %add3A_106 : i32
      %sub3A = arith.constant 1 : i32
      %sub3A_108 = arith.subi %add3A_107, %sub3A : i32
      %jit3A = arith.constant 80 : i32
      %div3A = arith.divsi %sub3A_108, %jit3A : i32
      %sign3A = arith.constant 0 : i32
      %sign3A_109 = arith.cmpi sgt, %sub3A_108, %sign3A : i32
      %sign3A_110 = arith.extui %sign3A_109 : i1 to i32
      %sign3A_111 = arith.constant 0 : i32
      %sign3A_112 = arith.cmpi slt, %sub3A_108, %sign3A_111 : i32
      %sign3A_113 = arith.extui %sign3A_112 : i1 to i32
      %sign3A_114 = arith.subi %sign3A_110, %sign3A_113 : i32
      %sign3A_115 = arith.constant 0 : i32
      %sign3A_116 = arith.cmpi sgt, %jit3A, %sign3A_115 : i32
      %sign3A_117 = arith.extui %sign3A_116 : i1 to i32
      %sign3A_118 = arith.constant 0 : i32
      %sign3A_119 = arith.cmpi slt, %jit3A, %sign3A_118 : i32
      %sign3A_120 = arith.extui %sign3A_119 : i1 to i32
      %sign3A_121 = arith.subi %sign3A_117, %sign3A_120 : i32
      %ne3A = arith.cmpi ne, %sign3A_114, %sign3A_121 : i32
      %rem3A = arith.remsi %sub3A_108, %jit3A : i32
      %ne3A_122 = arith.constant 0 : i32
      %ne3A_123 = arith.cmpi ne, %rem3A, %ne3A_122 : i32
      %and3A = arith.andi %ne3A, %ne3A_123 : i1
      %sub3A_124 = arith.constant 1 : i32
      %sub3A_125 = arith.subi %div3A, %sub3A_124 : i32
      %select_n3A = arith.select %and3A, %sub3A_125, %div3A : i32
      %while3A = arith.constant 0 : i32
      %while3A_126 = arith.constant 0 : i32
      %while3A_127 = arith.subi %select_n3A, %while3A_126 : i32
      %while3A_128 = arith.addi %while3A_126, %while3A_127 : i32
      %while3A_129 = arith.constant 1 : i32
      %while3A_130 = arith.divsi %while3A_127, %while3A_129 : i32
      %while3A_131 = arith.muli %while3A_130, %while3A_129 : i32
      %while3A_132 = arith.addi %while3A_126, %while3A_131 : i32
      %while3A_133 = arith.constant 1 : i32
      scf.for %while3A_135 = %while3A_126 to %while3A_132 step %while3A_133  : i32 {
        %mul3A_136 = arith.constant 80 : i32
        %mul3A_137 = arith.muli %while3A_135, %mul3A_136 : i32
        %add3A_138 = arith.constant 0 : i32
        %add3A_139 = arith.addi %mul3A_137, %add3A_138 : i32
        %get3A = arith.index_cast %add3A_139 : i32 to index
        %get3A_140 = tpu.vector_load %arg8[%get3A] {strides = array<i32>} : memref<10112xi32, #tpu.memory_space<vmem>>, vector<16xi32>,
        %swap3A_141 = arith.constant 0 : index
        %swap3A_142 = tpu.vector_load %arg10[%swap3A_141] {strides = array<i32>} : memref<80xi32, #tpu.memory_space<vmem>>, vector<16xi32>,
        tpu.vector_store %arg10[%swap3A_141], %get3A_140 {strides = array<i32>} : memref<80xi32, #tpu.memory_space<vmem>>, vector<16xi32>,
        %mul3A_143 = arith.constant 80 : i32
        %mul3A_144 = arith.muli %while3A_135, %mul3A_143 : i32
        %add3A_145 = arith.constant 0 : i32
        %add3A_146 = arith.addi %mul3A_144, %add3A_145 : i32
        %get3A_147 = arith.index_cast %add3A_146 : i32 to index
        %get3A_148 = tpu.vector_load %arg9[%get3A_147] {strides = array<i32>} : memref<10112xi32, #tpu.memory_space<vmem>>, vector<16xi32>,
        %swap3A_149 = arith.constant 0 : index
        %swap3A_150 = tpu.vector_load %arg11[%swap3A_149] {strides = array<i32>} : memref<80xi32, #tpu.memory_space<vmem>>, vector<16xi32>,
        tpu.vector_store %arg11[%swap3A_149], %get3A_148 {strides = array<i32>} : memref<80xi32, #tpu.memory_space<vmem>>, vector<16xi32>,
        %mul3A_151 = arith.constant 80 : i32
        %mul3A_152 = arith.muli %while3A_135, %mul3A_151 : i32
        %add3A_153 = arith.constant 16 : i32
        %add3A_154 = arith.addi %mul3A_152, %add3A_153 : i32
        %get3A_155 = arith.index_cast %add3A_154 : i32 to index
        %get3A_156 = tpu.vector_load %arg8[%get3A_155] {strides = array<i32>} : memref<10112xi32, #tpu.memory_space<vmem>>, vector<16xi32>,
        %swap3A_157 = arith.constant 16 : index
        %swap3A_158 = tpu.vector_load %arg10[%swap3A_157] {strides = array<i32>} : memref<80xi32, #tpu.memory_space<vmem>>, vector<16xi32>,
        tpu.vector_store %arg10[%swap3A_157], %get3A_156 {strides = array<i32>} : memref<80xi32, #tpu.memory_space<vmem>>, vector<16xi32>,
        %mul3A_159 = arith.constant 80 : i32
        %mul3A_160 = arith.muli %while3A_135, %mul3A_159 : i32
        %add3A_161 = arith.constant 16 : i32
        %add3A_162 = arith.addi %mul3A_160, %add3A_161 : i32
        %get3A_163 = arith.index_cast %add3A_162 : i32 to index
        %get3A_164 = tpu.vector_load %arg9[%get3A_163] {strides = array<i32>} : memref<10112xi32, #tpu.memory_space<vmem>>, vector<16xi32>,
        %swap3A_165 = arith.constant 16 : index
        %swap3A_166 = tpu.vector_load %arg11[%swap3A_165] {strides = array<i32>} : memref<80xi32, #tpu.memory_space<vmem>>, vector<16xi32>,
        tpu.vector_store %arg11[%swap3A_165], %get3A_164 {strides = array<i32>} : memref<80xi32, #tpu.memory_space<vmem>>, vector<16xi32>,
        %mul3A_167 = arith.constant 80 : i32
        %mul3A_168 = arith.muli %while3A_135, %mul3A_167 : i32
        %add3A_169 = arith.constant 32 : i32
        %add3A_170 = arith.addi %mul3A_168, %add3A_169 : i32
        %get3A_171 = arith.index_cast %add3A_170 : i32 to index
        %get3A_172 = tpu.vector_load %arg8[%get3A_171] {strides = array<i32>} : memref<10112xi32, #tpu.memory_space<vmem>>, vector<16xi32>,
        %swap3A_173 = arith.constant 32 : index
        %swap3A_174 = tpu.vector_load %arg10[%swap3A_173] {strides = array<i32>} : memref<80xi32, #tpu.memory_space<vmem>>, vector<16xi32>,
        tpu.vector_store %arg10[%swap3A_173], %get3A_172 {strides = array<i32>} : memref<80xi32, #tpu.memory_space<vmem>>, vector<16xi32>,
        %mul3A_175 = arith.constant 80 : i32
        %mul3A_176 = arith.muli %while3A_135, %mul3A_175 : i32
        %add3A_177 = arith.constant 32 : i32
        %add3A_178 = arith.addi %mul3A_176, %add3A_177 : i32
        %get3A_179 = arith.index_cast %add3A_178 : i32 to index
        %get3A_180 = tpu.vector_load %arg9[%get3A_179] {strides = array<i32>} : memref<10112xi32, #tpu.memory_space<vmem>>, vector<16xi32>,
        %swap3A_181 = arith.constant 32 : index
        %swap3A_182 = tpu.vector_load %arg11[%swap3A_181] {strides = array<i32>} : memref<80xi32, #tpu.memory_space<vmem>>, vector<16xi32>,
        tpu.vector_store %arg11[%swap3A_181], %get3A_180 {strides = array<i32>} : memref<80xi32, #tpu.memory_space<vmem>>, vector<16xi32>,
        %mul3A_183 = arith.constant 80 : i32
        %mul3A_184 = arith.muli %while3A_135, %mul3A_183 : i32
        %add3A_185 = arith.constant 48 : i32
        %add3A_186 = arith.addi %mul3A_184, %add3A_185 : i32
        %get3A_187 = arith.index_cast %add3A_186 : i32 to index
        %get3A_188 = tpu.vector_load %arg8[%get3A_187] {strides = array<i32>} : memref<10112xi32, #tpu.memory_space<vmem>>, vector<16xi32>,
        %swap3A_189 = arith.constant 48 : index
        %swap3A_190 = tpu.vector_load %arg10[%swap3A_189] {strides = array<i32>} : memref<80xi32, #tpu.memory_space<vmem>>, vector<16xi32>,
        tpu.vector_store %arg10[%swap3A_189], %get3A_188 {strides = array<i32>} : memref<80xi32, #tpu.memory_space<vmem>>, vector<16xi32>,
        %mul3A_191 = arith.constant 80 : i32
        %mul3A_192 = arith.muli %while3A_135, %mul3A_191 : i32
        %add3A_193 = arith.constant 48 : i32
        %add3A_194 = arith.addi %mul3A_192, %add3A_193 : i32
        %get3A_195 = arith.index_cast %add3A_194 : i32 to index
        %get3A_196 = tpu.vector_load %arg9[%get3A_195] {strides = array<i32>} : memref<10112xi32, #tpu.memory_space<vmem>>, vector<16xi32>,
        %swap3A_197 = arith.constant 48 : index
        %swap3A_198 = tpu.vector_load %arg11[%swap3A_197] {strides = array<i32>} : memref<80xi32, #tpu.memory_space<vmem>>, vector<16xi32>,
        tpu.vector_store %arg11[%swap3A_197], %get3A_196 {strides = array<i32>} : memref<80xi32, #tpu.memory_space<vmem>>, vector<16xi32>,
        %mul3A_199 = arith.constant 80 : i32
        %mul3A_200 = arith.muli %while3A_135, %mul3A_199 : i32
        %add3A_201 = arith.constant 64 : i32
        %add3A_202 = arith.addi %mul3A_200, %add3A_201 : i32
        %get3A_203 = arith.index_cast %add3A_202 : i32 to index
        %get3A_204 = tpu.vector_load %arg8[%get3A_203] {strides = array<i32>} : memref<10112xi32, #tpu.memory_space<vmem>>, vector<16xi32>,
        %swap3A_205 = arith.constant 64 : index
        %swap3A_206 = tpu.vector_load %arg10[%swap3A_205] {strides = array<i32>} : memref<80xi32, #tpu.memory_space<vmem>>, vector<16xi32>,
        tpu.vector_store %arg10[%swap3A_205], %get3A_204 {strides = array<i32>} : memref<80xi32, #tpu.memory_space<vmem>>, vector<16xi32>,
        %mul3A_207 = arith.constant 80 : i32
        %mul3A_208 = arith.muli %while3A_135, %mul3A_207 : i32
        %add3A_209 = arith.constant 64 : i32
        %add3A_210 = arith.addi %mul3A_208, %add3A_209 : i32
        %get3A_211 = arith.index_cast %add3A_210 : i32 to index
        %get3A_212 = tpu.vector_load %arg9[%get3A_211] {strides = array<i32>} : memref<10112xi32, #tpu.memory_space<vmem>>, vector<16xi32>,
        %swap3A_213 = arith.constant 64 : index
        %swap3A_214 = tpu.vector_load %arg11[%swap3A_213] {strides = array<i32>} : memref<80xi32, #tpu.memory_space<vmem>>, vector<16xi32>,
        tpu.vector_store %arg11[%swap3A_213], %get3A_212 {strides = array<i32>} : memref<80xi32, #tpu.memory_space<vmem>>, vector<16xi32>,
        %dma_start3A = arith.constant 0 : i32
        %dma_start3A_215 = arith.constant 0 : i32
        %dma_start3A_216 = tpu.memref_slice %arg2[%dma_start3A, %dma_start3A_215] : memref<10000x128xf32, #tpu.memory_space<hbm>> -> memref<10000x128xf32, #tpu.memory_space<hbm>>
        tpu.enqueue_indirect_dma source(%dma_start3A_216 : memref<10000x128xf32, #tpu.memory_space<hbm>>) target(%arg12 : memref<80x128xf32, #tpu.memory_space<vmem>>) offsets(%arg11 : memref<80xi32, #tpu.memory_space<vmem>>) semaphore(%arg14 : memref<!tpu.dma_semaphore, #tpu.memory_space<semaphore_mem>>)
        %dma_wait3A = arith.constant 0 : i32
        %dma_wait3A_217 = arith.constant 0 : i32
        %dma_wait3A_218 = tpu.memref_slice %arg2[%dma_wait3A, %dma_wait3A_217] : memref<10000x128xf32, #tpu.memory_space<hbm>> -> memref<10000x128xf32, #tpu.memory_space<hbm>>
        tpu.wait_indirect_dma semaphore(%arg14 : memref<!tpu.dma_semaphore, #tpu.memory_space<semaphore_mem>>) src(%dma_wait3A_218 : memref<10000x128xf32, #tpu.memory_space<hbm>>) dst(%arg12 : memref<80x128xf32, #tpu.memory_space<vmem>>)
        "tpu.region"() ({
          %run_scoped3A = tpu.sem_alloc : memref<!tpu.dma_semaphore, #tpu.memory_space<semaphore_mem>>
          %dma_start3A_219 = arith.constant 0 : i32
          %dma_start3A_220 = arith.constant 0 : i32
          %dma_start3A_221 = tpu.memref_slice %arg13[%dma_start3A_219, %dma_start3A_220] : memref<5376x128xf32, #tpu.memory_space<vmem_shared>> -> memref<5376x128xf32, #tpu.memory_space<vmem_shared>>
          tpu.enqueue_indirect_dma source(%arg12 : memref<80x128xf32, #tpu.memory_space<vmem>>) target(%dma_start3A_221 : memref<5376x128xf32, #tpu.memory_space<vmem_shared>>) offsets(%arg10 : memref<80xi32, #tpu.memory_space<vmem>>) semaphore(%run_scoped3A : memref<!tpu.dma_semaphore, #tpu.memory_space<semaphore_mem>>) {add = true}
          %dma_wait3A_222 = arith.constant 0 : i32
          %dma_wait3A_223 = arith.constant 0 : i32
          %dma_wait3A_224 = tpu.memref_slice %arg13[%dma_wait3A_222, %dma_wait3A_223] : memref<5376x128xf32, #tpu.memory_space<vmem_shared>> -> memref<5376x128xf32, #tpu.memory_space<vmem_shared>>
          tpu.wait_indirect_dma semaphore(%run_scoped3A : memref<!tpu.dma_semaphore, #tpu.memory_space<semaphore_mem>>) src(%arg12 : memref<80x128xf32, #tpu.memory_space<vmem>>) dst(%dma_wait3A_224 : memref<5376x128xf32, #tpu.memory_space<vmem_shared>>)
          tpu.yield
        }) : () -> ()
      }
      %while3A_134 = arith.constant 1 : i32
      scf.for %while3A_135 = %while3A_132 to %while3A_128 step %while3A_134  : i32 {
        %mul3A_136 = arith.constant 80 : i32
        %mul3A_137 = arith.muli %while3A_135, %mul3A_136 : i32
        %add3A_138 = arith.constant 0 : i32
        %add3A_139 = arith.addi %mul3A_137, %add3A_138 : i32
        %get3A = arith.index_cast %add3A_139 : i32 to index
        %get3A_140 = tpu.vector_load %arg8[%get3A] {strides = array<i32>} : memref<10112xi32, #tpu.memory_space<vmem>>, vector<16xi32>,
        %swap3A_141 = arith.constant 0 : index
        %swap3A_142 = tpu.vector_load %arg10[%swap3A_141] {strides = array<i32>} : memref<80xi32, #tpu.memory_space<vmem>>, vector<16xi32>,
        tpu.vector_store %arg10[%swap3A_141], %get3A_140 {strides = array<i32>} : memref<80xi32, #tpu.memory_space<vmem>>, vector<16xi32>,
        %mul3A_143 = arith.constant 80 : i32
        %mul3A_144 = arith.muli %while3A_135, %mul3A_143 : i32
        %add3A_145 = arith.constant 0 : i32
        %add3A_146 = arith.addi %mul3A_144, %add3A_145 : i32
        %get3A_147 = arith.index_cast %add3A_146 : i32 to index
        %get3A_148 = tpu.vector_load %arg9[%get3A_147] {strides = array<i32>} : memref<10112xi32, #tpu.memory_space<vmem>>, vector<16xi32>,
        %swap3A_149 = arith.constant 0 : index
        %swap3A_150 = tpu.vector_load %arg11[%swap3A_149] {strides = array<i32>} : memref<80xi32, #tpu.memory_space<vmem>>, vector<16xi32>,
        tpu.vector_store %arg11[%swap3A_149], %get3A_148 {strides = array<i32>} : memref<80xi32, #tpu.memory_space<vmem>>, vector<16xi32>,
        %mul3A_151 = arith.constant 80 : i32
        %mul3A_152 = arith.muli %while3A_135, %mul3A_151 : i32
        %add3A_153 = arith.constant 16 : i32
        %add3A_154 = arith.addi %mul3A_152, %add3A_153 : i32
        %get3A_155 = arith.index_cast %add3A_154 : i32 to index
        %get3A_156 = tpu.vector_load %arg8[%get3A_155] {strides = array<i32>} : memref<10112xi32, #tpu.memory_space<vmem>>, vector<16xi32>,
        %swap3A_157 = arith.constant 16 : index
        %swap3A_158 = tpu.vector_load %arg10[%swap3A_157] {strides = array<i32>} : memref<80xi32, #tpu.memory_space<vmem>>, vector<16xi32>,
        tpu.vector_store %arg10[%swap3A_157], %get3A_156 {strides = array<i32>} : memref<80xi32, #tpu.memory_space<vmem>>, vector<16xi32>,
        %mul3A_159 = arith.constant 80 : i32
        %mul3A_160 = arith.muli %while3A_135, %mul3A_159 : i32
        %add3A_161 = arith.constant 16 : i32
        %add3A_162 = arith.addi %mul3A_160, %add3A_161 : i32
        %get3A_163 = arith.index_cast %add3A_162 : i32 to index
        %get3A_164 = tpu.vector_load %arg9[%get3A_163] {strides = array<i32>} : memref<10112xi32, #tpu.memory_space<vmem>>, vector<16xi32>,
        %swap3A_165 = arith.constant 16 : index
        %swap3A_166 = tpu.vector_load %arg11[%swap3A_165] {strides = array<i32>} : memref<80xi32, #tpu.memory_space<vmem>>, vector<16xi32>,
        tpu.vector_store %arg11[%swap3A_165], %get3A_164 {strides = array<i32>} : memref<80xi32, #tpu.memory_space<vmem>>, vector<16xi32>,
        %mul3A_167 = arith.constant 80 : i32
        %mul3A_168 = arith.muli %while3A_135, %mul3A_167 : i32
        %add3A_169 = arith.constant 32 : i32
        %add3A_170 = arith.addi %mul3A_168, %add3A_169 : i32
        %get3A_171 = arith.index_cast %add3A_170 : i32 to index
        %get3A_172 = tpu.vector_load %arg8[%get3A_171] {strides = array<i32>} : memref<10112xi32, #tpu.memory_space<vmem>>, vector<16xi32>,
        %swap3A_173 = arith.constant 32 : index
        %swap3A_174 = tpu.vector_load %arg10[%swap3A_173] {strides = array<i32>} : memref<80xi32, #tpu.memory_space<vmem>>, vector<16xi32>,
        tpu.vector_store %arg10[%swap3A_173], %get3A_172 {strides = array<i32>} : memref<80xi32, #tpu.memory_space<vmem>>, vector<16xi32>,
        %mul3A_175 = arith.constant 80 : i32
        %mul3A_176 = arith.muli %while3A_135, %mul3A_175 : i32
        %add3A_177 = arith.constant 32 : i32
        %add3A_178 = arith.addi %mul3A_176, %add3A_177 : i32
        %get3A_179 = arith.index_cast %add3A_178 : i32 to index
        %get3A_180 = tpu.vector_load %arg9[%get3A_179] {strides = array<i32>} : memref<10112xi32, #tpu.memory_space<vmem>>, vector<16xi32>,
        %swap3A_181 = arith.constant 32 : index
        %swap3A_182 = tpu.vector_load %arg11[%swap3A_181] {strides = array<i32>} : memref<80xi32, #tpu.memory_space<vmem>>, vector<16xi32>,
        tpu.vector_store %arg11[%swap3A_181], %get3A_180 {strides = array<i32>} : memref<80xi32, #tpu.memory_space<vmem>>, vector<16xi32>,
        %mul3A_183 = arith.constant 80 : i32
        %mul3A_184 = arith.muli %while3A_135, %mul3A_183 : i32
        %add3A_185 = arith.constant 48 : i32
        %add3A_186 = arith.addi %mul3A_184, %add3A_185 : i32
        %get3A_187 = arith.index_cast %add3A_186 : i32 to index
        %get3A_188 = tpu.vector_load %arg8[%get3A_187] {strides = array<i32>} : memref<10112xi32, #tpu.memory_space<vmem>>, vector<16xi32>,
        %swap3A_189 = arith.constant 48 : index
        %swap3A_190 = tpu.vector_load %arg10[%swap3A_189] {strides = array<i32>} : memref<80xi32, #tpu.memory_space<vmem>>, vector<16xi32>,
        tpu.vector_store %arg10[%swap3A_189], %get3A_188 {strides = array<i32>} : memref<80xi32, #tpu.memory_space<vmem>>, vector<16xi32>,
        %mul3A_191 = arith.constant 80 : i32
        %mul3A_192 = arith.muli %while3A_135, %mul3A_191 : i32
        %add3A_193 = arith.constant 48 : i32
        %add3A_194 = arith.addi %mul3A_192, %add3A_193 : i32
        %get3A_195 = arith.index_cast %add3A_194 : i32 to index
        %get3A_196 = tpu.vector_load %arg9[%get3A_195] {strides = array<i32>} : memref<10112xi32, #tpu.memory_space<vmem>>, vector<16xi32>,
        %swap3A_197 = arith.constant 48 : index
        %swap3A_198 = tpu.vector_load %arg11[%swap3A_197] {strides = array<i32>} : memref<80xi32, #tpu.memory_space<vmem>>, vector<16xi32>,
        tpu.vector_store %arg11[%swap3A_197], %get3A_196 {strides = array<i32>} : memref<80xi32, #tpu.memory_space<vmem>>, vector<16xi32>,
        %mul3A_199 = arith.constant 80 : i32
        %mul3A_200 = arith.muli %while3A_135, %mul3A_199 : i32
        %add3A_201 = arith.constant 64 : i32
        %add3A_202 = arith.addi %mul3A_200, %add3A_201 : i32
        %get3A_203 = arith.index_cast %add3A_202 : i32 to index
        %get3A_204 = tpu.vector_load %arg8[%get3A_203] {strides = array<i32>} : memref<10112xi32, #tpu.memory_space<vmem>>, vector<16xi32>,
        %swap3A_205 = arith.constant 64 : index
        %swap3A_206 = tpu.vector_load %arg10[%swap3A_205] {strides = array<i32>} : memref<80xi32, #tpu.memory_space<vmem>>, vector<16xi32>,
        tpu.vector_store %arg10[%swap3A_205], %get3A_204 {strides = array<i32>} : memref<80xi32, #tpu.memory_space<vmem>>, vector<16xi32>,
        %mul3A_207 = arith.constant 80 : i32
        %mul3A_208 = arith.muli %while3A_135, %mul3A_207 : i32
        %add3A_209 = arith.constant 64 : i32
        %add3A_210 = arith.addi %mul3A_208, %add3A_209 : i32
        %get3A_211 = arith.index_cast %add3A_210 : i32 to index
        %get3A_212 = tpu.vector_load %arg9[%get3A_211] {strides = array<i32>} : memref<10112xi32, #tpu.memory_space<vmem>>, vector<16xi32>,
        %swap3A_213 = arith.constant 64 : index
        %swap3A_214 = tpu.vector_load %arg11[%swap3A_213] {strides = array<i32>} : memref<80xi32, #tpu.memory_space<vmem>>, vector<16xi32>,
        tpu.vector_store %arg11[%swap3A_213], %get3A_212 {strides = array<i32>} : memref<80xi32, #tpu.memory_space<vmem>>, vector<16xi32>,
        %dma_start3A = arith.constant 0 : i32
        %dma_start3A_215 = arith.constant 0 : i32
        %dma_start3A_216 = tpu.memref_slice %arg2[%dma_start3A, %dma_start3A_215] : memref<10000x128xf32, #tpu.memory_space<hbm>> -> memref<10000x128xf32, #tpu.memory_space<hbm>>
        tpu.enqueue_indirect_dma source(%dma_start3A_216 : memref<10000x128xf32, #tpu.memory_space<hbm>>) target(%arg12 : memref<80x128xf32, #tpu.memory_space<vmem>>) offsets(%arg11 : memref<80xi32, #tpu.memory_space<vmem>>) semaphore(%arg14 : memref<!tpu.dma_semaphore, #tpu.memory_space<semaphore_mem>>)
        %dma_wait3A = arith.constant 0 : i32
        %dma_wait3A_217 = arith.constant 0 : i32
        %dma_wait3A_218 = tpu.memref_slice %arg2[%dma_wait3A, %dma_wait3A_217] : memref<10000x128xf32, #tpu.memory_space<hbm>> -> memref<10000x128xf32, #tpu.memory_space<hbm>>
        tpu.wait_indirect_dma semaphore(%arg14 : memref<!tpu.dma_semaphore, #tpu.memory_space<semaphore_mem>>) src(%dma_wait3A_218 : memref<10000x128xf32, #tpu.memory_space<hbm>>) dst(%arg12 : memref<80x128xf32, #tpu.memory_space<vmem>>)
        "tpu.region"() ({
          %run_scoped3A = tpu.sem_alloc : memref<!tpu.dma_semaphore, #tpu.memory_space<semaphore_mem>>
          %dma_start3A_219 = arith.constant 0 : i32
          %dma_start3A_220 = arith.constant 0 : i32
          %dma_start3A_221 = tpu.memref_slice %arg13[%dma_start3A_219, %dma_start3A_220] : memref<5376x128xf32, #tpu.memory_space<vmem_shared>> -> memref<5376x128xf32, #tpu.memory_space<vmem_shared>>
          tpu.enqueue_indirect_dma source(%arg12 : memref<80x128xf32, #tpu.memory_space<vmem>>) target(%dma_start3A_221 : memref<5376x128xf32, #tpu.memory_space<vmem_shared>>) offsets(%arg10 : memref<80xi32, #tpu.memory_space<vmem>>) semaphore(%run_scoped3A : memref<!tpu.dma_semaphore, #tpu.memory_space<semaphore_mem>>) {add = true}
          %dma_wait3A_222 = arith.constant 0 : i32
          %dma_wait3A_223 = arith.constant 0 : i32
          %dma_wait3A_224 = tpu.memref_slice %arg13[%dma_wait3A_222, %dma_wait3A_223] : memref<5376x128xf32, #tpu.memory_space<vmem_shared>> -> memref<5376x128xf32, #tpu.memory_space<vmem_shared>>
          tpu.wait_indirect_dma semaphore(%run_scoped3A : memref<!tpu.dma_semaphore, #tpu.memory_space<semaphore_mem>>) src(%arg12 : memref<80x128xf32, #tpu.memory_space<vmem>>) dst(%dma_wait3A_224 : memref<5376x128xf32, #tpu.memory_space<vmem_shared>>)
          tpu.yield
        }) : () -> ()
      }
    }
    %scan3A_25 = arith.constant 32 : i32
    "tpu.region"() ({
      %run_scoped3A = tpu.sem_alloc : memref<!tpu.dma_semaphore, #tpu.memory_space<semaphore_mem>>
      %dma_start3A = arith.constant 0 : i32
      %dma_start3A_26 = tpu.memref_slice %arg5[%mul3A_2, %dma_start3A] : memref<10240x128xf32, #tpu.memory_space<hbm>> -> memref<320x128xf32, #tpu.memory_space<hbm>>
      %dma_start3A_27 = arith.constant 0 : i32
      %dma_start3A_28 = tpu.memref_slice %arg13[%mul3A_4, %dma_start3A_27] : memref<5376x128xf32, #tpu.memory_space<vmem_shared>> -> memref<320x128xf32, #tpu.memory_space<vmem_shared>>
      tpu.enqueue_dma source(%dma_start3A_28 : memref<320x128xf32, #tpu.memory_space<vmem_shared>>) target(%dma_start3A_26 : memref<320x128xf32, #tpu.memory_space<hbm>>) target_semaphore(%run_scoped3A : memref<!tpu.dma_semaphore, #tpu.memory_space<semaphore_mem>>)
      %dma_wait3A = arith.constant 0 : i32
      %dma_wait3A_29 = tpu.memref_slice %arg5[%mul3A_2, %dma_wait3A] : memref<10240x128xf32, #tpu.memory_space<hbm>> -> memref<320x128xf32, #tpu.memory_space<hbm>>
      %dma_wait3A_30 = arith.constant 0 : i32
      %dma_wait3A_31 = tpu.memref_slice %arg13[%mul3A_4, %dma_wait3A_30] : memref<5376x128xf32, #tpu.memory_space<vmem_shared>> -> memref<320x128xf32, #tpu.memory_space<vmem_shared>>
      tpu.wait_dma2 semaphore(%run_scoped3A : memref<!tpu.dma_semaphore, #tpu.memory_space<semaphore_mem>>) src(%dma_wait3A_31 : memref<320x128xf32, #tpu.memory_space<vmem_shared>>) dst(%dma_wait3A_29 : memref<320x128xf32, #tpu.memory_space<hbm>>)
      tpu.yield
    }) : () -> ()
    return
  }
}

#map = affine_map<(d0, d1) -> (0, 0)>
#map1 = affine_map<(d0, d1) -> (0)>
module attributes {stable_mosaic.version = 14 : i64} {
  func.func @agg_kernel(%arg0: i32, %arg1: i32, %arg2: memref<10000x128xf32, #tpu.memory_space<hbm>>, %arg3: memref<320000xi32, #tpu.memory_space<hbm>>, %arg4: memref<320000xi32, #tpu.memory_space<hbm>>, %arg5: memref<10240x128xf32, #tpu.memory_space<hbm>>, %arg6: memref<10000xi32, #tpu.memory_space<vmem>>, %arg7: memref<10000xi32, #tpu.memory_space<vmem>>, %arg8: memref<10112xi32, #tpu.memory_space<vmem>>, %arg9: memref<10112xi32, #tpu.memory_space<vmem>>, %arg10: memref<80xi32, #tpu.memory_space<vmem>>, %arg11: memref<80xi32, #tpu.memory_space<vmem>>, %arg12: memref<80x128xf32, #tpu.memory_space<vmem>>, %arg13: memref<5376x128xf32, #tpu.memory_space<vmem_shared>>, %arg14: memref<!tpu.dma_semaphore, #tpu.memory_space<semaphore_mem>>) attributes {dimension_semantics = [#tpu.dimension_semantics<core_parallel>, #tpu.dimension_semantics<subcore_parallel>], iteration_bounds = array<i64: 2, 16>, scalar_prefetch = 0 : i64, scratch_operands = 9 : i64, tpu.core_type = #tpu.core_type<sc_vector_subcore>, window_params = [{transform_indices = #map}, {transform_indices = #map1}, {transform_indices = #map1}, {transform_indices = #map}]} {
    %mul3A = arith.constant 2 : i32
    %mul3A_0 = arith.muli %arg1, %mul3A : i32
    %add3A = arith.addi %mul3A_0, %arg0 : i32
    %mul3A_1 = arith.constant 320 : i32
    %mul3A_2 = arith.muli %add3A, %mul3A_1 : i32
    %mul3A_3 = arith.constant 336 : i32
    %mul3A_4 = arith.muli %arg1, %mul3A_3 : i32
    %scan3A = arith.constant 0 : i32
    %scan3A_5 = arith.constant 0 : i32
    %scan3A_6 = arith.constant 640 : i32
    %scan3A_7 = arith.addi %scan3A_5, %scan3A_6 : i32
    %scan3A_8 = arith.constant 1 : i32
    scf.for %scan3A_26 = %scan3A_5 to %scan3A_7 step %scan3A_8  : i32 {
      %broadcast_in_dim3A = arith.constant 0.000000e+00 : f32
      %broadcast_in_dim3A_27 = vector.broadcast %broadcast_in_dim3A : f32 to vector<16xf32>
      %jit3A = arith.constant 8 : i32
      %div3A = arith.divsi %scan3A_26, %jit3A : i32
      %sign3A = arith.constant 0 : i32
      %sign3A_28 = arith.cmpi sgt, %scan3A_26, %sign3A : i32
      %sign3A_29 = arith.extui %sign3A_28 : i1 to i32
      %sign3A_30 = arith.constant 0 : i32
      %sign3A_31 = arith.cmpi slt, %scan3A_26, %sign3A_30 : i32
      %sign3A_32 = arith.extui %sign3A_31 : i1 to i32
      %sign3A_33 = arith.subi %sign3A_29, %sign3A_32 : i32
      %sign3A_34 = arith.constant 0 : i32
      %sign3A_35 = arith.cmpi sgt, %jit3A, %sign3A_34 : i32
      %sign3A_36 = arith.extui %sign3A_35 : i1 to i32
      %sign3A_37 = arith.constant 0 : i32
      %sign3A_38 = arith.cmpi slt, %jit3A, %sign3A_37 : i32
      %sign3A_39 = arith.extui %sign3A_38 : i1 to i32
      %sign3A_40 = arith.subi %sign3A_36, %sign3A_39 : i32
      %ne3A = arith.cmpi ne, %sign3A_33, %sign3A_40 : i32
      %rem3A = arith.remsi %scan3A_26, %jit3A : i32
      %ne3A_41 = arith.constant 0 : i32
      %ne3A_42 = arith.cmpi ne, %rem3A, %ne3A_41 : i32
      %and3A = arith.andi %ne3A, %ne3A_42 : i1
      %sub3A = arith.constant 1 : i32
      %sub3A_43 = arith.subi %div3A, %sub3A : i32
      %select_n3A = arith.select %and3A, %sub3A_43, %div3A : i32
      %jit3A_44 = arith.constant 8 : i32
      %eq3A = arith.constant 0 : i32
      %eq3A_45 = arith.cmpi eq, %jit3A_44, %eq3A : i32
      %jit3A_46 = arith.constant 1 : i32
      %select_n3A_47 = arith.select %eq3A_45, %jit3A_46, %jit3A_44 : i32
      %rem3A_48 = arith.remsi %scan3A_26, %select_n3A_47 : i32
      %ne3A_49 = arith.constant 0 : i32
      %ne3A_50 = arith.cmpi ne, %rem3A_48, %ne3A_49 : i32
      %lt3A = arith.constant 0 : i32
      %lt3A_51 = arith.cmpi slt, %rem3A_48, %lt3A : i32
      %lt3A_52 = arith.constant 0 : i32
      %lt3A_53 = arith.cmpi slt, %select_n3A_47, %lt3A_52 : i32
      %ne3A_54 = arith.xori %lt3A_51, %lt3A_53 : i1
      %and3A_55 = arith.andi %ne3A_54, %ne3A_50 : i1
      %add3A_56 = arith.addi %rem3A_48, %select_n3A_47 : i32
      %select_n3A_57 = arith.select %and3A_55, %add3A_56, %rem3A_48 : i32
      %mul3A_58 = arith.constant 16 : i32
      %mul3A_59 = arith.muli %select_n3A_57, %mul3A_58 : i32
      %swap3A = arith.index_cast %select_n3A : i32 to index
      %swap3A_60 = arith.index_cast %mul3A_59 : i32 to index
      %swap3A_61 = tpu.vector_load %arg12[%swap3A, %swap3A_60] {strides = array<i32>} : memref<80x128xf32, #tpu.memory_space<vmem>>, vector<16xf32>,
      tpu.vector_store %arg12[%swap3A, %swap3A_60], %broadcast_in_dim3A_27 {strides = array<i32>} : memref<80x128xf32, #tpu.memory_space<vmem>>, vector<16xf32>,
    }
    %scan3A_9 = arith.constant 640 : i32
    %add3A_10 = arith.constant 0 : i32
    %add3A_11 = arith.addi %mul3A_4, %add3A_10 : i32
    "tpu.region"() ({
      %run_scoped3A = tpu.sem_alloc : memref<!tpu.dma_semaphore, #tpu.memory_space<semaphore_mem>>
      %dma_start3A = arith.constant 0 : i32
      %dma_start3A_26 = tpu.memref_slice %arg13[%add3A_11, %dma_start3A] : memref<5376x128xf32, #tpu.memory_space<vmem_shared>> -> memref<80x128xf32, #tpu.memory_space<vmem_shared>>
      %dma_start3A_27 = arith.constant 0 : i32
      %dma_start3A_28 = tpu.memref_slice %arg13[%add3A_11, %dma_start3A_27] : memref<5376x128xf32, #tpu.memory_space<vmem_shared>> -> memref<80x128xf32, #tpu.memory_space<vmem_shared>>
      tpu.enqueue_dma source(%arg12 : memref<80x128xf32, #tpu.memory_space<vmem>>) target(%dma_start3A_28 : memref<80x128xf32, #tpu.memory_space<vmem_shared>>) target_semaphore(%run_scoped3A : memref<!tpu.dma_semaphore, #tpu.memory_space<semaphore_mem>>)
      %dma_wait3A = arith.constant 0 : i32
      %dma_wait3A_29 = tpu.memref_slice %arg13[%add3A_11, %dma_wait3A] : memref<5376x128xf32, #tpu.memory_space<vmem_shared>> -> memref<80x128xf32, #tpu.memory_space<vmem_shared>>
      %dma_wait3A_30 = arith.constant 0 : i32
      %dma_wait3A_31 = tpu.memref_slice %arg13[%add3A_11, %dma_wait3A_30] : memref<5376x128xf32, #tpu.memory_space<vmem_shared>> -> memref<80x128xf32, #tpu.memory_space<vmem_shared>>
      tpu.wait_dma2 semaphore(%run_scoped3A : memref<!tpu.dma_semaphore, #tpu.memory_space<semaphore_mem>>) src(%arg12 : memref<80x128xf32, #tpu.memory_space<vmem>>) dst(%dma_wait3A_31 : memref<80x128xf32, #tpu.memory_space<vmem_shared>>)
      tpu.yield
    }) : () -> ()
    %add3A_12 = arith.constant 80 : i32
    %add3A_13 = arith.addi %mul3A_4, %add3A_12 : i32
    "tpu.region"() ({
      %run_scoped3A = tpu.sem_alloc : memref<!tpu.dma_semaphore, #tpu.memory_space<semaphore_mem>>
      %dma_start3A = arith.constant 0 : i32
      %dma_start3A_26 = tpu.memref_slice %arg13[%add3A_13, %dma_start3A] : memref<5376x128xf32, #tpu.memory_space<vmem_shared>> -> memref<80x128xf32, #tpu.memory_space<vmem_shared>>
      %dma_start3A_27 = arith.constant 0 : i32
      %dma_start3A_28 = tpu.memref_slice %arg13[%add3A_13, %dma_start3A_27] : memref<5376x128xf32, #tpu.memory_space<vmem_shared>> -> memref<80x128xf32, #tpu.memory_space<vmem_shared>>
      tpu.enqueue_dma source(%arg12 : memref<80x128xf32, #tpu.memory_space<vmem>>) target(%dma_start3A_28 : memref<80x128xf32, #tpu.memory_space<vmem_shared>>) target_semaphore(%run_scoped3A : memref<!tpu.dma_semaphore, #tpu.memory_space<semaphore_mem>>)
      %dma_wait3A = arith.constant 0 : i32
      %dma_wait3A_29 = tpu.memref_slice %arg13[%add3A_13, %dma_wait3A] : memref<5376x128xf32, #tpu.memory_space<vmem_shared>> -> memref<80x128xf32, #tpu.memory_space<vmem_shared>>
      %dma_wait3A_30 = arith.constant 0 : i32
      %dma_wait3A_31 = tpu.memref_slice %arg13[%add3A_13, %dma_wait3A_30] : memref<5376x128xf32, #tpu.memory_space<vmem_shared>> -> memref<80x128xf32, #tpu.memory_space<vmem_shared>>
      tpu.wait_dma2 semaphore(%run_scoped3A : memref<!tpu.dma_semaphore, #tpu.memory_space<semaphore_mem>>) src(%arg12 : memref<80x128xf32, #tpu.memory_space<vmem>>) dst(%dma_wait3A_31 : memref<80x128xf32, #tpu.memory_space<vmem_shared>>)
      tpu.yield
    }) : () -> ()
    %add3A_14 = arith.constant 160 : i32
    %add3A_15 = arith.addi %mul3A_4, %add3A_14 : i32
    "tpu.region"() ({
      %run_scoped3A = tpu.sem_alloc : memref<!tpu.dma_semaphore, #tpu.memory_space<semaphore_mem>>
      %dma_start3A = arith.constant 0 : i32
      %dma_start3A_26 = tpu.memref_slice %arg13[%add3A_15, %dma_start3A] : memref<5376x128xf32, #tpu.memory_space<vmem_shared>> -> memref<80x128xf32, #tpu.memory_space<vmem_shared>>
      %dma_start3A_27 = arith.constant 0 : i32
      %dma_start3A_28 = tpu.memref_slice %arg13[%add3A_15, %dma_start3A_27] : memref<5376x128xf32, #tpu.memory_space<vmem_shared>> -> memref<80x128xf32, #tpu.memory_space<vmem_shared>>
      tpu.enqueue_dma source(%arg12 : memref<80x128xf32, #tpu.memory_space<vmem>>) target(%dma_start3A_28 : memref<80x128xf32, #tpu.memory_space<vmem_shared>>) target_semaphore(%run_scoped3A : memref<!tpu.dma_semaphore, #tpu.memory_space<semaphore_mem>>)
      %dma_wait3A = arith.constant 0 : i32
      %dma_wait3A_29 = tpu.memref_slice %arg13[%add3A_15, %dma_wait3A] : memref<5376x128xf32, #tpu.memory_space<vmem_shared>> -> memref<80x128xf32, #tpu.memory_space<vmem_shared>>
      %dma_wait3A_30 = arith.constant 0 : i32
      %dma_wait3A_31 = tpu.memref_slice %arg13[%add3A_15, %dma_wait3A_30] : memref<5376x128xf32, #tpu.memory_space<vmem_shared>> -> memref<80x128xf32, #tpu.memory_space<vmem_shared>>
      tpu.wait_dma2 semaphore(%run_scoped3A : memref<!tpu.dma_semaphore, #tpu.memory_space<semaphore_mem>>) src(%arg12 : memref<80x128xf32, #tpu.memory_space<vmem>>) dst(%dma_wait3A_31 : memref<80x128xf32, #tpu.memory_space<vmem_shared>>)
      tpu.yield
    }) : () -> ()
    %add3A_16 = arith.constant 240 : i32
    %add3A_17 = arith.addi %mul3A_4, %add3A_16 : i32
    "tpu.region"() ({
      %run_scoped3A = tpu.sem_alloc : memref<!tpu.dma_semaphore, #tpu.memory_space<semaphore_mem>>
      %dma_start3A = arith.constant 0 : i32
      %dma_start3A_26 = tpu.memref_slice %arg13[%add3A_17, %dma_start3A] : memref<5376x128xf32, #tpu.memory_space<vmem_shared>> -> memref<80x128xf32, #tpu.memory_space<vmem_shared>>
      %dma_start3A_27 = arith.constant 0 : i32
      %dma_start3A_28 = tpu.memref_slice %arg13[%add3A_17, %dma_start3A_27] : memref<5376x128xf32, #tpu.memory_space<vmem_shared>> -> memref<80x128xf32, #tpu.memory_space<vmem_shared>>
      tpu.enqueue_dma source(%arg12 : memref<80x128xf32, #tpu.memory_space<vmem>>) target(%dma_start3A_28 : memref<80x128xf32, #tpu.memory_space<vmem_shared>>) target_semaphore(%run_scoped3A : memref<!tpu.dma_semaphore, #tpu.memory_space<semaphore_mem>>)
      %dma_wait3A = arith.constant 0 : i32
      %dma_wait3A_29 = tpu.memref_slice %arg13[%add3A_17, %dma_wait3A] : memref<5376x128xf32, #tpu.memory_space<vmem_shared>> -> memref<80x128xf32, #tpu.memory_space<vmem_shared>>
      %dma_wait3A_30 = arith.constant 0 : i32
      %dma_wait3A_31 = tpu.memref_slice %arg13[%add3A_17, %dma_wait3A_30] : memref<5376x128xf32, #tpu.memory_space<vmem_shared>> -> memref<80x128xf32, #tpu.memory_space<vmem_shared>>
      tpu.wait_dma2 semaphore(%run_scoped3A : memref<!tpu.dma_semaphore, #tpu.memory_space<semaphore_mem>>) src(%arg12 : memref<80x128xf32, #tpu.memory_space<vmem>>) dst(%dma_wait3A_31 : memref<80x128xf32, #tpu.memory_space<vmem_shared>>)
      tpu.yield
    }) : () -> ()
    %add3A_18 = arith.constant 320 : i32
    %add3A_19 = arith.addi %mul3A_4, %add3A_18 : i32
    "tpu.region"() ({
      %run_scoped3A = tpu.sem_alloc : memref<!tpu.dma_semaphore, #tpu.memory_space<semaphore_mem>>
      %dma_start3A = arith.constant 0 : i32
      %dma_start3A_26 = arith.constant 0 : i32
      %dma_start3A_27 = tpu.memref_slice %arg12[%dma_start3A, %dma_start3A_26] : memref<80x128xf32, #tpu.memory_space<vmem>> -> memref<16x128xf32, #tpu.memory_space<vmem>>
      %dma_start3A_28 = arith.constant 0 : i32
      %dma_start3A_29 = tpu.memref_slice %arg13[%add3A_19, %dma_start3A_28] : memref<5376x128xf32, #tpu.memory_space<vmem_shared>> -> memref<16x128xf32, #tpu.memory_space<vmem_shared>>
      %dma_start3A_30 = arith.constant 0 : i32
      %dma_start3A_31 = tpu.memref_slice %arg13[%add3A_19, %dma_start3A_30] : memref<5376x128xf32, #tpu.memory_space<vmem_shared>> -> memref<16x128xf32, #tpu.memory_space<vmem_shared>>
      %dma_start3A_32 = arith.constant 0 : i32
      %dma_start3A_33 = arith.constant 0 : i32
      %dma_start3A_34 = tpu.memref_slice %arg12[%dma_start3A_32, %dma_start3A_33] : memref<80x128xf32, #tpu.memory_space<vmem>> -> memref<16x128xf32, #tpu.memory_space<vmem>>
      tpu.enqueue_dma source(%dma_start3A_34 : memref<16x128xf32, #tpu.memory_space<vmem>>) target(%dma_start3A_31 : memref<16x128xf32, #tpu.memory_space<vmem_shared>>) target_semaphore(%run_scoped3A : memref<!tpu.dma_semaphore, #tpu.memory_space<semaphore_mem>>)
      %dma_wait3A = arith.constant 0 : i32
      %dma_wait3A_35 = arith.constant 0 : i32
      %dma_wait3A_36 = tpu.memref_slice %arg12[%dma_wait3A, %dma_wait3A_35] : memref<80x128xf32, #tpu.memory_space<vmem>> -> memref<16x128xf32, #tpu.memory_space<vmem>>
      %dma_wait3A_37 = arith.constant 0 : i32
      %dma_wait3A_38 = tpu.memref_slice %arg13[%add3A_19, %dma_wait3A_37] : memref<5376x128xf32, #tpu.memory_space<vmem_shared>> -> memref<16x128xf32, #tpu.memory_space<vmem_shared>>
      %dma_wait3A_39 = arith.constant 0 : i32
      %dma_wait3A_40 = tpu.memref_slice %arg13[%add3A_19, %dma_wait3A_39] : memref<5376x128xf32, #tpu.memory_space<vmem_shared>> -> memref<16x128xf32, #tpu.memory_space<vmem_shared>>
      %dma_wait3A_41 = arith.constant 0 : i32
      %dma_wait3A_42 = arith.constant 0 : i32
      %dma_wait3A_43 = tpu.memref_slice %arg12[%dma_wait3A_41, %dma_wait3A_42] : memref<80x128xf32, #tpu.memory_space<vmem>> -> memref<16x128xf32, #tpu.memory_space<vmem>>
      tpu.wait_dma2 semaphore(%run_scoped3A : memref<!tpu.dma_semaphore, #tpu.memory_space<semaphore_mem>>) src(%dma_wait3A_43 : memref<16x128xf32, #tpu.memory_space<vmem>>) dst(%dma_wait3A_40 : memref<16x128xf32, #tpu.memory_space<vmem_shared>>)
      tpu.yield
    }) : () -> ()
    %scan3A_20 = arith.constant 0 : i32
    %scan3A_21 = arith.constant 0 : i32
    %scan3A_22 = arith.constant 32 : i32
    %scan3A_23 = arith.addi %scan3A_21, %scan3A_22 : i32
    %scan3A_24 = arith.constant 1 : i32
    scf.for %scan3A_26 = %scan3A_21 to %scan3A_23 step %scan3A_24  : i32 {
      %mul3A_27 = arith.constant 10000 : i32
      %mul3A_28 = arith.muli %scan3A_26, %mul3A_27 : i32
      "tpu.region"() ({
        %run_scoped3A = tpu.sem_alloc : memref<!tpu.dma_semaphore, #tpu.memory_space<semaphore_mem>>
        %dma_start3A = tpu.memref_slice %arg4[%mul3A_28] : memref<320000xi32, #tpu.memory_space<hbm>> -> memref<10000xi32, #tpu.memory_space<hbm>>
        %dma_start3A_135 = tpu.memref_slice %arg4[%mul3A_28] : memref<320000xi32, #tpu.memory_space<hbm>> -> memref<10000xi32, #tpu.memory_space<hbm>>
        tpu.enqueue_dma source(%dma_start3A_135 : memref<10000xi32, #tpu.memory_space<hbm>>) target(%arg6 : memref<10000xi32, #tpu.memory_space<vmem>>) target_semaphore(%run_scoped3A : memref<!tpu.dma_semaphore, #tpu.memory_space<semaphore_mem>>)
        %dma_wait3A = tpu.memref_slice %arg4[%mul3A_28] : memref<320000xi32, #tpu.memory_space<hbm>> -> memref<10000xi32, #tpu.memory_space<hbm>>
        %dma_wait3A_136 = tpu.memref_slice %arg4[%mul3A_28] : memref<320000xi32, #tpu.memory_space<hbm>> -> memref<10000xi32, #tpu.memory_space<hbm>>
        tpu.wait_dma2 semaphore(%run_scoped3A : memref<!tpu.dma_semaphore, #tpu.memory_space<semaphore_mem>>) src(%dma_wait3A_136 : memref<10000xi32, #tpu.memory_space<hbm>>) dst(%arg6 : memref<10000xi32, #tpu.memory_space<vmem>>)
        tpu.yield
      }) : () -> ()
      %mul3A_29 = arith.constant 10000 : i32
      %mul3A_30 = arith.muli %scan3A_26, %mul3A_29 : i32
      "tpu.region"() ({
        %run_scoped3A = tpu.sem_alloc : memref<!tpu.dma_semaphore, #tpu.memory_space<semaphore_mem>>
        %dma_start3A = tpu.memref_slice %arg3[%mul3A_30] : memref<320000xi32, #tpu.memory_space<hbm>> -> memref<10000xi32, #tpu.memory_space<hbm>>
        %dma_start3A_135 = tpu.memref_slice %arg3[%mul3A_30] : memref<320000xi32, #tpu.memory_space<hbm>> -> memref<10000xi32, #tpu.memory_space<hbm>>
        tpu.enqueue_dma source(%dma_start3A_135 : memref<10000xi32, #tpu.memory_space<hbm>>) target(%arg7 : memref<10000xi32, #tpu.memory_space<vmem>>) target_semaphore(%run_scoped3A : memref<!tpu.dma_semaphore, #tpu.memory_space<semaphore_mem>>)
        %dma_wait3A = tpu.memref_slice %arg3[%mul3A_30] : memref<320000xi32, #tpu.memory_space<hbm>> -> memref<10000xi32, #tpu.memory_space<hbm>>
        %dma_wait3A_136 = tpu.memref_slice %arg3[%mul3A_30] : memref<320000xi32, #tpu.memory_space<hbm>> -> memref<10000xi32, #tpu.memory_space<hbm>>
        tpu.wait_dma2 semaphore(%run_scoped3A : memref<!tpu.dma_semaphore, #tpu.memory_space<semaphore_mem>>) src(%dma_wait3A_136 : memref<10000xi32, #tpu.memory_space<hbm>>) dst(%arg7 : memref<10000xi32, #tpu.memory_space<vmem>>)
        tpu.yield
      }) : () -> ()
      %scan3A_31 = arith.constant 0 : i32
      %scan3A_32 = arith.constant 0 : i32
      %scan3A_33 = arith.constant 625 : i32
      %scan3A_34 = arith.addi %scan3A_32, %scan3A_33 : i32
      %scan3A_35 = arith.constant 1 : i32
      %scan3A_36 = scf.for %scan3A_135 = %scan3A_32 to %scan3A_34 step %scan3A_35 iter_args(%scan3A_136 = %scan3A_31) -> (i32)  : i32 {
        %mul3A_137 = arith.constant 16 : i32
        %mul3A_138 = arith.muli %scan3A_135, %mul3A_137 : i32
        %get3A = arith.index_cast %mul3A_138 : i32 to index
        %get3A_139 = tpu.vector_load %arg6[%get3A] {strides = array<i32>} : memref<10000xi32, #tpu.memory_space<vmem>>, vector<16xi32>,
        %mul3A_140 = arith.constant 16 : i32
        %mul3A_141 = arith.muli %scan3A_135, %mul3A_140 : i32
        %get3A_142 = arith.index_cast %mul3A_141 : i32 to index
        %get3A_143 = tpu.vector_load %arg7[%get3A_142] {strides = array<i32>} : memref<10000xi32, #tpu.memory_space<vmem>>, vector<16xi32>,
        %ge3A = vector.broadcast %mul3A_2 : i32 to vector<16xi32>
        %ge3A_144 = arith.cmpi sge, %get3A_139, %ge3A : vector<16xi32>
        %add3A_145 = arith.constant 320 : i32
        %add3A_146 = arith.addi %mul3A_2, %add3A_145 : i32
        %lt3A = vector.broadcast %add3A_146 : i32 to vector<16xi32>
        %lt3A_147 = arith.cmpi slt, %get3A_139, %lt3A : vector<16xi32>
        %and3A_148 = arith.andi %ge3A_144, %lt3A_147 : vector<16xi1>
        %convert_element_type3A = arith.extui %and3A_148 : vector<16xi1> to vector<16xi32>
        %sub3A_149 = arith.constant 1 : i32
        %sub3A_150 = arith.subi %scan3A_136, %sub3A_149 : i32
        %broadcast_in_dim3A_151 = arith.constant true
        %broadcast_in_dim3A_152 = vector.broadcast %broadcast_in_dim3A_151 : i1 to vector<16xi1>
        %masked_cumsum3A = tpu.scan <sum>, %convert_element_type3A masked %broadcast_in_dim3A_152 : vector<16xi32>, vector<16xi1> -> vector<16xi32>
        %add3A_153 = vector.broadcast %sub3A_150 : i32 to vector<16xi32>
        %add3A_154 = arith.addi %add3A_153, %masked_cumsum3A : vector<16xi32>
        %mul3A_155 = arith.muli %convert_element_type3A, %add3A_154 : vector<16xi32>
        %sub3A_156 = arith.constant 1 : i32
        %sub3A_157 = vector.broadcast %sub3A_156 : i32 to vector<16xi32>
        %sub3A_158 = arith.subi %sub3A_157, %convert_element_type3A : vector<16xi32>
        %mul3A_159 = arith.constant 10111 : i32
        %mul3A_160 = vector.broadcast %mul3A_159 : i32 to vector<16xi32>
        %mul3A_161 = arith.muli %sub3A_158, %mul3A_160 : vector<16xi32>
        %add3A_162 = arith.addi %mul3A_155, %mul3A_161 : vector<16xi32>
        %sub3A_163 = vector.broadcast %mul3A_2 : i32 to vector<16xi32>
        %sub3A_164 = arith.subi %get3A_139, %sub3A_163 : vector<16xi32>
        %add3A_165 = vector.broadcast %mul3A_4 : i32 to vector<16xi32>
        %add3A_166 = arith.addi %sub3A_164, %add3A_165 : vector<16xi32>
        tpu.vector_store_idx %arg8[%add3A_162], %add3A_166 : memref<10112xi32, #tpu.memory_space<vmem>>[vector<16xi32>], vector<16xi32>,
        tpu.vector_store_idx %arg9[%add3A_162], %get3A_143 : memref<10112xi32, #tpu.memory_space<vmem>>[vector<16xi32>], vector<16xi32>,
        %reduce_sum3A = arith.constant true
        %reduce_sum3A_167 = vector.broadcast %reduce_sum3A : i1 to vector<16xi1>
        %reduce_sum3A_168 = tpu.scan <sum>, %convert_element_type3A masked %reduce_sum3A_167 : vector<16xi32>, vector<16xi1> -> vector<16xi32>
        %reduce_sum3A_169 = vector.extract %reduce_sum3A_168[15] : i32 from vector<16xi32>
        %add3A_170 = arith.addi %scan3A_136, %reduce_sum3A_169 : i32
        scf.yield %add3A_170 : i32
      }
      %scan3A_37 = arith.constant 625 : i32
      %broadcast_in_dim3A = arith.constant 320 : i32
      %broadcast_in_dim3A_38 = vector.broadcast %broadcast_in_dim3A : i32 to vector<16xi32>
      %add3A_39 = vector.broadcast %mul3A_4 : i32 to vector<16xi32>
      %add3A_40 = arith.addi %broadcast_in_dim3A_38, %add3A_39 : vector<16xi32>
      %add3A_41 = arith.constant 0 : i32
      %add3A_42 = arith.addi %scan3A_36, %add3A_41 : i32
      %swap3A = arith.index_cast %add3A_42 : i32 to index
      %swap3A_43 = tpu.vector_load %arg8[%swap3A] {strides = array<i32>} : memref<10112xi32, #tpu.memory_space<vmem>>, vector<16xi32>,
      tpu.vector_store %arg8[%swap3A], %add3A_40 {strides = array<i32>} : memref<10112xi32, #tpu.memory_space<vmem>>, vector<16xi32>,
      %broadcast_in_dim3A_44 = arith.constant 0 : i32
      %broadcast_in_dim3A_45 = vector.broadcast %broadcast_in_dim3A_44 : i32 to vector<16xi32>
      %add3A_46 = arith.constant 0 : i32
      %add3A_47 = arith.addi %scan3A_36, %add3A_46 : i32
      %swap3A_48 = arith.index_cast %add3A_47 : i32 to index
      %swap3A_49 = tpu.vector_load %arg9[%swap3A_48] {strides = array<i32>} : memref<10112xi32, #tpu.memory_space<vmem>>, vector<16xi32>,
      tpu.vector_store %arg9[%swap3A_48], %broadcast_in_dim3A_45 {strides = array<i32>} : memref<10112xi32, #tpu.memory_space<vmem>>, vector<16xi32>,
      %broadcast_in_dim3A_50 = arith.constant 320 : i32
      %broadcast_in_dim3A_51 = vector.broadcast %broadcast_in_dim3A_50 : i32 to vector<16xi32>
      %add3A_52 = vector.broadcast %mul3A_4 : i32 to vector<16xi32>
      %add3A_53 = arith.addi %broadcast_in_dim3A_51, %add3A_52 : vector<16xi32>
      %add3A_54 = arith.constant 16 : i32
      %add3A_55 = arith.addi %scan3A_36, %add3A_54 : i32
      %swap3A_56 = arith.index_cast %add3A_55 : i32 to index
      %swap3A_57 = tpu.vector_load %arg8[%swap3A_56] {strides = array<i32>} : memref<10112xi32, #tpu.memory_space<vmem>>, vector<16xi32>,
      tpu.vector_store %arg8[%swap3A_56], %add3A_53 {strides = array<i32>} : memref<10112xi32, #tpu.memory_space<vmem>>, vector<16xi32>,
      %broadcast_in_dim3A_58 = arith.constant 0 : i32
      %broadcast_in_dim3A_59 = vector.broadcast %broadcast_in_dim3A_58 : i32 to vector<16xi32>
      %add3A_60 = arith.constant 16 : i32
      %add3A_61 = arith.addi %scan3A_36, %add3A_60 : i32
      %swap3A_62 = arith.index_cast %add3A_61 : i32 to index
      %swap3A_63 = tpu.vector_load %arg9[%swap3A_62] {strides = array<i32>} : memref<10112xi32, #tpu.memory_space<vmem>>, vector<16xi32>,
      tpu.vector_store %arg9[%swap3A_62], %broadcast_in_dim3A_59 {strides = array<i32>} : memref<10112xi32, #tpu.memory_space<vmem>>, vector<16xi32>,
      %broadcast_in_dim3A_64 = arith.constant 320 : i32
      %broadcast_in_dim3A_65 = vector.broadcast %broadcast_in_dim3A_64 : i32 to vector<16xi32>
      %add3A_66 = vector.broadcast %mul3A_4 : i32 to vector<16xi32>
      %add3A_67 = arith.addi %broadcast_in_dim3A_65, %add3A_66 : vector<16xi32>
      %add3A_68 = arith.constant 32 : i32
      %add3A_69 = arith.addi %scan3A_36, %add3A_68 : i32
      %swap3A_70 = arith.index_cast %add3A_69 : i32 to index
      %swap3A_71 = tpu.vector_load %arg8[%swap3A_70] {strides = array<i32>} : memref<10112xi32, #tpu.memory_space<vmem>>, vector<16xi32>,
      tpu.vector_store %arg8[%swap3A_70], %add3A_67 {strides = array<i32>} : memref<10112xi32, #tpu.memory_space<vmem>>, vector<16xi32>,
      %broadcast_in_dim3A_72 = arith.constant 0 : i32
      %broadcast_in_dim3A_73 = vector.broadcast %broadcast_in_dim3A_72 : i32 to vector<16xi32>
      %add3A_74 = arith.constant 32 : i32
      %add3A_75 = arith.addi %scan3A_36, %add3A_74 : i32
      %swap3A_76 = arith.index_cast %add3A_75 : i32 to index
      %swap3A_77 = tpu.vector_load %arg9[%swap3A_76] {strides = array<i32>} : memref<10112xi32, #tpu.memory_space<vmem>>, vector<16xi32>,
      tpu.vector_store %arg9[%swap3A_76], %broadcast_in_dim3A_73 {strides = array<i32>} : memref<10112xi32, #tpu.memory_space<vmem>>, vector<16xi32>,
      %broadcast_in_dim3A_78 = arith.constant 320 : i32
      %broadcast_in_dim3A_79 = vector.broadcast %broadcast_in_dim3A_78 : i32 to vector<16xi32>
      %add3A_80 = vector.broadcast %mul3A_4 : i32 to vector<16xi32>
      %add3A_81 = arith.addi %broadcast_in_dim3A_79, %add3A_80 : vector<16xi32>
      %add3A_82 = arith.constant 48 : i32
      %add3A_83 = arith.addi %scan3A_36, %add3A_82 : i32
      %swap3A_84 = arith.index_cast %add3A_83 : i32 to index
      %swap3A_85 = tpu.vector_load %arg8[%swap3A_84] {strides = array<i32>} : memref<10112xi32, #tpu.memory_space<vmem>>, vector<16xi32>,
      tpu.vector_store %arg8[%swap3A_84], %add3A_81 {strides = array<i32>} : memref<10112xi32, #tpu.memory_space<vmem>>, vector<16xi32>,
      %broadcast_in_dim3A_86 = arith.constant 0 : i32
      %broadcast_in_dim3A_87 = vector.broadcast %broadcast_in_dim3A_86 : i32 to vector<16xi32>
      %add3A_88 = arith.constant 48 : i32
      %add3A_89 = arith.addi %scan3A_36, %add3A_88 : i32
      %swap3A_90 = arith.index_cast %add3A_89 : i32 to index
      %swap3A_91 = tpu.vector_load %arg9[%swap3A_90] {strides = array<i32>} : memref<10112xi32, #tpu.memory_space<vmem>>, vector<16xi32>,
      tpu.vector_store %arg9[%swap3A_90], %broadcast_in_dim3A_87 {strides = array<i32>} : memref<10112xi32, #tpu.memory_space<vmem>>, vector<16xi32>,
      %broadcast_in_dim3A_92 = arith.constant 320 : i32
      %broadcast_in_dim3A_93 = vector.broadcast %broadcast_in_dim3A_92 : i32 to vector<16xi32>
      %add3A_94 = vector.broadcast %mul3A_4 : i32 to vector<16xi32>
      %add3A_95 = arith.addi %broadcast_in_dim3A_93, %add3A_94 : vector<16xi32>
      %add3A_96 = arith.constant 64 : i32
      %add3A_97 = arith.addi %scan3A_36, %add3A_96 : i32
      %swap3A_98 = arith.index_cast %add3A_97 : i32 to index
      %swap3A_99 = tpu.vector_load %arg8[%swap3A_98] {strides = array<i32>} : memref<10112xi32, #tpu.memory_space<vmem>>, vector<16xi32>,
      tpu.vector_store %arg8[%swap3A_98], %add3A_95 {strides = array<i32>} : memref<10112xi32, #tpu.memory_space<vmem>>, vector<16xi32>,
      %broadcast_in_dim3A_100 = arith.constant 0 : i32
      %broadcast_in_dim3A_101 = vector.broadcast %broadcast_in_dim3A_100 : i32 to vector<16xi32>
      %add3A_102 = arith.constant 64 : i32
      %add3A_103 = arith.addi %scan3A_36, %add3A_102 : i32
      %swap3A_104 = arith.index_cast %add3A_103 : i32 to index
      %swap3A_105 = tpu.vector_load %arg9[%swap3A_104] {strides = array<i32>} : memref<10112xi32, #tpu.memory_space<vmem>>, vector<16xi32>,
      tpu.vector_store %arg9[%swap3A_104], %broadcast_in_dim3A_101 {strides = array<i32>} : memref<10112xi32, #tpu.memory_space<vmem>>, vector<16xi32>,
      %add3A_106 = arith.constant 80 : i32
      %add3A_107 = arith.addi %scan3A_36, %add3A_106 : i32
      %sub3A = arith.constant 1 : i32
      %sub3A_108 = arith.subi %add3A_107, %sub3A : i32
      %jit3A = arith.constant 80 : i32
      %div3A = arith.divsi %sub3A_108, %jit3A : i32
      %sign3A = arith.constant 0 : i32
      %sign3A_109 = arith.cmpi sgt, %sub3A_108, %sign3A : i32
      %sign3A_110 = arith.extui %sign3A_109 : i1 to i32
      %sign3A_111 = arith.constant 0 : i32
      %sign3A_112 = arith.cmpi slt, %sub3A_108, %sign3A_111 : i32
      %sign3A_113 = arith.extui %sign3A_112 : i1 to i32
      %sign3A_114 = arith.subi %sign3A_110, %sign3A_113 : i32
      %sign3A_115 = arith.constant 0 : i32
      %sign3A_116 = arith.cmpi sgt, %jit3A, %sign3A_115 : i32
      %sign3A_117 = arith.extui %sign3A_116 : i1 to i32
      %sign3A_118 = arith.constant 0 : i32
      %sign3A_119 = arith.cmpi slt, %jit3A, %sign3A_118 : i32
      %sign3A_120 = arith.extui %sign3A_119 : i1 to i32
      %sign3A_121 = arith.subi %sign3A_117, %sign3A_120 : i32
      %ne3A = arith.cmpi ne, %sign3A_114, %sign3A_121 : i32
      %rem3A = arith.remsi %sub3A_108, %jit3A : i32
      %ne3A_122 = arith.constant 0 : i32
      %ne3A_123 = arith.cmpi ne, %rem3A, %ne3A_122 : i32
      %and3A = arith.andi %ne3A, %ne3A_123 : i1
      %sub3A_124 = arith.constant 1 : i32
      %sub3A_125 = arith.subi %div3A, %sub3A_124 : i32
      %select_n3A = arith.select %and3A, %sub3A_125, %div3A : i32
      %while3A = arith.constant 0 : i32
      %while3A_126 = arith.constant 0 : i32
      %while3A_127 = arith.subi %select_n3A, %while3A_126 : i32
      %while3A_128 = arith.addi %while3A_126, %while3A_127 : i32
      %while3A_129 = arith.constant 1 : i32
      %while3A_130 = arith.divsi %while3A_127, %while3A_129 : i32
      %while3A_131 = arith.muli %while3A_130, %while3A_129 : i32
      %while3A_132 = arith.addi %while3A_126, %while3A_131 : i32
      %while3A_133 = arith.constant 1 : i32
      scf.for %while3A_135 = %while3A_126 to %while3A_132 step %while3A_133  : i32 {
        %mul3A_136 = arith.constant 80 : i32
        %mul3A_137 = arith.muli %while3A_135, %mul3A_136 : i32
        %add3A_138 = arith.constant 0 : i32
        %add3A_139 = arith.addi %mul3A_137, %add3A_138 : i32
        %get3A = arith.index_cast %add3A_139 : i32 to index
        %get3A_140 = tpu.vector_load %arg8[%get3A] {strides = array<i32>} : memref<10112xi32, #tpu.memory_space<vmem>>, vector<16xi32>,
        %swap3A_141 = arith.constant 0 : index
        %swap3A_142 = tpu.vector_load %arg10[%swap3A_141] {strides = array<i32>} : memref<80xi32, #tpu.memory_space<vmem>>, vector<16xi32>,
        tpu.vector_store %arg10[%swap3A_141], %get3A_140 {strides = array<i32>} : memref<80xi32, #tpu.memory_space<vmem>>, vector<16xi32>,
        %mul3A_143 = arith.constant 80 : i32
        %mul3A_144 = arith.muli %while3A_135, %mul3A_143 : i32
        %add3A_145 = arith.constant 0 : i32
        %add3A_146 = arith.addi %mul3A_144, %add3A_145 : i32
        %get3A_147 = arith.index_cast %add3A_146 : i32 to index
        %get3A_148 = tpu.vector_load %arg9[%get3A_147] {strides = array<i32>} : memref<10112xi32, #tpu.memory_space<vmem>>, vector<16xi32>,
        %swap3A_149 = arith.constant 0 : index
        %swap3A_150 = tpu.vector_load %arg11[%swap3A_149] {strides = array<i32>} : memref<80xi32, #tpu.memory_space<vmem>>, vector<16xi32>,
        tpu.vector_store %arg11[%swap3A_149], %get3A_148 {strides = array<i32>} : memref<80xi32, #tpu.memory_space<vmem>>, vector<16xi32>,
        %mul3A_151 = arith.constant 80 : i32
        %mul3A_152 = arith.muli %while3A_135, %mul3A_151 : i32
        %add3A_153 = arith.constant 16 : i32
        %add3A_154 = arith.addi %mul3A_152, %add3A_153 : i32
        %get3A_155 = arith.index_cast %add3A_154 : i32 to index
        %get3A_156 = tpu.vector_load %arg8[%get3A_155] {strides = array<i32>} : memref<10112xi32, #tpu.memory_space<vmem>>, vector<16xi32>,
        %swap3A_157 = arith.constant 16 : index
        %swap3A_158 = tpu.vector_load %arg10[%swap3A_157] {strides = array<i32>} : memref<80xi32, #tpu.memory_space<vmem>>, vector<16xi32>,
        tpu.vector_store %arg10[%swap3A_157], %get3A_156 {strides = array<i32>} : memref<80xi32, #tpu.memory_space<vmem>>, vector<16xi32>,
        %mul3A_159 = arith.constant 80 : i32
        %mul3A_160 = arith.muli %while3A_135, %mul3A_159 : i32
        %add3A_161 = arith.constant 16 : i32
        %add3A_162 = arith.addi %mul3A_160, %add3A_161 : i32
        %get3A_163 = arith.index_cast %add3A_162 : i32 to index
        %get3A_164 = tpu.vector_load %arg9[%get3A_163] {strides = array<i32>} : memref<10112xi32, #tpu.memory_space<vmem>>, vector<16xi32>,
        %swap3A_165 = arith.constant 16 : index
        %swap3A_166 = tpu.vector_load %arg11[%swap3A_165] {strides = array<i32>} : memref<80xi32, #tpu.memory_space<vmem>>, vector<16xi32>,
        tpu.vector_store %arg11[%swap3A_165], %get3A_164 {strides = array<i32>} : memref<80xi32, #tpu.memory_space<vmem>>, vector<16xi32>,
        %mul3A_167 = arith.constant 80 : i32
        %mul3A_168 = arith.muli %while3A_135, %mul3A_167 : i32
        %add3A_169 = arith.constant 32 : i32
        %add3A_170 = arith.addi %mul3A_168, %add3A_169 : i32
        %get3A_171 = arith.index_cast %add3A_170 : i32 to index
        %get3A_172 = tpu.vector_load %arg8[%get3A_171] {strides = array<i32>} : memref<10112xi32, #tpu.memory_space<vmem>>, vector<16xi32>,
        %swap3A_173 = arith.constant 32 : index
        %swap3A_174 = tpu.vector_load %arg10[%swap3A_173] {strides = array<i32>} : memref<80xi32, #tpu.memory_space<vmem>>, vector<16xi32>,
        tpu.vector_store %arg10[%swap3A_173], %get3A_172 {strides = array<i32>} : memref<80xi32, #tpu.memory_space<vmem>>, vector<16xi32>,
        %mul3A_175 = arith.constant 80 : i32
        %mul3A_176 = arith.muli %while3A_135, %mul3A_175 : i32
        %add3A_177 = arith.constant 32 : i32
        %add3A_178 = arith.addi %mul3A_176, %add3A_177 : i32
        %get3A_179 = arith.index_cast %add3A_178 : i32 to index
        %get3A_180 = tpu.vector_load %arg9[%get3A_179] {strides = array<i32>} : memref<10112xi32, #tpu.memory_space<vmem>>, vector<16xi32>,
        %swap3A_181 = arith.constant 32 : index
        %swap3A_182 = tpu.vector_load %arg11[%swap3A_181] {strides = array<i32>} : memref<80xi32, #tpu.memory_space<vmem>>, vector<16xi32>,
        tpu.vector_store %arg11[%swap3A_181], %get3A_180 {strides = array<i32>} : memref<80xi32, #tpu.memory_space<vmem>>, vector<16xi32>,
        %mul3A_183 = arith.constant 80 : i32
        %mul3A_184 = arith.muli %while3A_135, %mul3A_183 : i32
        %add3A_185 = arith.constant 48 : i32
        %add3A_186 = arith.addi %mul3A_184, %add3A_185 : i32
        %get3A_187 = arith.index_cast %add3A_186 : i32 to index
        %get3A_188 = tpu.vector_load %arg8[%get3A_187] {strides = array<i32>} : memref<10112xi32, #tpu.memory_space<vmem>>, vector<16xi32>,
        %swap3A_189 = arith.constant 48 : index
        %swap3A_190 = tpu.vector_load %arg10[%swap3A_189] {strides = array<i32>} : memref<80xi32, #tpu.memory_space<vmem>>, vector<16xi32>,
        tpu.vector_store %arg10[%swap3A_189], %get3A_188 {strides = array<i32>} : memref<80xi32, #tpu.memory_space<vmem>>, vector<16xi32>,
        %mul3A_191 = arith.constant 80 : i32
        %mul3A_192 = arith.muli %while3A_135, %mul3A_191 : i32
        %add3A_193 = arith.constant 48 : i32
        %add3A_194 = arith.addi %mul3A_192, %add3A_193 : i32
        %get3A_195 = arith.index_cast %add3A_194 : i32 to index
        %get3A_196 = tpu.vector_load %arg9[%get3A_195] {strides = array<i32>} : memref<10112xi32, #tpu.memory_space<vmem>>, vector<16xi32>,
        %swap3A_197 = arith.constant 48 : index
        %swap3A_198 = tpu.vector_load %arg11[%swap3A_197] {strides = array<i32>} : memref<80xi32, #tpu.memory_space<vmem>>, vector<16xi32>,
        tpu.vector_store %arg11[%swap3A_197], %get3A_196 {strides = array<i32>} : memref<80xi32, #tpu.memory_space<vmem>>, vector<16xi32>,
        %mul3A_199 = arith.constant 80 : i32
        %mul3A_200 = arith.muli %while3A_135, %mul3A_199 : i32
        %add3A_201 = arith.constant 64 : i32
        %add3A_202 = arith.addi %mul3A_200, %add3A_201 : i32
        %get3A_203 = arith.index_cast %add3A_202 : i32 to index
        %get3A_204 = tpu.vector_load %arg8[%get3A_203] {strides = array<i32>} : memref<10112xi32, #tpu.memory_space<vmem>>, vector<16xi32>,
        %swap3A_205 = arith.constant 64 : index
        %swap3A_206 = tpu.vector_load %arg10[%swap3A_205] {strides = array<i32>} : memref<80xi32, #tpu.memory_space<vmem>>, vector<16xi32>,
        tpu.vector_store %arg10[%swap3A_205], %get3A_204 {strides = array<i32>} : memref<80xi32, #tpu.memory_space<vmem>>, vector<16xi32>,
        %mul3A_207 = arith.constant 80 : i32
        %mul3A_208 = arith.muli %while3A_135, %mul3A_207 : i32
        %add3A_209 = arith.constant 64 : i32
        %add3A_210 = arith.addi %mul3A_208, %add3A_209 : i32
        %get3A_211 = arith.index_cast %add3A_210 : i32 to index
        %get3A_212 = tpu.vector_load %arg9[%get3A_211] {strides = array<i32>} : memref<10112xi32, #tpu.memory_space<vmem>>, vector<16xi32>,
        %swap3A_213 = arith.constant 64 : index
        %swap3A_214 = tpu.vector_load %arg11[%swap3A_213] {strides = array<i32>} : memref<80xi32, #tpu.memory_space<vmem>>, vector<16xi32>,
        tpu.vector_store %arg11[%swap3A_213], %get3A_212 {strides = array<i32>} : memref<80xi32, #tpu.memory_space<vmem>>, vector<16xi32>,
        %dma_start3A = arith.constant 0 : i32
        %dma_start3A_215 = arith.constant 0 : i32
        %dma_start3A_216 = tpu.memref_slice %arg2[%dma_start3A, %dma_start3A_215] : memref<10000x128xf32, #tpu.memory_space<hbm>> -> memref<10000x128xf32, #tpu.memory_space<hbm>>
        tpu.enqueue_indirect_dma source(%dma_start3A_216 : memref<10000x128xf32, #tpu.memory_space<hbm>>) target(%arg12 : memref<80x128xf32, #tpu.memory_space<vmem>>) offsets(%arg11 : memref<80xi32, #tpu.memory_space<vmem>>) semaphore(%arg14 : memref<!tpu.dma_semaphore, #tpu.memory_space<semaphore_mem>>)
        %dma_wait3A = arith.constant 0 : i32
        %dma_wait3A_217 = arith.constant 0 : i32
        %dma_wait3A_218 = tpu.memref_slice %arg2[%dma_wait3A, %dma_wait3A_217] : memref<10000x128xf32, #tpu.memory_space<hbm>> -> memref<10000x128xf32, #tpu.memory_space<hbm>>
        tpu.wait_indirect_dma semaphore(%arg14 : memref<!tpu.dma_semaphore, #tpu.memory_space<semaphore_mem>>) src(%dma_wait3A_218 : memref<10000x128xf32, #tpu.memory_space<hbm>>) dst(%arg12 : memref<80x128xf32, #tpu.memory_space<vmem>>)
        "tpu.region"() ({
          %run_scoped3A = tpu.sem_alloc : memref<!tpu.dma_semaphore, #tpu.memory_space<semaphore_mem>>
          %dma_start3A_219 = arith.constant 0 : i32
          %dma_start3A_220 = arith.constant 0 : i32
          %dma_start3A_221 = tpu.memref_slice %arg13[%dma_start3A_219, %dma_start3A_220] : memref<5376x128xf32, #tpu.memory_space<vmem_shared>> -> memref<5376x128xf32, #tpu.memory_space<vmem_shared>>
          tpu.enqueue_indirect_dma source(%arg12 : memref<80x128xf32, #tpu.memory_space<vmem>>) target(%dma_start3A_221 : memref<5376x128xf32, #tpu.memory_space<vmem_shared>>) offsets(%arg10 : memref<80xi32, #tpu.memory_space<vmem>>) semaphore(%run_scoped3A : memref<!tpu.dma_semaphore, #tpu.memory_space<semaphore_mem>>) {add = true}
          %dma_wait3A_222 = arith.constant 0 : i32
          %dma_wait3A_223 = arith.constant 0 : i32
          %dma_wait3A_224 = tpu.memref_slice %arg13[%dma_wait3A_222, %dma_wait3A_223] : memref<5376x128xf32, #tpu.memory_space<vmem_shared>> -> memref<5376x128xf32, #tpu.memory_space<vmem_shared>>
          tpu.wait_indirect_dma semaphore(%run_scoped3A : memref<!tpu.dma_semaphore, #tpu.memory_space<semaphore_mem>>) src(%arg12 : memref<80x128xf32, #tpu.memory_space<vmem>>) dst(%dma_wait3A_224 : memref<5376x128xf32, #tpu.memory_space<vmem_shared>>)
          tpu.yield
        }) : () -> ()
      }
      %while3A_134 = arith.constant 1 : i32
      scf.for %while3A_135 = %while3A_132 to %while3A_128 step %while3A_134  : i32 {
        %mul3A_136 = arith.constant 80 : i32
        %mul3A_137 = arith.muli %while3A_135, %mul3A_136 : i32
        %add3A_138 = arith.constant 0 : i32
        %add3A_139 = arith.addi %mul3A_137, %add3A_138 : i32
        %get3A = arith.index_cast %add3A_139 : i32 to index
        %get3A_140 = tpu.vector_load %arg8[%get3A] {strides = array<i32>} : memref<10112xi32, #tpu.memory_space<vmem>>, vector<16xi32>,
        %swap3A_141 = arith.constant 0 : index
        %swap3A_142 = tpu.vector_load %arg10[%swap3A_141] {strides = array<i32>} : memref<80xi32, #tpu.memory_space<vmem>>, vector<16xi32>,
        tpu.vector_store %arg10[%swap3A_141], %get3A_140 {strides = array<i32>} : memref<80xi32, #tpu.memory_space<vmem>>, vector<16xi32>,
        %mul3A_143 = arith.constant 80 : i32
        %mul3A_144 = arith.muli %while3A_135, %mul3A_143 : i32
        %add3A_145 = arith.constant 0 : i32
        %add3A_146 = arith.addi %mul3A_144, %add3A_145 : i32
        %get3A_147 = arith.index_cast %add3A_146 : i32 to index
        %get3A_148 = tpu.vector_load %arg9[%get3A_147] {strides = array<i32>} : memref<10112xi32, #tpu.memory_space<vmem>>, vector<16xi32>,
        %swap3A_149 = arith.constant 0 : index
        %swap3A_150 = tpu.vector_load %arg11[%swap3A_149] {strides = array<i32>} : memref<80xi32, #tpu.memory_space<vmem>>, vector<16xi32>,
        tpu.vector_store %arg11[%swap3A_149], %get3A_148 {strides = array<i32>} : memref<80xi32, #tpu.memory_space<vmem>>, vector<16xi32>,
        %mul3A_151 = arith.constant 80 : i32
        %mul3A_152 = arith.muli %while3A_135, %mul3A_151 : i32
        %add3A_153 = arith.constant 16 : i32
        %add3A_154 = arith.addi %mul3A_152, %add3A_153 : i32
        %get3A_155 = arith.index_cast %add3A_154 : i32 to index
        %get3A_156 = tpu.vector_load %arg8[%get3A_155] {strides = array<i32>} : memref<10112xi32, #tpu.memory_space<vmem>>, vector<16xi32>,
        %swap3A_157 = arith.constant 16 : index
        %swap3A_158 = tpu.vector_load %arg10[%swap3A_157] {strides = array<i32>} : memref<80xi32, #tpu.memory_space<vmem>>, vector<16xi32>,
        tpu.vector_store %arg10[%swap3A_157], %get3A_156 {strides = array<i32>} : memref<80xi32, #tpu.memory_space<vmem>>, vector<16xi32>,
        %mul3A_159 = arith.constant 80 : i32
        %mul3A_160 = arith.muli %while3A_135, %mul3A_159 : i32
        %add3A_161 = arith.constant 16 : i32
        %add3A_162 = arith.addi %mul3A_160, %add3A_161 : i32
        %get3A_163 = arith.index_cast %add3A_162 : i32 to index
        %get3A_164 = tpu.vector_load %arg9[%get3A_163] {strides = array<i32>} : memref<10112xi32, #tpu.memory_space<vmem>>, vector<16xi32>,
        %swap3A_165 = arith.constant 16 : index
        %swap3A_166 = tpu.vector_load %arg11[%swap3A_165] {strides = array<i32>} : memref<80xi32, #tpu.memory_space<vmem>>, vector<16xi32>,
        tpu.vector_store %arg11[%swap3A_165], %get3A_164 {strides = array<i32>} : memref<80xi32, #tpu.memory_space<vmem>>, vector<16xi32>,
        %mul3A_167 = arith.constant 80 : i32
        %mul3A_168 = arith.muli %while3A_135, %mul3A_167 : i32
        %add3A_169 = arith.constant 32 : i32
        %add3A_170 = arith.addi %mul3A_168, %add3A_169 : i32
        %get3A_171 = arith.index_cast %add3A_170 : i32 to index
        %get3A_172 = tpu.vector_load %arg8[%get3A_171] {strides = array<i32>} : memref<10112xi32, #tpu.memory_space<vmem>>, vector<16xi32>,
        %swap3A_173 = arith.constant 32 : index
        %swap3A_174 = tpu.vector_load %arg10[%swap3A_173] {strides = array<i32>} : memref<80xi32, #tpu.memory_space<vmem>>, vector<16xi32>,
        tpu.vector_store %arg10[%swap3A_173], %get3A_172 {strides = array<i32>} : memref<80xi32, #tpu.memory_space<vmem>>, vector<16xi32>,
        %mul3A_175 = arith.constant 80 : i32
        %mul3A_176 = arith.muli %while3A_135, %mul3A_175 : i32
        %add3A_177 = arith.constant 32 : i32
        %add3A_178 = arith.addi %mul3A_176, %add3A_177 : i32
        %get3A_179 = arith.index_cast %add3A_178 : i32 to index
        %get3A_180 = tpu.vector_load %arg9[%get3A_179] {strides = array<i32>} : memref<10112xi32, #tpu.memory_space<vmem>>, vector<16xi32>,
        %swap3A_181 = arith.constant 32 : index
        %swap3A_182 = tpu.vector_load %arg11[%swap3A_181] {strides = array<i32>} : memref<80xi32, #tpu.memory_space<vmem>>, vector<16xi32>,
        tpu.vector_store %arg11[%swap3A_181], %get3A_180 {strides = array<i32>} : memref<80xi32, #tpu.memory_space<vmem>>, vector<16xi32>,
        %mul3A_183 = arith.constant 80 : i32
        %mul3A_184 = arith.muli %while3A_135, %mul3A_183 : i32
        %add3A_185 = arith.constant 48 : i32
        %add3A_186 = arith.addi %mul3A_184, %add3A_185 : i32
        %get3A_187 = arith.index_cast %add3A_186 : i32 to index
        %get3A_188 = tpu.vector_load %arg8[%get3A_187] {strides = array<i32>} : memref<10112xi32, #tpu.memory_space<vmem>>, vector<16xi32>,
        %swap3A_189 = arith.constant 48 : index
        %swap3A_190 = tpu.vector_load %arg10[%swap3A_189] {strides = array<i32>} : memref<80xi32, #tpu.memory_space<vmem>>, vector<16xi32>,
        tpu.vector_store %arg10[%swap3A_189], %get3A_188 {strides = array<i32>} : memref<80xi32, #tpu.memory_space<vmem>>, vector<16xi32>,
        %mul3A_191 = arith.constant 80 : i32
        %mul3A_192 = arith.muli %while3A_135, %mul3A_191 : i32
        %add3A_193 = arith.constant 48 : i32
        %add3A_194 = arith.addi %mul3A_192, %add3A_193 : i32
        %get3A_195 = arith.index_cast %add3A_194 : i32 to index
        %get3A_196 = tpu.vector_load %arg9[%get3A_195] {strides = array<i32>} : memref<10112xi32, #tpu.memory_space<vmem>>, vector<16xi32>,
        %swap3A_197 = arith.constant 48 : index
        %swap3A_198 = tpu.vector_load %arg11[%swap3A_197] {strides = array<i32>} : memref<80xi32, #tpu.memory_space<vmem>>, vector<16xi32>,
        tpu.vector_store %arg11[%swap3A_197], %get3A_196 {strides = array<i32>} : memref<80xi32, #tpu.memory_space<vmem>>, vector<16xi32>,
        %mul3A_199 = arith.constant 80 : i32
        %mul3A_200 = arith.muli %while3A_135, %mul3A_199 : i32
        %add3A_201 = arith.constant 64 : i32
        %add3A_202 = arith.addi %mul3A_200, %add3A_201 : i32
        %get3A_203 = arith.index_cast %add3A_202 : i32 to index
        %get3A_204 = tpu.vector_load %arg8[%get3A_203] {strides = array<i32>} : memref<10112xi32, #tpu.memory_space<vmem>>, vector<16xi32>,
        %swap3A_205 = arith.constant 64 : index
        %swap3A_206 = tpu.vector_load %arg10[%swap3A_205] {strides = array<i32>} : memref<80xi32, #tpu.memory_space<vmem>>, vector<16xi32>,
        tpu.vector_store %arg10[%swap3A_205], %get3A_204 {strides = array<i32>} : memref<80xi32, #tpu.memory_space<vmem>>, vector<16xi32>,
        %mul3A_207 = arith.constant 80 : i32
        %mul3A_208 = arith.muli %while3A_135, %mul3A_207 : i32
        %add3A_209 = arith.constant 64 : i32
        %add3A_210 = arith.addi %mul3A_208, %add3A_209 : i32
        %get3A_211 = arith.index_cast %add3A_210 : i32 to index
        %get3A_212 = tpu.vector_load %arg9[%get3A_211] {strides = array<i32>} : memref<10112xi32, #tpu.memory_space<vmem>>, vector<16xi32>,
        %swap3A_213 = arith.constant 64 : index
        %swap3A_214 = tpu.vector_load %arg11[%swap3A_213] {strides = array<i32>} : memref<80xi32, #tpu.memory_space<vmem>>, vector<16xi32>,
        tpu.vector_store %arg11[%swap3A_213], %get3A_212 {strides = array<i32>} : memref<80xi32, #tpu.memory_space<vmem>>, vector<16xi32>,
        %dma_start3A = arith.constant 0 : i32
        %dma_start3A_215 = arith.constant 0 : i32
        %dma_start3A_216 = tpu.memref_slice %arg2[%dma_start3A, %dma_start3A_215] : memref<10000x128xf32, #tpu.memory_space<hbm>> -> memref<10000x128xf32, #tpu.memory_space<hbm>>
        tpu.enqueue_indirect_dma source(%dma_start3A_216 : memref<10000x128xf32, #tpu.memory_space<hbm>>) target(%arg12 : memref<80x128xf32, #tpu.memory_space<vmem>>) offsets(%arg11 : memref<80xi32, #tpu.memory_space<vmem>>) semaphore(%arg14 : memref<!tpu.dma_semaphore, #tpu.memory_space<semaphore_mem>>)
        %dma_wait3A = arith.constant 0 : i32
        %dma_wait3A_217 = arith.constant 0 : i32
        %dma_wait3A_218 = tpu.memref_slice %arg2[%dma_wait3A, %dma_wait3A_217] : memref<10000x128xf32, #tpu.memory_space<hbm>> -> memref<10000x128xf32, #tpu.memory_space<hbm>>
        tpu.wait_indirect_dma semaphore(%arg14 : memref<!tpu.dma_semaphore, #tpu.memory_space<semaphore_mem>>) src(%dma_wait3A_218 : memref<10000x128xf32, #tpu.memory_space<hbm>>) dst(%arg12 : memref<80x128xf32, #tpu.memory_space<vmem>>)
        "tpu.region"() ({
          %run_scoped3A = tpu.sem_alloc : memref<!tpu.dma_semaphore, #tpu.memory_space<semaphore_mem>>
          %dma_start3A_219 = arith.constant 0 : i32
          %dma_start3A_220 = arith.constant 0 : i32
          %dma_start3A_221 = tpu.memref_slice %arg13[%dma_start3A_219, %dma_start3A_220] : memref<5376x128xf32, #tpu.memory_space<vmem_shared>> -> memref<5376x128xf32, #tpu.memory_space<vmem_shared>>
          tpu.enqueue_indirect_dma source(%arg12 : memref<80x128xf32, #tpu.memory_space<vmem>>) target(%dma_start3A_221 : memref<5376x128xf32, #tpu.memory_space<vmem_shared>>) offsets(%arg10 : memref<80xi32, #tpu.memory_space<vmem>>) semaphore(%run_scoped3A : memref<!tpu.dma_semaphore, #tpu.memory_space<semaphore_mem>>) {add = true}
          %dma_wait3A_222 = arith.constant 0 : i32
          %dma_wait3A_223 = arith.constant 0 : i32
          %dma_wait3A_224 = tpu.memref_slice %arg13[%dma_wait3A_222, %dma_wait3A_223] : memref<5376x128xf32, #tpu.memory_space<vmem_shared>> -> memref<5376x128xf32, #tpu.memory_space<vmem_shared>>
          tpu.wait_indirect_dma semaphore(%run_scoped3A : memref<!tpu.dma_semaphore, #tpu.memory_space<semaphore_mem>>) src(%arg12 : memref<80x128xf32, #tpu.memory_space<vmem>>) dst(%dma_wait3A_224 : memref<5376x128xf32, #tpu.memory_space<vmem_shared>>)
          tpu.yield
        }) : () -> ()
      }
    }
    %scan3A_25 = arith.constant 32 : i32
    "tpu.region"() ({
      %run_scoped3A = tpu.sem_alloc : memref<!tpu.dma_semaphore, #tpu.memory_space<semaphore_mem>>
      %dma_start3A = arith.constant 0 : i32
      %dma_start3A_26 = tpu.memref_slice %arg5[%mul3A_2, %dma_start3A] : memref<10240x128xf32, #tpu.memory_space<hbm>> -> memref<320x128xf32, #tpu.memory_space<hbm>>
      %dma_start3A_27 = arith.constant 0 : i32
      %dma_start3A_28 = tpu.memref_slice %arg13[%mul3A_4, %dma_start3A_27] : memref<5376x128xf32, #tpu.memory_space<vmem_shared>> -> memref<320x128xf32, #tpu.memory_space<vmem_shared>>
      tpu.enqueue_dma source(%dma_start3A_28 : memref<320x128xf32, #tpu.memory_space<vmem_shared>>) target(%dma_start3A_26 : memref<320x128xf32, #tpu.memory_space<hbm>>) target_semaphore(%run_scoped3A : memref<!tpu.dma_semaphore, #tpu.memory_space<semaphore_mem>>)
      %dma_wait3A = arith.constant 0 : i32
      %dma_wait3A_29 = tpu.memref_slice %arg5[%mul3A_2, %dma_wait3A] : memref<10240x128xf32, #tpu.memory_space<hbm>> -> memref<320x128xf32, #tpu.memory_space<hbm>>
      %dma_wait3A_30 = arith.constant 0 : i32
      %dma_wait3A_31 = tpu.memref_slice %arg13[%mul3A_4, %dma_wait3A_30] : memref<5376x128xf32, #tpu.memory_space<vmem_shared>> -> memref<320x128xf32, #tpu.memory_space<vmem_shared>>
      tpu.wait_dma2 semaphore(%run_scoped3A : memref<!tpu.dma_semaphore, #tpu.memory_space<semaphore_mem>>) src(%dma_wait3A_31 : memref<320x128xf32, #tpu.memory_space<vmem_shared>>) dst(%dma_wait3A_29 : memref<320x128xf32, #tpu.memory_space<hbm>>)
      tpu.yield
    }) : () -> ()
    return
  }
}

#map = affine_map<(d0, d1) -> (0, 0)>
#map1 = affine_map<(d0, d1) -> (0, 0, 0)>
module attributes {stable_mosaic.version = 14 : i64} {
  func.func @agg_kernel(%arg0: i32, %arg1: i32, %arg2: memref<10000x128xf32, #tpu.memory_space<hbm>>, %arg3: memref<32x128x80xi32, #tpu.memory_space<hbm>>, %arg4: memref<32x128x80xi32, #tpu.memory_space<hbm>>, %arg5: memref<2x10240x128xf32, #tpu.memory_space<hbm>>, %arg6: memref<128x80xi32, #tpu.memory_space<vmem>>, %arg7: memref<128x80xi32, #tpu.memory_space<vmem>>, %arg8: memref<80x128xf32, #tpu.memory_space<vmem>>, %arg9: memref<10240x128xf32, #tpu.memory_space<vmem_shared>>, %arg10: memref<!tpu.dma_semaphore, #tpu.memory_space<semaphore_mem>>) attributes {dimension_semantics = [#tpu.dimension_semantics<core_parallel>, #tpu.dimension_semantics<subcore_parallel>], iteration_bounds = array<i64: 2, 16>, scalar_prefetch = 0 : i64, scratch_operands = 5 : i64, tpu.core_type = #tpu.core_type<sc_vector_subcore>, window_params = [{transform_indices = #map}, {transform_indices = #map1}, {transform_indices = #map1}, {transform_indices = #map1}]} {
    %mul3A = arith.constant 2 : i32
    %mul3A_0 = arith.muli %arg1, %mul3A : i32
    %add3A = arith.addi %mul3A_0, %arg0 : i32
    %scan3A = arith.constant 0 : i32
    %scan3A_1 = arith.constant 0 : i32
    %scan3A_2 = arith.constant 80 : i32
    %scan3A_3 = arith.addi %scan3A_1, %scan3A_2 : i32
    %scan3A_4 = arith.constant 1 : i32
    scf.for %scan3A_49 = %scan3A_1 to %scan3A_3 step %scan3A_4  : i32 {
      %broadcast_in_dim3A = arith.constant 0.000000e+00 : f32
      %broadcast_in_dim3A_50 = vector.broadcast %broadcast_in_dim3A : f32 to vector<16xf32>
      %swap3A = arith.index_cast %scan3A_49 : i32 to index
      %swap3A_51 = arith.constant 0 : index
      %swap3A_52 = tpu.vector_load %arg8[%swap3A, %swap3A_51] {strides = array<i32>} : memref<80x128xf32, #tpu.memory_space<vmem>>, vector<1x16xf32>,
      %swap3A_53 = vector.shape_cast %swap3A_52 : vector<1x16xf32> to vector<16xf32>
      %swap3A_54 = vector.shape_cast %broadcast_in_dim3A_50 : vector<16xf32> to vector<1x16xf32>
      tpu.vector_store %arg8[%swap3A, %swap3A_51], %swap3A_54 {strides = array<i32>} : memref<80x128xf32, #tpu.memory_space<vmem>>, vector<1x16xf32>,
      %broadcast_in_dim3A_55 = arith.constant 0.000000e+00 : f32
      %broadcast_in_dim3A_56 = vector.broadcast %broadcast_in_dim3A_55 : f32 to vector<16xf32>
      %swap3A_57 = arith.index_cast %scan3A_49 : i32 to index
      %swap3A_58 = arith.constant 16 : index
      %swap3A_59 = tpu.vector_load %arg8[%swap3A_57, %swap3A_58] {strides = array<i32>} : memref<80x128xf32, #tpu.memory_space<vmem>>, vector<1x16xf32>,
      %swap3A_60 = vector.shape_cast %swap3A_59 : vector<1x16xf32> to vector<16xf32>
      %swap3A_61 = vector.shape_cast %broadcast_in_dim3A_56 : vector<16xf32> to vector<1x16xf32>
      tpu.vector_store %arg8[%swap3A_57, %swap3A_58], %swap3A_61 {strides = array<i32>} : memref<80x128xf32, #tpu.memory_space<vmem>>, vector<1x16xf32>,
      %broadcast_in_dim3A_62 = arith.constant 0.000000e+00 : f32
      %broadcast_in_dim3A_63 = vector.broadcast %broadcast_in_dim3A_62 : f32 to vector<16xf32>
      %swap3A_64 = arith.index_cast %scan3A_49 : i32 to index
      %swap3A_65 = arith.constant 32 : index
      %swap3A_66 = tpu.vector_load %arg8[%swap3A_64, %swap3A_65] {strides = array<i32>} : memref<80x128xf32, #tpu.memory_space<vmem>>, vector<1x16xf32>,
      %swap3A_67 = vector.shape_cast %swap3A_66 : vector<1x16xf32> to vector<16xf32>
      %swap3A_68 = vector.shape_cast %broadcast_in_dim3A_63 : vector<16xf32> to vector<1x16xf32>
      tpu.vector_store %arg8[%swap3A_64, %swap3A_65], %swap3A_68 {strides = array<i32>} : memref<80x128xf32, #tpu.memory_space<vmem>>, vector<1x16xf32>,
      %broadcast_in_dim3A_69 = arith.constant 0.000000e+00 : f32
      %broadcast_in_dim3A_70 = vector.broadcast %broadcast_in_dim3A_69 : f32 to vector<16xf32>
      %swap3A_71 = arith.index_cast %scan3A_49 : i32 to index
      %swap3A_72 = arith.constant 48 : index
      %swap3A_73 = tpu.vector_load %arg8[%swap3A_71, %swap3A_72] {strides = array<i32>} : memref<80x128xf32, #tpu.memory_space<vmem>>, vector<1x16xf32>,
      %swap3A_74 = vector.shape_cast %swap3A_73 : vector<1x16xf32> to vector<16xf32>
      %swap3A_75 = vector.shape_cast %broadcast_in_dim3A_70 : vector<16xf32> to vector<1x16xf32>
      tpu.vector_store %arg8[%swap3A_71, %swap3A_72], %swap3A_75 {strides = array<i32>} : memref<80x128xf32, #tpu.memory_space<vmem>>, vector<1x16xf32>,
      %broadcast_in_dim3A_76 = arith.constant 0.000000e+00 : f32
      %broadcast_in_dim3A_77 = vector.broadcast %broadcast_in_dim3A_76 : f32 to vector<16xf32>
      %swap3A_78 = arith.index_cast %scan3A_49 : i32 to index
      %swap3A_79 = arith.constant 64 : index
      %swap3A_80 = tpu.vector_load %arg8[%swap3A_78, %swap3A_79] {strides = array<i32>} : memref<80x128xf32, #tpu.memory_space<vmem>>, vector<1x16xf32>,
      %swap3A_81 = vector.shape_cast %swap3A_80 : vector<1x16xf32> to vector<16xf32>
      %swap3A_82 = vector.shape_cast %broadcast_in_dim3A_77 : vector<16xf32> to vector<1x16xf32>
      tpu.vector_store %arg8[%swap3A_78, %swap3A_79], %swap3A_82 {strides = array<i32>} : memref<80x128xf32, #tpu.memory_space<vmem>>, vector<1x16xf32>,
      %broadcast_in_dim3A_83 = arith.constant 0.000000e+00 : f32
      %broadcast_in_dim3A_84 = vector.broadcast %broadcast_in_dim3A_83 : f32 to vector<16xf32>
      %swap3A_85 = arith.index_cast %scan3A_49 : i32 to index
      %swap3A_86 = arith.constant 80 : index
      %swap3A_87 = tpu.vector_load %arg8[%swap3A_85, %swap3A_86] {strides = array<i32>} : memref<80x128xf32, #tpu.memory_space<vmem>>, vector<1x16xf32>,
      %swap3A_88 = vector.shape_cast %swap3A_87 : vector<1x16xf32> to vector<16xf32>
      %swap3A_89 = vector.shape_cast %broadcast_in_dim3A_84 : vector<16xf32> to vector<1x16xf32>
      tpu.vector_store %arg8[%swap3A_85, %swap3A_86], %swap3A_89 {strides = array<i32>} : memref<80x128xf32, #tpu.memory_space<vmem>>, vector<1x16xf32>,
      %broadcast_in_dim3A_90 = arith.constant 0.000000e+00 : f32
      %broadcast_in_dim3A_91 = vector.broadcast %broadcast_in_dim3A_90 : f32 to vector<16xf32>
      %swap3A_92 = arith.index_cast %scan3A_49 : i32 to index
      %swap3A_93 = arith.constant 96 : index
      %swap3A_94 = tpu.vector_load %arg8[%swap3A_92, %swap3A_93] {strides = array<i32>} : memref<80x128xf32, #tpu.memory_space<vmem>>, vector<1x16xf32>,
      %swap3A_95 = vector.shape_cast %swap3A_94 : vector<1x16xf32> to vector<16xf32>
      %swap3A_96 = vector.shape_cast %broadcast_in_dim3A_91 : vector<16xf32> to vector<1x16xf32>
      tpu.vector_store %arg8[%swap3A_92, %swap3A_93], %swap3A_96 {strides = array<i32>} : memref<80x128xf32, #tpu.memory_space<vmem>>, vector<1x16xf32>,
      %broadcast_in_dim3A_97 = arith.constant 0.000000e+00 : f32
      %broadcast_in_dim3A_98 = vector.broadcast %broadcast_in_dim3A_97 : f32 to vector<16xf32>
      %swap3A_99 = arith.index_cast %scan3A_49 : i32 to index
      %swap3A_100 = arith.constant 112 : index
      %swap3A_101 = tpu.vector_load %arg8[%swap3A_99, %swap3A_100] {strides = array<i32>} : memref<80x128xf32, #tpu.memory_space<vmem>>, vector<1x16xf32>,
      %swap3A_102 = vector.shape_cast %swap3A_101 : vector<1x16xf32> to vector<16xf32>
      %swap3A_103 = vector.shape_cast %broadcast_in_dim3A_98 : vector<16xf32> to vector<1x16xf32>
      tpu.vector_store %arg8[%swap3A_99, %swap3A_100], %swap3A_103 {strides = array<i32>} : memref<80x128xf32, #tpu.memory_space<vmem>>, vector<1x16xf32>,
    }
    %scan3A_5 = arith.constant 80 : i32
    %mul3A_6 = arith.constant 640 : i32
    %mul3A_7 = arith.muli %arg1, %mul3A_6 : i32
    %add3A_8 = arith.constant 0 : i32
    %add3A_9 = arith.addi %mul3A_7, %add3A_8 : i32
    "tpu.region"() ({
      %run_scoped3A = tpu.sem_alloc : memref<!tpu.dma_semaphore, #tpu.memory_space<semaphore_mem>>
      %dma_start3A = arith.constant 0 : i32
      %dma_start3A_49 = tpu.memref_slice %arg9[%add3A_9, %dma_start3A] : memref<10240x128xf32, #tpu.memory_space<vmem_shared>> -> memref<80x128xf32, #tpu.memory_space<vmem_shared>>
      %dma_start3A_50 = arith.constant 0 : i32
      %dma_start3A_51 = tpu.memref_slice %arg9[%add3A_9, %dma_start3A_50] : memref<10240x128xf32, #tpu.memory_space<vmem_shared>> -> memref<80x128xf32, #tpu.memory_space<vmem_shared>>
      tpu.enqueue_dma source(%arg8 : memref<80x128xf32, #tpu.memory_space<vmem>>) target(%dma_start3A_51 : memref<80x128xf32, #tpu.memory_space<vmem_shared>>) target_semaphore(%run_scoped3A : memref<!tpu.dma_semaphore, #tpu.memory_space<semaphore_mem>>)
      %dma_wait3A = arith.constant 0 : i32
      %dma_wait3A_52 = tpu.memref_slice %arg9[%add3A_9, %dma_wait3A] : memref<10240x128xf32, #tpu.memory_space<vmem_shared>> -> memref<80x128xf32, #tpu.memory_space<vmem_shared>>
      %dma_wait3A_53 = arith.constant 0 : i32
      %dma_wait3A_54 = tpu.memref_slice %arg9[%add3A_9, %dma_wait3A_53] : memref<10240x128xf32, #tpu.memory_space<vmem_shared>> -> memref<80x128xf32, #tpu.memory_space<vmem_shared>>
      tpu.wait_dma2 semaphore(%run_scoped3A : memref<!tpu.dma_semaphore, #tpu.memory_space<semaphore_mem>>) src(%arg8 : memref<80x128xf32, #tpu.memory_space<vmem>>) dst(%dma_wait3A_54 : memref<80x128xf32, #tpu.memory_space<vmem_shared>>)
      tpu.yield
    }) : () -> ()
    %mul3A_10 = arith.constant 640 : i32
    %mul3A_11 = arith.muli %arg1, %mul3A_10 : i32
    %add3A_12 = arith.constant 80 : i32
    %add3A_13 = arith.addi %mul3A_11, %add3A_12 : i32
    "tpu.region"() ({
      %run_scoped3A = tpu.sem_alloc : memref<!tpu.dma_semaphore, #tpu.memory_space<semaphore_mem>>
      %dma_start3A = arith.constant 0 : i32
      %dma_start3A_49 = tpu.memref_slice %arg9[%add3A_13, %dma_start3A] : memref<10240x128xf32, #tpu.memory_space<vmem_shared>> -> memref<80x128xf32, #tpu.memory_space<vmem_shared>>
      %dma_start3A_50 = arith.constant 0 : i32
      %dma_start3A_51 = tpu.memref_slice %arg9[%add3A_13, %dma_start3A_50] : memref<10240x128xf32, #tpu.memory_space<vmem_shared>> -> memref<80x128xf32, #tpu.memory_space<vmem_shared>>
      tpu.enqueue_dma source(%arg8 : memref<80x128xf32, #tpu.memory_space<vmem>>) target(%dma_start3A_51 : memref<80x128xf32, #tpu.memory_space<vmem_shared>>) target_semaphore(%run_scoped3A : memref<!tpu.dma_semaphore, #tpu.memory_space<semaphore_mem>>)
      %dma_wait3A = arith.constant 0 : i32
      %dma_wait3A_52 = tpu.memref_slice %arg9[%add3A_13, %dma_wait3A] : memref<10240x128xf32, #tpu.memory_space<vmem_shared>> -> memref<80x128xf32, #tpu.memory_space<vmem_shared>>
      %dma_wait3A_53 = arith.constant 0 : i32
      %dma_wait3A_54 = tpu.memref_slice %arg9[%add3A_13, %dma_wait3A_53] : memref<10240x128xf32, #tpu.memory_space<vmem_shared>> -> memref<80x128xf32, #tpu.memory_space<vmem_shared>>
      tpu.wait_dma2 semaphore(%run_scoped3A : memref<!tpu.dma_semaphore, #tpu.memory_space<semaphore_mem>>) src(%arg8 : memref<80x128xf32, #tpu.memory_space<vmem>>) dst(%dma_wait3A_54 : memref<80x128xf32, #tpu.memory_space<vmem_shared>>)
      tpu.yield
    }) : () -> ()
    %mul3A_14 = arith.constant 640 : i32
    %mul3A_15 = arith.muli %arg1, %mul3A_14 : i32
    %add3A_16 = arith.constant 160 : i32
    %add3A_17 = arith.addi %mul3A_15, %add3A_16 : i32
    "tpu.region"() ({
      %run_scoped3A = tpu.sem_alloc : memref<!tpu.dma_semaphore, #tpu.memory_space<semaphore_mem>>
      %dma_start3A = arith.constant 0 : i32
      %dma_start3A_49 = tpu.memref_slice %arg9[%add3A_17, %dma_start3A] : memref<10240x128xf32, #tpu.memory_space<vmem_shared>> -> memref<80x128xf32, #tpu.memory_space<vmem_shared>>
      %dma_start3A_50 = arith.constant 0 : i32
      %dma_start3A_51 = tpu.memref_slice %arg9[%add3A_17, %dma_start3A_50] : memref<10240x128xf32, #tpu.memory_space<vmem_shared>> -> memref<80x128xf32, #tpu.memory_space<vmem_shared>>
      tpu.enqueue_dma source(%arg8 : memref<80x128xf32, #tpu.memory_space<vmem>>) target(%dma_start3A_51 : memref<80x128xf32, #tpu.memory_space<vmem_shared>>) target_semaphore(%run_scoped3A : memref<!tpu.dma_semaphore, #tpu.memory_space<semaphore_mem>>)
      %dma_wait3A = arith.constant 0 : i32
      %dma_wait3A_52 = tpu.memref_slice %arg9[%add3A_17, %dma_wait3A] : memref<10240x128xf32, #tpu.memory_space<vmem_shared>> -> memref<80x128xf32, #tpu.memory_space<vmem_shared>>
      %dma_wait3A_53 = arith.constant 0 : i32
      %dma_wait3A_54 = tpu.memref_slice %arg9[%add3A_17, %dma_wait3A_53] : memref<10240x128xf32, #tpu.memory_space<vmem_shared>> -> memref<80x128xf32, #tpu.memory_space<vmem_shared>>
      tpu.wait_dma2 semaphore(%run_scoped3A : memref<!tpu.dma_semaphore, #tpu.memory_space<semaphore_mem>>) src(%arg8 : memref<80x128xf32, #tpu.memory_space<vmem>>) dst(%dma_wait3A_54 : memref<80x128xf32, #tpu.memory_space<vmem_shared>>)
      tpu.yield
    }) : () -> ()
    %mul3A_18 = arith.constant 640 : i32
    %mul3A_19 = arith.muli %arg1, %mul3A_18 : i32
    %add3A_20 = arith.constant 240 : i32
    %add3A_21 = arith.addi %mul3A_19, %add3A_20 : i32
    "tpu.region"() ({
      %run_scoped3A = tpu.sem_alloc : memref<!tpu.dma_semaphore, #tpu.memory_space<semaphore_mem>>
      %dma_start3A = arith.constant 0 : i32
      %dma_start3A_49 = tpu.memref_slice %arg9[%add3A_21, %dma_start3A] : memref<10240x128xf32, #tpu.memory_space<vmem_shared>> -> memref<80x128xf32, #tpu.memory_space<vmem_shared>>
      %dma_start3A_50 = arith.constant 0 : i32
      %dma_start3A_51 = tpu.memref_slice %arg9[%add3A_21, %dma_start3A_50] : memref<10240x128xf32, #tpu.memory_space<vmem_shared>> -> memref<80x128xf32, #tpu.memory_space<vmem_shared>>
      tpu.enqueue_dma source(%arg8 : memref<80x128xf32, #tpu.memory_space<vmem>>) target(%dma_start3A_51 : memref<80x128xf32, #tpu.memory_space<vmem_shared>>) target_semaphore(%run_scoped3A : memref<!tpu.dma_semaphore, #tpu.memory_space<semaphore_mem>>)
      %dma_wait3A = arith.constant 0 : i32
      %dma_wait3A_52 = tpu.memref_slice %arg9[%add3A_21, %dma_wait3A] : memref<10240x128xf32, #tpu.memory_space<vmem_shared>> -> memref<80x128xf32, #tpu.memory_space<vmem_shared>>
      %dma_wait3A_53 = arith.constant 0 : i32
      %dma_wait3A_54 = tpu.memref_slice %arg9[%add3A_21, %dma_wait3A_53] : memref<10240x128xf32, #tpu.memory_space<vmem_shared>> -> memref<80x128xf32, #tpu.memory_space<vmem_shared>>
      tpu.wait_dma2 semaphore(%run_scoped3A : memref<!tpu.dma_semaphore, #tpu.memory_space<semaphore_mem>>) src(%arg8 : memref<80x128xf32, #tpu.memory_space<vmem>>) dst(%dma_wait3A_54 : memref<80x128xf32, #tpu.memory_space<vmem_shared>>)
      tpu.yield
    }) : () -> ()
    %mul3A_22 = arith.constant 640 : i32
    %mul3A_23 = arith.muli %arg1, %mul3A_22 : i32
    %add3A_24 = arith.constant 320 : i32
    %add3A_25 = arith.addi %mul3A_23, %add3A_24 : i32
    "tpu.region"() ({
      %run_scoped3A = tpu.sem_alloc : memref<!tpu.dma_semaphore, #tpu.memory_space<semaphore_mem>>
      %dma_start3A = arith.constant 0 : i32
      %dma_start3A_49 = tpu.memref_slice %arg9[%add3A_25, %dma_start3A] : memref<10240x128xf32, #tpu.memory_space<vmem_shared>> -> memref<80x128xf32, #tpu.memory_space<vmem_shared>>
      %dma_start3A_50 = arith.constant 0 : i32
      %dma_start3A_51 = tpu.memref_slice %arg9[%add3A_25, %dma_start3A_50] : memref<10240x128xf32, #tpu.memory_space<vmem_shared>> -> memref<80x128xf32, #tpu.memory_space<vmem_shared>>
      tpu.enqueue_dma source(%arg8 : memref<80x128xf32, #tpu.memory_space<vmem>>) target(%dma_start3A_51 : memref<80x128xf32, #tpu.memory_space<vmem_shared>>) target_semaphore(%run_scoped3A : memref<!tpu.dma_semaphore, #tpu.memory_space<semaphore_mem>>)
      %dma_wait3A = arith.constant 0 : i32
      %dma_wait3A_52 = tpu.memref_slice %arg9[%add3A_25, %dma_wait3A] : memref<10240x128xf32, #tpu.memory_space<vmem_shared>> -> memref<80x128xf32, #tpu.memory_space<vmem_shared>>
      %dma_wait3A_53 = arith.constant 0 : i32
      %dma_wait3A_54 = tpu.memref_slice %arg9[%add3A_25, %dma_wait3A_53] : memref<10240x128xf32, #tpu.memory_space<vmem_shared>> -> memref<80x128xf32, #tpu.memory_space<vmem_shared>>
      tpu.wait_dma2 semaphore(%run_scoped3A : memref<!tpu.dma_semaphore, #tpu.memory_space<semaphore_mem>>) src(%arg8 : memref<80x128xf32, #tpu.memory_space<vmem>>) dst(%dma_wait3A_54 : memref<80x128xf32, #tpu.memory_space<vmem_shared>>)
      tpu.yield
    }) : () -> ()
    %mul3A_26 = arith.constant 640 : i32
    %mul3A_27 = arith.muli %arg1, %mul3A_26 : i32
    %add3A_28 = arith.constant 400 : i32
    %add3A_29 = arith.addi %mul3A_27, %add3A_28 : i32
    "tpu.region"() ({
      %run_scoped3A = tpu.sem_alloc : memref<!tpu.dma_semaphore, #tpu.memory_space<semaphore_mem>>
      %dma_start3A = arith.constant 0 : i32
      %dma_start3A_49 = tpu.memref_slice %arg9[%add3A_29, %dma_start3A] : memref<10240x128xf32, #tpu.memory_space<vmem_shared>> -> memref<80x128xf32, #tpu.memory_space<vmem_shared>>
      %dma_start3A_50 = arith.constant 0 : i32
      %dma_start3A_51 = tpu.memref_slice %arg9[%add3A_29, %dma_start3A_50] : memref<10240x128xf32, #tpu.memory_space<vmem_shared>> -> memref<80x128xf32, #tpu.memory_space<vmem_shared>>
      tpu.enqueue_dma source(%arg8 : memref<80x128xf32, #tpu.memory_space<vmem>>) target(%dma_start3A_51 : memref<80x128xf32, #tpu.memory_space<vmem_shared>>) target_semaphore(%run_scoped3A : memref<!tpu.dma_semaphore, #tpu.memory_space<semaphore_mem>>)
      %dma_wait3A = arith.constant 0 : i32
      %dma_wait3A_52 = tpu.memref_slice %arg9[%add3A_29, %dma_wait3A] : memref<10240x128xf32, #tpu.memory_space<vmem_shared>> -> memref<80x128xf32, #tpu.memory_space<vmem_shared>>
      %dma_wait3A_53 = arith.constant 0 : i32
      %dma_wait3A_54 = tpu.memref_slice %arg9[%add3A_29, %dma_wait3A_53] : memref<10240x128xf32, #tpu.memory_space<vmem_shared>> -> memref<80x128xf32, #tpu.memory_space<vmem_shared>>
      tpu.wait_dma2 semaphore(%run_scoped3A : memref<!tpu.dma_semaphore, #tpu.memory_space<semaphore_mem>>) src(%arg8 : memref<80x128xf32, #tpu.memory_space<vmem>>) dst(%dma_wait3A_54 : memref<80x128xf32, #tpu.memory_space<vmem_shared>>)
      tpu.yield
    }) : () -> ()
    %mul3A_30 = arith.constant 640 : i32
    %mul3A_31 = arith.muli %arg1, %mul3A_30 : i32
    %add3A_32 = arith.constant 480 : i32
    %add3A_33 = arith.addi %mul3A_31, %add3A_32 : i32
    "tpu.region"() ({
      %run_scoped3A = tpu.sem_alloc : memref<!tpu.dma_semaphore, #tpu.memory_space<semaphore_mem>>
      %dma_start3A = arith.constant 0 : i32
      %dma_start3A_49 = tpu.memref_slice %arg9[%add3A_33, %dma_start3A] : memref<10240x128xf32, #tpu.memory_space<vmem_shared>> -> memref<80x128xf32, #tpu.memory_space<vmem_shared>>
      %dma_start3A_50 = arith.constant 0 : i32
      %dma_start3A_51 = tpu.memref_slice %arg9[%add3A_33, %dma_start3A_50] : memref<10240x128xf32, #tpu.memory_space<vmem_shared>> -> memref<80x128xf32, #tpu.memory_space<vmem_shared>>
      tpu.enqueue_dma source(%arg8 : memref<80x128xf32, #tpu.memory_space<vmem>>) target(%dma_start3A_51 : memref<80x128xf32, #tpu.memory_space<vmem_shared>>) target_semaphore(%run_scoped3A : memref<!tpu.dma_semaphore, #tpu.memory_space<semaphore_mem>>)
      %dma_wait3A = arith.constant 0 : i32
      %dma_wait3A_52 = tpu.memref_slice %arg9[%add3A_33, %dma_wait3A] : memref<10240x128xf32, #tpu.memory_space<vmem_shared>> -> memref<80x128xf32, #tpu.memory_space<vmem_shared>>
      %dma_wait3A_53 = arith.constant 0 : i32
      %dma_wait3A_54 = tpu.memref_slice %arg9[%add3A_33, %dma_wait3A_53] : memref<10240x128xf32, #tpu.memory_space<vmem_shared>> -> memref<80x128xf32, #tpu.memory_space<vmem_shared>>
      tpu.wait_dma2 semaphore(%run_scoped3A : memref<!tpu.dma_semaphore, #tpu.memory_space<semaphore_mem>>) src(%arg8 : memref<80x128xf32, #tpu.memory_space<vmem>>) dst(%dma_wait3A_54 : memref<80x128xf32, #tpu.memory_space<vmem_shared>>)
      tpu.yield
    }) : () -> ()
    %mul3A_34 = arith.constant 640 : i32
    %mul3A_35 = arith.muli %arg1, %mul3A_34 : i32
    %add3A_36 = arith.constant 560 : i32
    %add3A_37 = arith.addi %mul3A_35, %add3A_36 : i32
    "tpu.region"() ({
      %run_scoped3A = tpu.sem_alloc : memref<!tpu.dma_semaphore, #tpu.memory_space<semaphore_mem>>
      %dma_start3A = arith.constant 0 : i32
      %dma_start3A_49 = tpu.memref_slice %arg9[%add3A_37, %dma_start3A] : memref<10240x128xf32, #tpu.memory_space<vmem_shared>> -> memref<80x128xf32, #tpu.memory_space<vmem_shared>>
      %dma_start3A_50 = arith.constant 0 : i32
      %dma_start3A_51 = tpu.memref_slice %arg9[%add3A_37, %dma_start3A_50] : memref<10240x128xf32, #tpu.memory_space<vmem_shared>> -> memref<80x128xf32, #tpu.memory_space<vmem_shared>>
      tpu.enqueue_dma source(%arg8 : memref<80x128xf32, #tpu.memory_space<vmem>>) target(%dma_start3A_51 : memref<80x128xf32, #tpu.memory_space<vmem_shared>>) target_semaphore(%run_scoped3A : memref<!tpu.dma_semaphore, #tpu.memory_space<semaphore_mem>>)
      %dma_wait3A = arith.constant 0 : i32
      %dma_wait3A_52 = tpu.memref_slice %arg9[%add3A_37, %dma_wait3A] : memref<10240x128xf32, #tpu.memory_space<vmem_shared>> -> memref<80x128xf32, #tpu.memory_space<vmem_shared>>
      %dma_wait3A_53 = arith.constant 0 : i32
      %dma_wait3A_54 = tpu.memref_slice %arg9[%add3A_37, %dma_wait3A_53] : memref<10240x128xf32, #tpu.memory_space<vmem_shared>> -> memref<80x128xf32, #tpu.memory_space<vmem_shared>>
      tpu.wait_dma2 semaphore(%run_scoped3A : memref<!tpu.dma_semaphore, #tpu.memory_space<semaphore_mem>>) src(%arg8 : memref<80x128xf32, #tpu.memory_space<vmem>>) dst(%dma_wait3A_54 : memref<80x128xf32, #tpu.memory_space<vmem_shared>>)
      tpu.yield
    }) : () -> ()
    %barrier3A = arith.constant 0 : index
    tpu.barrier barrier_id(%barrier3A)
    "tpu.region"() ({
      %run_scoped3A = tpu.sem_alloc : memref<!tpu.dma_semaphore, #tpu.memory_space<semaphore_mem>>
      %dma_start3A = arith.constant 0 : i32
      %dma_start3A_49 = arith.constant 0 : i32
      %dma_start3A_50 = tpu.memref_slice %arg3[%add3A, %dma_start3A, %dma_start3A_49] : memref<32x128x80xi32, #tpu.memory_space<hbm>> -> memref<1x128x80xi32, #tpu.memory_space<hbm>>
      %dma_start3A_51 = tpu.memref_squeeze %dma_start3A_50 : memref<1x128x80xi32, #tpu.memory_space<hbm>> -> memref<128x80xi32, #tpu.memory_space<hbm>>
      %dma_start3A_52 = arith.constant 0 : i32
      %dma_start3A_53 = arith.constant 0 : i32
      %dma_start3A_54 = tpu.memref_slice %arg3[%add3A, %dma_start3A_52, %dma_start3A_53] : memref<32x128x80xi32, #tpu.memory_space<hbm>> -> memref<1x128x80xi32, #tpu.memory_space<hbm>>
      %dma_start3A_55 = tpu.memref_squeeze %dma_start3A_54 : memref<1x128x80xi32, #tpu.memory_space<hbm>> -> memref<128x80xi32, #tpu.memory_space<hbm>>
      tpu.enqueue_dma source(%dma_start3A_55 : memref<128x80xi32, #tpu.memory_space<hbm>>) target(%arg6 : memref<128x80xi32, #tpu.memory_space<vmem>>) target_semaphore(%run_scoped3A : memref<!tpu.dma_semaphore, #tpu.memory_space<semaphore_mem>>)
      %dma_wait3A = arith.constant 0 : i32
      %dma_wait3A_56 = arith.constant 0 : i32
      %dma_wait3A_57 = tpu.memref_slice %arg3[%add3A, %dma_wait3A, %dma_wait3A_56] : memref<32x128x80xi32, #tpu.memory_space<hbm>> -> memref<1x128x80xi32, #tpu.memory_space<hbm>>
      %dma_wait3A_58 = tpu.memref_squeeze %dma_wait3A_57 : memref<1x128x80xi32, #tpu.memory_space<hbm>> -> memref<128x80xi32, #tpu.memory_space<hbm>>
      %dma_wait3A_59 = arith.constant 0 : i32
      %dma_wait3A_60 = arith.constant 0 : i32
      %dma_wait3A_61 = tpu.memref_slice %arg3[%add3A, %dma_wait3A_59, %dma_wait3A_60] : memref<32x128x80xi32, #tpu.memory_space<hbm>> -> memref<1x128x80xi32, #tpu.memory_space<hbm>>
      %dma_wait3A_62 = tpu.memref_squeeze %dma_wait3A_61 : memref<1x128x80xi32, #tpu.memory_space<hbm>> -> memref<128x80xi32, #tpu.memory_space<hbm>>
      tpu.wait_dma2 semaphore(%run_scoped3A : memref<!tpu.dma_semaphore, #tpu.memory_space<semaphore_mem>>) src(%dma_wait3A_62 : memref<128x80xi32, #tpu.memory_space<hbm>>) dst(%arg6 : memref<128x80xi32, #tpu.memory_space<vmem>>)
      tpu.yield
    }) : () -> ()
    "tpu.region"() ({
      %run_scoped3A = tpu.sem_alloc : memref<!tpu.dma_semaphore, #tpu.memory_space<semaphore_mem>>
      %dma_start3A = arith.constant 0 : i32
      %dma_start3A_49 = arith.constant 0 : i32
      %dma_start3A_50 = tpu.memref_slice %arg4[%add3A, %dma_start3A, %dma_start3A_49] : memref<32x128x80xi32, #tpu.memory_space<hbm>> -> memref<1x128x80xi32, #tpu.memory_space<hbm>>
      %dma_start3A_51 = tpu.memref_squeeze %dma_start3A_50 : memref<1x128x80xi32, #tpu.memory_space<hbm>> -> memref<128x80xi32, #tpu.memory_space<hbm>>
      %dma_start3A_52 = arith.constant 0 : i32
      %dma_start3A_53 = arith.constant 0 : i32
      %dma_start3A_54 = tpu.memref_slice %arg4[%add3A, %dma_start3A_52, %dma_start3A_53] : memref<32x128x80xi32, #tpu.memory_space<hbm>> -> memref<1x128x80xi32, #tpu.memory_space<hbm>>
      %dma_start3A_55 = tpu.memref_squeeze %dma_start3A_54 : memref<1x128x80xi32, #tpu.memory_space<hbm>> -> memref<128x80xi32, #tpu.memory_space<hbm>>
      tpu.enqueue_dma source(%dma_start3A_55 : memref<128x80xi32, #tpu.memory_space<hbm>>) target(%arg7 : memref<128x80xi32, #tpu.memory_space<vmem>>) target_semaphore(%run_scoped3A : memref<!tpu.dma_semaphore, #tpu.memory_space<semaphore_mem>>)
      %dma_wait3A = arith.constant 0 : i32
      %dma_wait3A_56 = arith.constant 0 : i32
      %dma_wait3A_57 = tpu.memref_slice %arg4[%add3A, %dma_wait3A, %dma_wait3A_56] : memref<32x128x80xi32, #tpu.memory_space<hbm>> -> memref<1x128x80xi32, #tpu.memory_space<hbm>>
      %dma_wait3A_58 = tpu.memref_squeeze %dma_wait3A_57 : memref<1x128x80xi32, #tpu.memory_space<hbm>> -> memref<128x80xi32, #tpu.memory_space<hbm>>
      %dma_wait3A_59 = arith.constant 0 : i32
      %dma_wait3A_60 = arith.constant 0 : i32
      %dma_wait3A_61 = tpu.memref_slice %arg4[%add3A, %dma_wait3A_59, %dma_wait3A_60] : memref<32x128x80xi32, #tpu.memory_space<hbm>> -> memref<1x128x80xi32, #tpu.memory_space<hbm>>
      %dma_wait3A_62 = tpu.memref_squeeze %dma_wait3A_61 : memref<1x128x80xi32, #tpu.memory_space<hbm>> -> memref<128x80xi32, #tpu.memory_space<hbm>>
      tpu.wait_dma2 semaphore(%run_scoped3A : memref<!tpu.dma_semaphore, #tpu.memory_space<semaphore_mem>>) src(%dma_wait3A_62 : memref<128x80xi32, #tpu.memory_space<hbm>>) dst(%arg7 : memref<128x80xi32, #tpu.memory_space<vmem>>)
      tpu.yield
    }) : () -> ()
    %scan3A_38 = arith.constant 0 : i32
    %scan3A_39 = arith.constant 0 : i32
    %scan3A_40 = arith.constant 128 : i32
    %scan3A_41 = arith.addi %scan3A_39, %scan3A_40 : i32
    %scan3A_42 = arith.constant 1 : i32
    scf.for %scan3A_49 = %scan3A_39 to %scan3A_41 step %scan3A_42  : i32 {
      %dma_start3A = arith.constant 0 : i32
      %dma_start3A_50 = tpu.memref_slice %arg6[%scan3A_49, %dma_start3A] : memref<128x80xi32, #tpu.memory_space<vmem>> -> memref<1x80xi32, #tpu.memory_space<vmem>>
      %dma_start3A_51 = tpu.memref_squeeze %dma_start3A_50 : memref<1x80xi32, #tpu.memory_space<vmem>> -> memref<80xi32, #tpu.memory_space<vmem>>
      %dma_start3A_52 = arith.constant 0 : i32
      %dma_start3A_53 = arith.constant 0 : i32
      %dma_start3A_54 = tpu.memref_slice %arg2[%dma_start3A_52, %dma_start3A_53] : memref<10000x128xf32, #tpu.memory_space<hbm>> -> memref<10000x128xf32, #tpu.memory_space<hbm>>
      tpu.enqueue_indirect_dma source(%dma_start3A_54 : memref<10000x128xf32, #tpu.memory_space<hbm>>) target(%arg8 : memref<80x128xf32, #tpu.memory_space<vmem>>) offsets(%dma_start3A_51 : memref<80xi32, #tpu.memory_space<vmem>>) semaphore(%arg10 : memref<!tpu.dma_semaphore, #tpu.memory_space<semaphore_mem>>)
      %dma_wait3A = arith.constant 0 : i32
      %dma_wait3A_55 = tpu.memref_slice %arg6[%scan3A_49, %dma_wait3A] : memref<128x80xi32, #tpu.memory_space<vmem>> -> memref<1x80xi32, #tpu.memory_space<vmem>>
      %dma_wait3A_56 = tpu.memref_squeeze %dma_wait3A_55 : memref<1x80xi32, #tpu.memory_space<vmem>> -> memref<80xi32, #tpu.memory_space<vmem>>
      %dma_wait3A_57 = arith.constant 0 : i32
      %dma_wait3A_58 = arith.constant 0 : i32
      %dma_wait3A_59 = tpu.memref_slice %arg2[%dma_wait3A_57, %dma_wait3A_58] : memref<10000x128xf32, #tpu.memory_space<hbm>> -> memref<10000x128xf32, #tpu.memory_space<hbm>>
      tpu.wait_indirect_dma semaphore(%arg10 : memref<!tpu.dma_semaphore, #tpu.memory_space<semaphore_mem>>) src(%dma_wait3A_59 : memref<10000x128xf32, #tpu.memory_space<hbm>>) dst(%arg8 : memref<80x128xf32, #tpu.memory_space<vmem>>)
      "tpu.region"() ({
        %run_scoped3A = tpu.sem_alloc : memref<!tpu.dma_semaphore, #tpu.memory_space<semaphore_mem>>
        %dma_start3A_60 = arith.constant 0 : i32
        %dma_start3A_61 = tpu.memref_slice %arg7[%scan3A_49, %dma_start3A_60] : memref<128x80xi32, #tpu.memory_space<vmem>> -> memref<1x80xi32, #tpu.memory_space<vmem>>
        %dma_start3A_62 = tpu.memref_squeeze %dma_start3A_61 : memref<1x80xi32, #tpu.memory_space<vmem>> -> memref<80xi32, #tpu.memory_space<vmem>>
        %dma_start3A_63 = arith.constant 0 : i32
        %dma_start3A_64 = arith.constant 0 : i32
        %dma_start3A_65 = tpu.memref_slice %arg9[%dma_start3A_63, %dma_start3A_64] : memref<10240x128xf32, #tpu.memory_space<vmem_shared>> -> memref<10240x128xf32, #tpu.memory_space<vmem_shared>>
        tpu.enqueue_indirect_dma source(%arg8 : memref<80x128xf32, #tpu.memory_space<vmem>>) target(%dma_start3A_65 : memref<10240x128xf32, #tpu.memory_space<vmem_shared>>) offsets(%dma_start3A_62 : memref<80xi32, #tpu.memory_space<vmem>>) semaphore(%run_scoped3A : memref<!tpu.dma_semaphore, #tpu.memory_space<semaphore_mem>>) {add = true}
        %dma_wait3A_66 = arith.constant 0 : i32
        %dma_wait3A_67 = tpu.memref_slice %arg7[%scan3A_49, %dma_wait3A_66] : memref<128x80xi32, #tpu.memory_space<vmem>> -> memref<1x80xi32, #tpu.memory_space<vmem>>
        %dma_wait3A_68 = tpu.memref_squeeze %dma_wait3A_67 : memref<1x80xi32, #tpu.memory_space<vmem>> -> memref<80xi32, #tpu.memory_space<vmem>>
        %dma_wait3A_69 = arith.constant 0 : i32
        %dma_wait3A_70 = arith.constant 0 : i32
        %dma_wait3A_71 = tpu.memref_slice %arg9[%dma_wait3A_69, %dma_wait3A_70] : memref<10240x128xf32, #tpu.memory_space<vmem_shared>> -> memref<10240x128xf32, #tpu.memory_space<vmem_shared>>
        tpu.wait_indirect_dma semaphore(%run_scoped3A : memref<!tpu.dma_semaphore, #tpu.memory_space<semaphore_mem>>) src(%arg8 : memref<80x128xf32, #tpu.memory_space<vmem>>) dst(%dma_wait3A_71 : memref<10240x128xf32, #tpu.memory_space<vmem_shared>>)
        tpu.yield
      }) : () -> ()
    }
    %scan3A_43 = arith.constant 128 : i32
    %barrier3A_44 = arith.constant 0 : index
    tpu.barrier barrier_id(%barrier3A_44)
    %mul3A_45 = arith.constant 640 : i32
    %mul3A_46 = arith.muli %arg1, %mul3A_45 : i32
    %mul3A_47 = arith.constant 640 : i32
    %mul3A_48 = arith.muli %arg1, %mul3A_47 : i32
    "tpu.region"() ({
      %run_scoped3A = tpu.sem_alloc : memref<!tpu.dma_semaphore, #tpu.memory_space<semaphore_mem>>
      %dma_start3A = arith.constant 0 : i32
      %dma_start3A_49 = tpu.memref_slice %arg5[%arg0, %mul3A_48, %dma_start3A] : memref<2x10240x128xf32, #tpu.memory_space<hbm>> -> memref<1x640x128xf32, #tpu.memory_space<hbm>>
      %dma_start3A_50 = tpu.memref_squeeze %dma_start3A_49 : memref<1x640x128xf32, #tpu.memory_space<hbm>> -> memref<640x128xf32, #tpu.memory_space<hbm>>
      %dma_start3A_51 = arith.constant 0 : i32
      %dma_start3A_52 = tpu.memref_slice %arg9[%mul3A_46, %dma_start3A_51] : memref<10240x128xf32, #tpu.memory_space<vmem_shared>> -> memref<640x128xf32, #tpu.memory_space<vmem_shared>>
      tpu.enqueue_dma source(%dma_start3A_52 : memref<640x128xf32, #tpu.memory_space<vmem_shared>>) target(%dma_start3A_50 : memref<640x128xf32, #tpu.memory_space<hbm>>) target_semaphore(%run_scoped3A : memref<!tpu.dma_semaphore, #tpu.memory_space<semaphore_mem>>)
      %dma_wait3A = arith.constant 0 : i32
      %dma_wait3A_53 = tpu.memref_slice %arg5[%arg0, %mul3A_48, %dma_wait3A] : memref<2x10240x128xf32, #tpu.memory_space<hbm>> -> memref<1x640x128xf32, #tpu.memory_space<hbm>>
      %dma_wait3A_54 = tpu.memref_squeeze %dma_wait3A_53 : memref<1x640x128xf32, #tpu.memory_space<hbm>> -> memref<640x128xf32, #tpu.memory_space<hbm>>
      %dma_wait3A_55 = arith.constant 0 : i32
      %dma_wait3A_56 = tpu.memref_slice %arg9[%mul3A_46, %dma_wait3A_55] : memref<10240x128xf32, #tpu.memory_space<vmem_shared>> -> memref<640x128xf32, #tpu.memory_space<vmem_shared>>
      tpu.wait_dma2 semaphore(%run_scoped3A : memref<!tpu.dma_semaphore, #tpu.memory_space<semaphore_mem>>) src(%dma_wait3A_56 : memref<640x128xf32, #tpu.memory_space<vmem_shared>>) dst(%dma_wait3A_54 : memref<640x128xf32, #tpu.memory_space<hbm>>)
      tpu.yield
    }) : () -> ()
    return
  }
}

module attributes {stable_mosaic.version = 14 : i64} {
  func.func @_layer1_body(%arg0: memref<10000x128xf32, #tpu.memory_space<vmem>>, %arg1: memref<10000x128xf32, #tpu.memory_space<vmem>>, %arg2: memref<128x256xf32, #tpu.memory_space<vmem>>, %arg3: memref<1x256xf32, #tpu.memory_space<vmem>>, %arg4: memref<1x256xf32, #tpu.memory_space<vmem>>, %arg5: memref<1x256xf32, #tpu.memory_space<vmem>>, %arg6: memref<256x128xf32, #tpu.memory_space<vmem>>, %arg7: memref<1x128xf32, #tpu.memory_space<vmem>>, %arg8: memref<1x128xf32, #tpu.memory_space<vmem>>, %arg9: memref<1x128xf32, #tpu.memory_space<vmem>>, %arg10: memref<1x128xf32, #tpu.memory_space<vmem>>, %arg11: memref<10000x128xf32, #tpu.memory_space<vmem>>, %arg12: memref<10000x256xf32, #tpu.memory_space<vmem>>, %arg13: memref<10000x128xf32, #tpu.memory_space<vmem>>) attributes {dimension_semantics = [], scalar_prefetch = 0 : i64, scratch_operands = 2 : i64, tpu.core_type = #tpu.core_type<tc>} {
    %get3A = arith.constant 0 : index
    %get3A_0 = arith.constant 0 : index
    %get3A_1 = vector.load %arg0[%get3A, %get3A_0] : memref<10000x128xf32, #tpu.memory_space<vmem>>, vector<10000x128xf32>
    %get3A_2 = arith.constant 0 : index
    %get3A_3 = arith.constant 0 : index
    %get3A_4 = vector.load %arg1[%get3A_2, %get3A_3] : memref<10000x128xf32, #tpu.memory_space<vmem>>, vector<10000x128xf32>
    %add3A = arith.addf %get3A_1, %get3A_4 : vector<10000x128xf32>
    %get3A_5 = arith.constant 0 : index
    %get3A_6 = arith.constant 0 : index
    %get3A_7 = vector.load %arg2[%get3A_5, %get3A_6] : memref<128x256xf32, #tpu.memory_space<vmem>>, vector<128x256xf32>
    %convert_element_type3A = arith.truncf %add3A : vector<10000x128xf32> to vector<10000x128xbf16>
    %convert_element_type3A_8 = arith.truncf %get3A_7 : vector<128x256xf32> to vector<128x256xbf16>
    %dot_general3A = arith.constant dense<0.000000e+00> : vector<10000x256xf32>
    %dot_general3A_9 = tpu.matmul %convert_element_type3A, %convert_element_type3A_8, %dot_general3A {dimension_numbers = #tpu.dot_dimension_numbers<[1], [0], [0], [1], [0, 0, 1, 1], [], []>, transpose_lhs_hint = false} : vector<10000x128xbf16>, vector<128x256xbf16>, vector<10000x256xf32> -> vector<10000x256xf32>
    %get3A_10 = arith.constant 0 : index
    %get3A_11 = arith.constant 0 : index
    %get3A_12 = vector.load %arg3[%get3A_10, %get3A_11] : memref<1x256xf32, #tpu.memory_space<vmem>>, vector<1x256xf32>
    %add3A_13 = vector.broadcast %get3A_12 : vector<1x256xf32> to vector<10000x256xf32>
    %add3A_14 = arith.addf %dot_general3A_9, %add3A_13 : vector<10000x256xf32>
    %swap3A = arith.constant 0 : index
    %swap3A_15 = arith.constant 0 : index
    %swap3A_16 = vector.load %arg12[%swap3A, %swap3A_15] : memref<10000x256xf32, #tpu.memory_space<vmem>>, vector<10000x256xf32>
    tpu.vector_store %arg12[%swap3A, %swap3A_15], %add3A_14 {strides = array<i32>} : memref<10000x256xf32, #tpu.memory_space<vmem>>, vector<10000x256xf32>,
    %get3A_17 = arith.constant 0 : index
    %get3A_18 = arith.constant 0 : index
    %get3A_19 = vector.load %arg4[%get3A_17, %get3A_18] : memref<1x256xf32, #tpu.memory_space<vmem>>, vector<1x256xf32>
    %get3A_20 = arith.constant 0 : index
    %get3A_21 = arith.constant 0 : index
    %get3A_22 = vector.load %arg5[%get3A_20, %get3A_21] : memref<1x256xf32, #tpu.memory_space<vmem>>, vector<1x256xf32>
    %broadcast_in_dim3A = arith.constant 0.000000e+00 : f32
    %broadcast_in_dim3A_23 = vector.broadcast %broadcast_in_dim3A : f32 to vector<8x256xf32>
    %scan3A = arith.constant 0 : i32
    %scan3A_24 = arith.constant 625 : i32
    %scan3A_25 = arith.addi %scan3A, %scan3A_24 : i32
    %scan3A_26 = arith.constant 1 : i32
    %scan3A_27 = scf.for %scan3A_234 = %scan3A to %scan3A_25 step %scan3A_26 iter_args(%scan3A_235 = %broadcast_in_dim3A_23) -> (vector<8x256xf32>)  : i32 {
      %add3A_236 = arith.constant 0 : i32
      %add3A_237 = arith.addi %add3A_236, %scan3A_234 : i32
      %mul3A_238 = arith.constant 8 : i32
      %mul3A_239 = arith.muli %add3A_237, %mul3A_238 : i32
      %get3A_240 = arith.index_cast %mul3A_239 : i32 to index
      %get3A_241 = arith.constant 0 : index
      %get3A_242 = vector.load %arg12[%get3A_240, %get3A_241] : memref<10000x256xf32, #tpu.memory_space<vmem>>, vector<8x256xf32>
      %add3A_243 = arith.addf %scan3A_235, %get3A_242 : vector<8x256xf32>
      scf.yield %add3A_243 : vector<8x256xf32>
    }
    %scan3A_28 = arith.constant 625 : i32
    %slice3A = vector.extract_strided_slice %scan3A_27 {offsets = [0, 0], sizes = [4, 256], strides = [1, 1]} : vector<8x256xf32> to vector<4x256xf32>
    %slice3A_29 = vector.extract_strided_slice %scan3A_27 {offsets = [4, 0], sizes = [4, 256], strides = [1, 1]} : vector<8x256xf32> to vector<4x256xf32>
    %add3A_30 = arith.addf %slice3A, %slice3A_29 : vector<4x256xf32>
    %slice3A_31 = vector.extract_strided_slice %add3A_30 {offsets = [0, 0], sizes = [2, 256], strides = [1, 1]} : vector<4x256xf32> to vector<2x256xf32>
    %slice3A_32 = vector.extract_strided_slice %add3A_30 {offsets = [2, 0], sizes = [2, 256], strides = [1, 1]} : vector<4x256xf32> to vector<2x256xf32>
    %add3A_33 = arith.addf %slice3A_31, %slice3A_32 : vector<2x256xf32>
    %slice3A_34 = vector.extract_strided_slice %add3A_33 {offsets = [0, 0], sizes = [1, 256], strides = [1, 1]} : vector<2x256xf32> to vector<1x256xf32>
    %slice3A_35 = vector.extract_strided_slice %add3A_33 {offsets = [1, 0], sizes = [1, 256], strides = [1, 1]} : vector<2x256xf32> to vector<1x256xf32>
    %add3A_36 = arith.addf %slice3A_34, %slice3A_35 : vector<1x256xf32>
    %broadcast_in_dim3A_37 = arith.constant 0.000000e+00 : f32
    %broadcast_in_dim3A_38 = vector.broadcast %broadcast_in_dim3A_37 : f32 to vector<8x256xf32>
    %scan3A_39 = arith.constant 0 : i32
    %scan3A_40 = arith.constant 625 : i32
    %scan3A_41 = arith.addi %scan3A_39, %scan3A_40 : i32
    %scan3A_42 = arith.constant 1 : i32
    %scan3A_43 = scf.for %scan3A_234 = %scan3A_39 to %scan3A_41 step %scan3A_42 iter_args(%scan3A_235 = %broadcast_in_dim3A_38) -> (vector<8x256xf32>)  : i32 {
      %add3A_236 = arith.constant 625 : i32
      %add3A_237 = arith.addi %add3A_236, %scan3A_234 : i32
      %mul3A_238 = arith.constant 8 : i32
      %mul3A_239 = arith.muli %add3A_237, %mul3A_238 : i32
      %get3A_240 = arith.index_cast %mul3A_239 : i32 to index
      %get3A_241 = arith.constant 0 : index
      %get3A_242 = vector.load %arg12[%get3A_240, %get3A_241] : memref<10000x256xf32, #tpu.memory_space<vmem>>, vector<8x256xf32>
      %add3A_243 = arith.addf %scan3A_235, %get3A_242 : vector<8x256xf32>
      scf.yield %add3A_243 : vector<8x256xf32>
    }
    %scan3A_44 = arith.constant 625 : i32
    %slice3A_45 = vector.extract_strided_slice %scan3A_43 {offsets = [0, 0], sizes = [4, 256], strides = [1, 1]} : vector<8x256xf32> to vector<4x256xf32>
    %slice3A_46 = vector.extract_strided_slice %scan3A_43 {offsets = [4, 0], sizes = [4, 256], strides = [1, 1]} : vector<8x256xf32> to vector<4x256xf32>
    %add3A_47 = arith.addf %slice3A_45, %slice3A_46 : vector<4x256xf32>
    %slice3A_48 = vector.extract_strided_slice %add3A_47 {offsets = [0, 0], sizes = [2, 256], strides = [1, 1]} : vector<4x256xf32> to vector<2x256xf32>
    %slice3A_49 = vector.extract_strided_slice %add3A_47 {offsets = [2, 0], sizes = [2, 256], strides = [1, 1]} : vector<4x256xf32> to vector<2x256xf32>
    %add3A_50 = arith.addf %slice3A_48, %slice3A_49 : vector<2x256xf32>
    %slice3A_51 = vector.extract_strided_slice %add3A_50 {offsets = [0, 0], sizes = [1, 256], strides = [1, 1]} : vector<2x256xf32> to vector<1x256xf32>
    %slice3A_52 = vector.extract_strided_slice %add3A_50 {offsets = [1, 0], sizes = [1, 256], strides = [1, 1]} : vector<2x256xf32> to vector<1x256xf32>
    %add3A_53 = arith.addf %slice3A_51, %slice3A_52 : vector<1x256xf32>
    %add3A_54 = arith.addf %add3A_36, %add3A_53 : vector<1x256xf32>
    %mul3A = arith.constant 9.99999974E-5 : f32
    %mul3A_55 = vector.broadcast %mul3A : f32 to vector<1x256xf32>
    %mul3A_56 = arith.mulf %add3A_54, %mul3A_55 : vector<1x256xf32>
    %sub3A = vector.broadcast %mul3A_56 : vector<1x256xf32> to vector<10000x256xf32>
    %sub3A_57 = arith.subf %add3A_14, %sub3A : vector<10000x256xf32>
    %mul3A_58 = arith.mulf %sub3A_57, %sub3A_57 : vector<10000x256xf32>
    %swap3A_59 = arith.constant 0 : index
    %swap3A_60 = arith.constant 0 : index
    %swap3A_61 = vector.load %arg12[%swap3A_59, %swap3A_60] : memref<10000x256xf32, #tpu.memory_space<vmem>>, vector<10000x256xf32>
    tpu.vector_store %arg12[%swap3A_59, %swap3A_60], %mul3A_58 {strides = array<i32>} : memref<10000x256xf32, #tpu.memory_space<vmem>>, vector<10000x256xf32>,
    %broadcast_in_dim3A_62 = arith.constant 0.000000e+00 : f32
    %broadcast_in_dim3A_63 = vector.broadcast %broadcast_in_dim3A_62 : f32 to vector<8x256xf32>
    %scan3A_64 = arith.constant 0 : i32
    %scan3A_65 = arith.constant 625 : i32
    %scan3A_66 = arith.addi %scan3A_64, %scan3A_65 : i32
    %scan3A_67 = arith.constant 1 : i32
    %scan3A_68 = scf.for %scan3A_234 = %scan3A_64 to %scan3A_66 step %scan3A_67 iter_args(%scan3A_235 = %broadcast_in_dim3A_63) -> (vector<8x256xf32>)  : i32 {
      %add3A_236 = arith.constant 0 : i32
      %add3A_237 = arith.addi %add3A_236, %scan3A_234 : i32
      %mul3A_238 = arith.constant 8 : i32
      %mul3A_239 = arith.muli %add3A_237, %mul3A_238 : i32
      %get3A_240 = arith.index_cast %mul3A_239 : i32 to index
      %get3A_241 = arith.constant 0 : index
      %get3A_242 = vector.load %arg12[%get3A_240, %get3A_241] : memref<10000x256xf32, #tpu.memory_space<vmem>>, vector<8x256xf32>
      %add3A_243 = arith.addf %scan3A_235, %get3A_242 : vector<8x256xf32>
      scf.yield %add3A_243 : vector<8x256xf32>
    }
    %scan3A_69 = arith.constant 625 : i32
    %slice3A_70 = vector.extract_strided_slice %scan3A_68 {offsets = [0, 0], sizes = [4, 256], strides = [1, 1]} : vector<8x256xf32> to vector<4x256xf32>
    %slice3A_71 = vector.extract_strided_slice %scan3A_68 {offsets = [4, 0], sizes = [4, 256], strides = [1, 1]} : vector<8x256xf32> to vector<4x256xf32>
    %add3A_72 = arith.addf %slice3A_70, %slice3A_71 : vector<4x256xf32>
    %slice3A_73 = vector.extract_strided_slice %add3A_72 {offsets = [0, 0], sizes = [2, 256], strides = [1, 1]} : vector<4x256xf32> to vector<2x256xf32>
    %slice3A_74 = vector.extract_strided_slice %add3A_72 {offsets = [2, 0], sizes = [2, 256], strides = [1, 1]} : vector<4x256xf32> to vector<2x256xf32>
    %add3A_75 = arith.addf %slice3A_73, %slice3A_74 : vector<2x256xf32>
    %slice3A_76 = vector.extract_strided_slice %add3A_75 {offsets = [0, 0], sizes = [1, 256], strides = [1, 1]} : vector<2x256xf32> to vector<1x256xf32>
    %slice3A_77 = vector.extract_strided_slice %add3A_75 {offsets = [1, 0], sizes = [1, 256], strides = [1, 1]} : vector<2x256xf32> to vector<1x256xf32>
    %add3A_78 = arith.addf %slice3A_76, %slice3A_77 : vector<1x256xf32>
    %broadcast_in_dim3A_79 = arith.constant 0.000000e+00 : f32
    %broadcast_in_dim3A_80 = vector.broadcast %broadcast_in_dim3A_79 : f32 to vector<8x256xf32>
    %scan3A_81 = arith.constant 0 : i32
    %scan3A_82 = arith.constant 625 : i32
    %scan3A_83 = arith.addi %scan3A_81, %scan3A_82 : i32
    %scan3A_84 = arith.constant 1 : i32
    %scan3A_85 = scf.for %scan3A_234 = %scan3A_81 to %scan3A_83 step %scan3A_84 iter_args(%scan3A_235 = %broadcast_in_dim3A_80) -> (vector<8x256xf32>)  : i32 {
      %add3A_236 = arith.constant 625 : i32
      %add3A_237 = arith.addi %add3A_236, %scan3A_234 : i32
      %mul3A_238 = arith.constant 8 : i32
      %mul3A_239 = arith.muli %add3A_237, %mul3A_238 : i32
      %get3A_240 = arith.index_cast %mul3A_239 : i32 to index
      %get3A_241 = arith.constant 0 : index
      %get3A_242 = vector.load %arg12[%get3A_240, %get3A_241] : memref<10000x256xf32, #tpu.memory_space<vmem>>, vector<8x256xf32>
      %add3A_243 = arith.addf %scan3A_235, %get3A_242 : vector<8x256xf32>
      scf.yield %add3A_243 : vector<8x256xf32>
    }
    %scan3A_86 = arith.constant 625 : i32
    %slice3A_87 = vector.extract_strided_slice %scan3A_85 {offsets = [0, 0], sizes = [4, 256], strides = [1, 1]} : vector<8x256xf32> to vector<4x256xf32>
    %slice3A_88 = vector.extract_strided_slice %scan3A_85 {offsets = [4, 0], sizes = [4, 256], strides = [1, 1]} : vector<8x256xf32> to vector<4x256xf32>
    %add3A_89 = arith.addf %slice3A_87, %slice3A_88 : vector<4x256xf32>
    %slice3A_90 = vector.extract_strided_slice %add3A_89 {offsets = [0, 0], sizes = [2, 256], strides = [1, 1]} : vector<4x256xf32> to vector<2x256xf32>
    %slice3A_91 = vector.extract_strided_slice %add3A_89 {offsets = [2, 0], sizes = [2, 256], strides = [1, 1]} : vector<4x256xf32> to vector<2x256xf32>
    %add3A_92 = arith.addf %slice3A_90, %slice3A_91 : vector<2x256xf32>
    %slice3A_93 = vector.extract_strided_slice %add3A_92 {offsets = [0, 0], sizes = [1, 256], strides = [1, 1]} : vector<2x256xf32> to vector<1x256xf32>
    %slice3A_94 = vector.extract_strided_slice %add3A_92 {offsets = [1, 0], sizes = [1, 256], strides = [1, 1]} : vector<2x256xf32> to vector<1x256xf32>
    %add3A_95 = arith.addf %slice3A_93, %slice3A_94 : vector<1x256xf32>
    %add3A_96 = arith.addf %add3A_78, %add3A_95 : vector<1x256xf32>
    %mul3A_97 = arith.constant 9.99999974E-5 : f32
    %mul3A_98 = vector.broadcast %mul3A_97 : f32 to vector<1x256xf32>
    %mul3A_99 = arith.mulf %add3A_96, %mul3A_98 : vector<1x256xf32>
    %mul3A_100 = vector.broadcast %get3A_19 : vector<1x256xf32> to vector<10000x256xf32>
    %mul3A_101 = arith.mulf %mul3A_100, %sub3A_57 : vector<10000x256xf32>
    %add3A_102 = arith.constant 9.99999974E-6 : f32
    %add3A_103 = vector.broadcast %add3A_102 : f32 to vector<1x256xf32>
    %add3A_104 = arith.addf %mul3A_99, %add3A_103 : vector<1x256xf32>
    %sqrt3A = math.sqrt %add3A_104 : vector<1x256xf32>
    %div3A = vector.broadcast %sqrt3A : vector<1x256xf32> to vector<10000x256xf32>
    %div3A_105 = arith.divf %mul3A_101, %div3A : vector<10000x256xf32>
    %add3A_106 = vector.broadcast %get3A_22 : vector<1x256xf32> to vector<10000x256xf32>
    %add3A_107 = arith.addf %div3A_105, %add3A_106 : vector<10000x256xf32>
    %max3A = arith.constant 0.000000e+00 : f32
    %max3A_108 = vector.broadcast %max3A : f32 to vector<10000x256xf32>
    %max3A_109 = arith.maximumf %add3A_107, %max3A_108 : vector<10000x256xf32>
    %get3A_110 = arith.constant 0 : index
    %get3A_111 = arith.constant 0 : index
    %get3A_112 = vector.load %arg6[%get3A_110, %get3A_111] : memref<256x128xf32, #tpu.memory_space<vmem>>, vector<256x128xf32>
    %convert_element_type3A_113 = arith.truncf %max3A_109 : vector<10000x256xf32> to vector<10000x256xbf16>
    %convert_element_type3A_114 = arith.truncf %get3A_112 : vector<256x128xf32> to vector<256x128xbf16>
    %dot_general3A_115 = arith.constant dense<0.000000e+00> : vector<10000x128xf32>
    %dot_general3A_116 = tpu.matmul %convert_element_type3A_113, %convert_element_type3A_114, %dot_general3A_115 {dimension_numbers = #tpu.dot_dimension_numbers<[1], [0], [0], [1], [0, 0, 1, 1], [], []>, transpose_lhs_hint = false} : vector<10000x256xbf16>, vector<256x128xbf16>, vector<10000x128xf32> -> vector<10000x128xf32>
    %get3A_117 = arith.constant 0 : index
    %get3A_118 = arith.constant 0 : index
    %get3A_119 = vector.load %arg7[%get3A_117, %get3A_118] : memref<1x128xf32, #tpu.memory_space<vmem>>, vector<1x128xf32>
    %add3A_120 = vector.broadcast %get3A_119 : vector<1x128xf32> to vector<10000x128xf32>
    %add3A_121 = arith.addf %dot_general3A_116, %add3A_120 : vector<10000x128xf32>
    %swap3A_122 = arith.constant 0 : index
    %swap3A_123 = arith.constant 0 : index
    %swap3A_124 = vector.load %arg13[%swap3A_122, %swap3A_123] : memref<10000x128xf32, #tpu.memory_space<vmem>>, vector<10000x128xf32>
    tpu.vector_store %arg13[%swap3A_122, %swap3A_123], %add3A_121 {strides = array<i32>} : memref<10000x128xf32, #tpu.memory_space<vmem>>, vector<10000x128xf32>,
    %get3A_125 = arith.constant 0 : index
    %get3A_126 = arith.constant 0 : index
    %get3A_127 = vector.load %arg8[%get3A_125, %get3A_126] : memref<1x128xf32, #tpu.memory_space<vmem>>, vector<1x128xf32>
    %get3A_128 = arith.constant 0 : index
    %get3A_129 = arith.constant 0 : index
    %get3A_130 = vector.load %arg9[%get3A_128, %get3A_129] : memref<1x128xf32, #tpu.memory_space<vmem>>, vector<1x128xf32>
    %broadcast_in_dim3A_131 = arith.constant 0.000000e+00 : f32
    %broadcast_in_dim3A_132 = vector.broadcast %broadcast_in_dim3A_131 : f32 to vector<8x128xf32>
    %scan3A_133 = arith.constant 0 : i32
    %scan3A_134 = arith.constant 625 : i32
    %scan3A_135 = arith.addi %scan3A_133, %scan3A_134 : i32
    %scan3A_136 = arith.constant 1 : i32
    %scan3A_137 = scf.for %scan3A_234 = %scan3A_133 to %scan3A_135 step %scan3A_136 iter_args(%scan3A_235 = %broadcast_in_dim3A_132) -> (vector<8x128xf32>)  : i32 {
      %add3A_236 = arith.constant 0 : i32
      %add3A_237 = arith.addi %add3A_236, %scan3A_234 : i32
      %mul3A_238 = arith.constant 8 : i32
      %mul3A_239 = arith.muli %add3A_237, %mul3A_238 : i32
      %get3A_240 = arith.index_cast %mul3A_239 : i32 to index
      %get3A_241 = arith.constant 0 : index
      %get3A_242 = vector.load %arg13[%get3A_240, %get3A_241] : memref<10000x128xf32, #tpu.memory_space<vmem>>, vector<8x128xf32>
      %add3A_243 = arith.addf %scan3A_235, %get3A_242 : vector<8x128xf32>
      scf.yield %add3A_243 : vector<8x128xf32>
    }
    %scan3A_138 = arith.constant 625 : i32
    %slice3A_139 = vector.extract_strided_slice %scan3A_137 {offsets = [0, 0], sizes = [4, 128], strides = [1, 1]} : vector<8x128xf32> to vector<4x128xf32>
    %slice3A_140 = vector.extract_strided_slice %scan3A_137 {offsets = [4, 0], sizes = [4, 128], strides = [1, 1]} : vector<8x128xf32> to vector<4x128xf32>
    %add3A_141 = arith.addf %slice3A_139, %slice3A_140 : vector<4x128xf32>
    %slice3A_142 = vector.extract_strided_slice %add3A_141 {offsets = [0, 0], sizes = [2, 128], strides = [1, 1]} : vector<4x128xf32> to vector<2x128xf32>
    %slice3A_143 = vector.extract_strided_slice %add3A_141 {offsets = [2, 0], sizes = [2, 128], strides = [1, 1]} : vector<4x128xf32> to vector<2x128xf32>
    %add3A_144 = arith.addf %slice3A_142, %slice3A_143 : vector<2x128xf32>
    %slice3A_145 = vector.extract_strided_slice %add3A_144 {offsets = [0, 0], sizes = [1, 128], strides = [1, 1]} : vector<2x128xf32> to vector<1x128xf32>
    %slice3A_146 = vector.extract_strided_slice %add3A_144 {offsets = [1, 0], sizes = [1, 128], strides = [1, 1]} : vector<2x128xf32> to vector<1x128xf32>
    %add3A_147 = arith.addf %slice3A_145, %slice3A_146 : vector<1x128xf32>
    %broadcast_in_dim3A_148 = arith.constant 0.000000e+00 : f32
    %broadcast_in_dim3A_149 = vector.broadcast %broadcast_in_dim3A_148 : f32 to vector<8x128xf32>
    %scan3A_150 = arith.constant 0 : i32
    %scan3A_151 = arith.constant 625 : i32
    %scan3A_152 = arith.addi %scan3A_150, %scan3A_151 : i32
    %scan3A_153 = arith.constant 1 : i32
    %scan3A_154 = scf.for %scan3A_234 = %scan3A_150 to %scan3A_152 step %scan3A_153 iter_args(%scan3A_235 = %broadcast_in_dim3A_149) -> (vector<8x128xf32>)  : i32 {
      %add3A_236 = arith.constant 625 : i32
      %add3A_237 = arith.addi %add3A_236, %scan3A_234 : i32
      %mul3A_238 = arith.constant 8 : i32
      %mul3A_239 = arith.muli %add3A_237, %mul3A_238 : i32
      %get3A_240 = arith.index_cast %mul3A_239 : i32 to index
      %get3A_241 = arith.constant 0 : index
      %get3A_242 = vector.load %arg13[%get3A_240, %get3A_241] : memref<10000x128xf32, #tpu.memory_space<vmem>>, vector<8x128xf32>
      %add3A_243 = arith.addf %scan3A_235, %get3A_242 : vector<8x128xf32>
      scf.yield %add3A_243 : vector<8x128xf32>
    }
    %scan3A_155 = arith.constant 625 : i32
    %slice3A_156 = vector.extract_strided_slice %scan3A_154 {offsets = [0, 0], sizes = [4, 128], strides = [1, 1]} : vector<8x128xf32> to vector<4x128xf32>
    %slice3A_157 = vector.extract_strided_slice %scan3A_154 {offsets = [4, 0], sizes = [4, 128], strides = [1, 1]} : vector<8x128xf32> to vector<4x128xf32>
    %add3A_158 = arith.addf %slice3A_156, %slice3A_157 : vector<4x128xf32>
    %slice3A_159 = vector.extract_strided_slice %add3A_158 {offsets = [0, 0], sizes = [2, 128], strides = [1, 1]} : vector<4x128xf32> to vector<2x128xf32>
    %slice3A_160 = vector.extract_strided_slice %add3A_158 {offsets = [2, 0], sizes = [2, 128], strides = [1, 1]} : vector<4x128xf32> to vector<2x128xf32>
    %add3A_161 = arith.addf %slice3A_159, %slice3A_160 : vector<2x128xf32>
    %slice3A_162 = vector.extract_strided_slice %add3A_161 {offsets = [0, 0], sizes = [1, 128], strides = [1, 1]} : vector<2x128xf32> to vector<1x128xf32>
    %slice3A_163 = vector.extract_strided_slice %add3A_161 {offsets = [1, 0], sizes = [1, 128], strides = [1, 1]} : vector<2x128xf32> to vector<1x128xf32>
    %add3A_164 = arith.addf %slice3A_162, %slice3A_163 : vector<1x128xf32>
    %add3A_165 = arith.addf %add3A_147, %add3A_164 : vector<1x128xf32>
    %mul3A_166 = arith.constant 9.99999974E-5 : f32
    %mul3A_167 = vector.broadcast %mul3A_166 : f32 to vector<1x128xf32>
    %mul3A_168 = arith.mulf %add3A_165, %mul3A_167 : vector<1x128xf32>
    %sub3A_169 = vector.broadcast %mul3A_168 : vector<1x128xf32> to vector<10000x128xf32>
    %sub3A_170 = arith.subf %add3A_121, %sub3A_169 : vector<10000x128xf32>
    %mul3A_171 = arith.mulf %sub3A_170, %sub3A_170 : vector<10000x128xf32>
    %swap3A_172 = arith.constant 0 : index
    %swap3A_173 = arith.constant 0 : index
    %swap3A_174 = vector.load %arg13[%swap3A_172, %swap3A_173] : memref<10000x128xf32, #tpu.memory_space<vmem>>, vector<10000x128xf32>
    tpu.vector_store %arg13[%swap3A_172, %swap3A_173], %mul3A_171 {strides = array<i32>} : memref<10000x128xf32, #tpu.memory_space<vmem>>, vector<10000x128xf32>,
    %broadcast_in_dim3A_175 = arith.constant 0.000000e+00 : f32
    %broadcast_in_dim3A_176 = vector.broadcast %broadcast_in_dim3A_175 : f32 to vector<8x128xf32>
    %scan3A_177 = arith.constant 0 : i32
    %scan3A_178 = arith.constant 625 : i32
    %scan3A_179 = arith.addi %scan3A_177, %scan3A_178 : i32
    %scan3A_180 = arith.constant 1 : i32
    %scan3A_181 = scf.for %scan3A_234 = %scan3A_177 to %scan3A_179 step %scan3A_180 iter_args(%scan3A_235 = %broadcast_in_dim3A_176) -> (vector<8x128xf32>)  : i32 {
      %add3A_236 = arith.constant 0 : i32
      %add3A_237 = arith.addi %add3A_236, %scan3A_234 : i32
      %mul3A_238 = arith.constant 8 : i32
      %mul3A_239 = arith.muli %add3A_237, %mul3A_238 : i32
      %get3A_240 = arith.index_cast %mul3A_239 : i32 to index
      %get3A_241 = arith.constant 0 : index
      %get3A_242 = vector.load %arg13[%get3A_240, %get3A_241] : memref<10000x128xf32, #tpu.memory_space<vmem>>, vector<8x128xf32>
      %add3A_243 = arith.addf %scan3A_235, %get3A_242 : vector<8x128xf32>
      scf.yield %add3A_243 : vector<8x128xf32>
    }
    %scan3A_182 = arith.constant 625 : i32
    %slice3A_183 = vector.extract_strided_slice %scan3A_181 {offsets = [0, 0], sizes = [4, 128], strides = [1, 1]} : vector<8x128xf32> to vector<4x128xf32>
    %slice3A_184 = vector.extract_strided_slice %scan3A_181 {offsets = [4, 0], sizes = [4, 128], strides = [1, 1]} : vector<8x128xf32> to vector<4x128xf32>
    %add3A_185 = arith.addf %slice3A_183, %slice3A_184 : vector<4x128xf32>
    %slice3A_186 = vector.extract_strided_slice %add3A_185 {offsets = [0, 0], sizes = [2, 128], strides = [1, 1]} : vector<4x128xf32> to vector<2x128xf32>
    %slice3A_187 = vector.extract_strided_slice %add3A_185 {offsets = [2, 0], sizes = [2, 128], strides = [1, 1]} : vector<4x128xf32> to vector<2x128xf32>
    %add3A_188 = arith.addf %slice3A_186, %slice3A_187 : vector<2x128xf32>
    %slice3A_189 = vector.extract_strided_slice %add3A_188 {offsets = [0, 0], sizes = [1, 128], strides = [1, 1]} : vector<2x128xf32> to vector<1x128xf32>
    %slice3A_190 = vector.extract_strided_slice %add3A_188 {offsets = [1, 0], sizes = [1, 128], strides = [1, 1]} : vector<2x128xf32> to vector<1x128xf32>
    %add3A_191 = arith.addf %slice3A_189, %slice3A_190 : vector<1x128xf32>
    %broadcast_in_dim3A_192 = arith.constant 0.000000e+00 : f32
    %broadcast_in_dim3A_193 = vector.broadcast %broadcast_in_dim3A_192 : f32 to vector<8x128xf32>
    %scan3A_194 = arith.constant 0 : i32
    %scan3A_195 = arith.constant 625 : i32
    %scan3A_196 = arith.addi %scan3A_194, %scan3A_195 : i32
    %scan3A_197 = arith.constant 1 : i32
    %scan3A_198 = scf.for %scan3A_234 = %scan3A_194 to %scan3A_196 step %scan3A_197 iter_args(%scan3A_235 = %broadcast_in_dim3A_193) -> (vector<8x128xf32>)  : i32 {
      %add3A_236 = arith.constant 625 : i32
      %add3A_237 = arith.addi %add3A_236, %scan3A_234 : i32
      %mul3A_238 = arith.constant 8 : i32
      %mul3A_239 = arith.muli %add3A_237, %mul3A_238 : i32
      %get3A_240 = arith.index_cast %mul3A_239 : i32 to index
      %get3A_241 = arith.constant 0 : index
      %get3A_242 = vector.load %arg13[%get3A_240, %get3A_241] : memref<10000x128xf32, #tpu.memory_space<vmem>>, vector<8x128xf32>
      %add3A_243 = arith.addf %scan3A_235, %get3A_242 : vector<8x128xf32>
      scf.yield %add3A_243 : vector<8x128xf32>
    }
    %scan3A_199 = arith.constant 625 : i32
    %slice3A_200 = vector.extract_strided_slice %scan3A_198 {offsets = [0, 0], sizes = [4, 128], strides = [1, 1]} : vector<8x128xf32> to vector<4x128xf32>
    %slice3A_201 = vector.extract_strided_slice %scan3A_198 {offsets = [4, 0], sizes = [4, 128], strides = [1, 1]} : vector<8x128xf32> to vector<4x128xf32>
    %add3A_202 = arith.addf %slice3A_200, %slice3A_201 : vector<4x128xf32>
    %slice3A_203 = vector.extract_strided_slice %add3A_202 {offsets = [0, 0], sizes = [2, 128], strides = [1, 1]} : vector<4x128xf32> to vector<2x128xf32>
    %slice3A_204 = vector.extract_strided_slice %add3A_202 {offsets = [2, 0], sizes = [2, 128], strides = [1, 1]} : vector<4x128xf32> to vector<2x128xf32>
    %add3A_205 = arith.addf %slice3A_203, %slice3A_204 : vector<2x128xf32>
    %slice3A_206 = vector.extract_strided_slice %add3A_205 {offsets = [0, 0], sizes = [1, 128], strides = [1, 1]} : vector<2x128xf32> to vector<1x128xf32>
    %slice3A_207 = vector.extract_strided_slice %add3A_205 {offsets = [1, 0], sizes = [1, 128], strides = [1, 1]} : vector<2x128xf32> to vector<1x128xf32>
    %add3A_208 = arith.addf %slice3A_206, %slice3A_207 : vector<1x128xf32>
    %add3A_209 = arith.addf %add3A_191, %add3A_208 : vector<1x128xf32>
    %mul3A_210 = arith.constant 9.99999974E-5 : f32
    %mul3A_211 = vector.broadcast %mul3A_210 : f32 to vector<1x128xf32>
    %mul3A_212 = arith.mulf %add3A_209, %mul3A_211 : vector<1x128xf32>
    %mul3A_213 = vector.broadcast %get3A_127 : vector<1x128xf32> to vector<10000x128xf32>
    %mul3A_214 = arith.mulf %mul3A_213, %sub3A_170 : vector<10000x128xf32>
    %add3A_215 = arith.constant 9.99999974E-6 : f32
    %add3A_216 = vector.broadcast %add3A_215 : f32 to vector<1x128xf32>
    %add3A_217 = arith.addf %mul3A_212, %add3A_216 : vector<1x128xf32>
    %sqrt3A_218 = math.sqrt %add3A_217 : vector<1x128xf32>
    %div3A_219 = vector.broadcast %sqrt3A_218 : vector<1x128xf32> to vector<10000x128xf32>
    %div3A_220 = arith.divf %mul3A_214, %div3A_219 : vector<10000x128xf32>
    %add3A_221 = vector.broadcast %get3A_130 : vector<1x128xf32> to vector<10000x128xf32>
    %add3A_222 = arith.addf %div3A_220, %add3A_221 : vector<10000x128xf32>
    %max3A_223 = arith.constant 0.000000e+00 : f32
    %max3A_224 = vector.broadcast %max3A_223 : f32 to vector<10000x128xf32>
    %max3A_225 = arith.maximumf %add3A_222, %max3A_224 : vector<10000x128xf32>
    %get3A_226 = arith.constant 0 : index
    %get3A_227 = arith.constant 0 : index
    %get3A_228 = vector.load %arg10[%get3A_226, %get3A_227] : memref<1x128xf32, #tpu.memory_space<vmem>>, vector<1x128xf32>
    %add3A_229 = vector.broadcast %get3A_228 : vector<1x128xf32> to vector<10000x128xf32>
    %add3A_230 = arith.addf %max3A_225, %add3A_229 : vector<10000x128xf32>
    %swap3A_231 = arith.constant 0 : index
    %swap3A_232 = arith.constant 0 : index
    %swap3A_233 = vector.load %arg11[%swap3A_231, %swap3A_232] : memref<10000x128xf32, #tpu.memory_space<vmem>>, vector<10000x128xf32>
    tpu.vector_store %arg11[%swap3A_231, %swap3A_232], %add3A_230 {strides = array<i32>} : memref<10000x128xf32, #tpu.memory_space<vmem>>, vector<10000x128xf32>,
    return
  }
}

module attributes {stable_mosaic.version = 14 : i64} {
  func.func @_layer2_body(%arg0: memref<10000x128xf32, #tpu.memory_space<vmem>>, %arg1: memref<10000x128xf32, #tpu.memory_space<vmem>>, %arg2: memref<128x256xf32, #tpu.memory_space<vmem>>, %arg3: memref<1x256xf32, #tpu.memory_space<vmem>>, %arg4: memref<1x256xf32, #tpu.memory_space<vmem>>, %arg5: memref<1x256xf32, #tpu.memory_space<vmem>>, %arg6: memref<256x128xf32, #tpu.memory_space<vmem>>, %arg7: memref<1x128xf32, #tpu.memory_space<vmem>>, %arg8: memref<1x128xf32, #tpu.memory_space<vmem>>, %arg9: memref<1x128xf32, #tpu.memory_space<vmem>>, %arg10: memref<10000x1xi32, #tpu.memory_space<vmem>>, %arg11: memref<1x10000xi32, #tpu.memory_space<vmem>>, %arg12: memref<1x128xf32, #tpu.memory_space<vmem>>, %arg13: memref<128x256xf32, #tpu.memory_space<vmem>>, %arg14: memref<1x256xf32, #tpu.memory_space<vmem>>, %arg15: memref<1x256xf32, #tpu.memory_space<vmem>>, %arg16: memref<1x256xf32, #tpu.memory_space<vmem>>, %arg17: memref<256x128xf32, #tpu.memory_space<vmem>>, %arg18: memref<1x128xf32, #tpu.memory_space<vmem>>, %arg19: memref<1x128xf32, #tpu.memory_space<vmem>>, %arg20: memref<1x128xf32, #tpu.memory_space<vmem>>, %arg21: memref<10000x128xf32, #tpu.memory_space<vmem>>) attributes {dimension_semantics = [], scalar_prefetch = 0 : i64, scratch_operands = 0 : i64, tpu.core_type = #tpu.core_type<tc>} {
    %get3A = arith.constant 0 : index
    %get3A_0 = arith.constant 0 : index
    %get3A_1 = vector.load %arg0[%get3A, %get3A_0] : memref<10000x128xf32, #tpu.memory_space<vmem>>, vector<10000x128xf32>
    %get3A_2 = arith.constant 0 : index
    %get3A_3 = arith.constant 0 : index
    %get3A_4 = vector.load %arg1[%get3A_2, %get3A_3] : memref<10000x128xf32, #tpu.memory_space<vmem>>, vector<10000x128xf32>
    %add3A = arith.addf %get3A_1, %get3A_4 : vector<10000x128xf32>
    %get3A_5 = arith.constant 0 : index
    %get3A_6 = arith.constant 0 : index
    %get3A_7 = vector.load %arg2[%get3A_5, %get3A_6] : memref<128x256xf32, #tpu.memory_space<vmem>>, vector<128x256xf32>
    %get3A_8 = arith.constant 0 : index
    %get3A_9 = arith.constant 0 : index
    %get3A_10 = vector.load %arg3[%get3A_8, %get3A_9] : memref<1x256xf32, #tpu.memory_space<vmem>>, vector<1x256xf32>
    %get3A_11 = arith.constant 0 : index
    %get3A_12 = arith.constant 0 : index
    %get3A_13 = vector.load %arg4[%get3A_11, %get3A_12] : memref<1x256xf32, #tpu.memory_space<vmem>>, vector<1x256xf32>
    %get3A_14 = arith.constant 0 : index
    %get3A_15 = arith.constant 0 : index
    %get3A_16 = vector.load %arg5[%get3A_14, %get3A_15] : memref<1x256xf32, #tpu.memory_space<vmem>>, vector<1x256xf32>
    %get3A_17 = arith.constant 0 : index
    %get3A_18 = arith.constant 0 : index
    %get3A_19 = vector.load %arg6[%get3A_17, %get3A_18] : memref<256x128xf32, #tpu.memory_space<vmem>>, vector<256x128xf32>
    %get3A_20 = arith.constant 0 : index
    %get3A_21 = arith.constant 0 : index
    %get3A_22 = vector.load %arg7[%get3A_20, %get3A_21] : memref<1x128xf32, #tpu.memory_space<vmem>>, vector<1x128xf32>
    %convert_element_type3A = arith.truncf %add3A : vector<10000x128xf32> to vector<10000x128xbf16>
    %convert_element_type3A_23 = arith.truncf %get3A_7 : vector<128x256xf32> to vector<128x256xbf16>
    %dot_general3A = arith.constant dense<0.000000e+00> : vector<10000x256xf32>
    %dot_general3A_24 = tpu.matmul %convert_element_type3A, %convert_element_type3A_23, %dot_general3A {dimension_numbers = #tpu.dot_dimension_numbers<[1], [0], [0], [1], [0, 0, 1, 1], [], []>, transpose_lhs_hint = false} : vector<10000x128xbf16>, vector<128x256xbf16>, vector<10000x256xf32> -> vector<10000x256xf32>
    %add3A_25 = vector.broadcast %get3A_10 : vector<1x256xf32> to vector<10000x256xf32>
    %add3A_26 = arith.addf %dot_general3A_24, %add3A_25 : vector<10000x256xf32>
    %reduce_sum3A = arith.constant dense<0.000000e+00> : vector<256xf32>
    %reduce_sum3A_27 = vector.multi_reduction <add>, %add3A_26, %reduce_sum3A [0] : vector<10000x256xf32> to vector<256xf32>
    %broadcast_in_dim3A = vector.shape_cast %reduce_sum3A_27 : vector<256xf32> to vector<1x256xf32>
    %div3A = arith.constant 1.000000e+04 : f32
    %div3A_28 = vector.broadcast %div3A : f32 to vector<1x256xf32>
    %div3A_29 = arith.divf %broadcast_in_dim3A, %div3A_28 : vector<1x256xf32>
    %sub3A = vector.broadcast %div3A_29 : vector<1x256xf32> to vector<10000x256xf32>
    %sub3A_30 = arith.subf %add3A_26, %sub3A : vector<10000x256xf32>
    %sub3A_31 = vector.broadcast %div3A_29 : vector<1x256xf32> to vector<10000x256xf32>
    %sub3A_32 = arith.subf %add3A_26, %sub3A_31 : vector<10000x256xf32>
    %mul3A = arith.mulf %sub3A_30, %sub3A_32 : vector<10000x256xf32>
    %reduce_sum3A_33 = arith.constant dense<0.000000e+00> : vector<256xf32>
    %reduce_sum3A_34 = vector.multi_reduction <add>, %mul3A, %reduce_sum3A_33 [0] : vector<10000x256xf32> to vector<256xf32>
    %broadcast_in_dim3A_35 = vector.shape_cast %reduce_sum3A_34 : vector<256xf32> to vector<1x256xf32>
    %div3A_36 = arith.constant 1.000000e+04 : f32
    %div3A_37 = vector.broadcast %div3A_36 : f32 to vector<1x256xf32>
    %div3A_38 = arith.divf %broadcast_in_dim3A_35, %div3A_37 : vector<1x256xf32>
    %sub3A_39 = vector.broadcast %div3A_29 : vector<1x256xf32> to vector<10000x256xf32>
    %sub3A_40 = arith.subf %add3A_26, %sub3A_39 : vector<10000x256xf32>
    %mul3A_41 = vector.broadcast %get3A_13 : vector<1x256xf32> to vector<10000x256xf32>
    %mul3A_42 = arith.mulf %mul3A_41, %sub3A_40 : vector<10000x256xf32>
    %add3A_43 = arith.constant 9.99999974E-6 : f32
    %add3A_44 = vector.broadcast %add3A_43 : f32 to vector<1x256xf32>
    %add3A_45 = arith.addf %div3A_38, %add3A_44 : vector<1x256xf32>
    %rsqrt3A = math.rsqrt %add3A_45 : vector<1x256xf32>
    %mul3A_46 = vector.broadcast %rsqrt3A : vector<1x256xf32> to vector<10000x256xf32>
    %mul3A_47 = arith.mulf %mul3A_42, %mul3A_46 : vector<10000x256xf32>
    %add3A_48 = vector.broadcast %get3A_16 : vector<1x256xf32> to vector<10000x256xf32>
    %add3A_49 = arith.addf %mul3A_47, %add3A_48 : vector<10000x256xf32>
    %max3A = arith.constant 0.000000e+00 : f32
    %max3A_50 = vector.broadcast %max3A : f32 to vector<10000x256xf32>
    %max3A_51 = arith.maximumf %add3A_49, %max3A_50 : vector<10000x256xf32>
    %convert_element_type3A_52 = arith.truncf %max3A_51 : vector<10000x256xf32> to vector<10000x256xbf16>
    %convert_element_type3A_53 = arith.truncf %get3A_19 : vector<256x128xf32> to vector<256x128xbf16>
    %dot_general3A_54 = arith.constant dense<0.000000e+00> : vector<10000x128xf32>
    %dot_general3A_55 = tpu.matmul %convert_element_type3A_52, %convert_element_type3A_53, %dot_general3A_54 {dimension_numbers = #tpu.dot_dimension_numbers<[1], [0], [0], [1], [0, 0, 1, 1], [], []>, transpose_lhs_hint = false} : vector<10000x256xbf16>, vector<256x128xbf16>, vector<10000x128xf32> -> vector<10000x128xf32>
    %add3A_56 = vector.broadcast %get3A_22 : vector<1x128xf32> to vector<10000x128xf32>
    %add3A_57 = arith.addf %dot_general3A_55, %add3A_56 : vector<10000x128xf32>
    %get3A_58 = arith.constant 0 : index
    %get3A_59 = arith.constant 0 : index
    %get3A_60 = vector.load %arg8[%get3A_58, %get3A_59] : memref<1x128xf32, #tpu.memory_space<vmem>>, vector<1x128xf32>
    %get3A_61 = arith.constant 0 : index
    %get3A_62 = arith.constant 0 : index
    %get3A_63 = vector.load %arg9[%get3A_61, %get3A_62] : memref<1x128xf32, #tpu.memory_space<vmem>>, vector<1x128xf32>
    %reduce_sum3A_64 = arith.constant dense<0.000000e+00> : vector<128xf32>
    %reduce_sum3A_65 = vector.multi_reduction <add>, %add3A_57, %reduce_sum3A_64 [0] : vector<10000x128xf32> to vector<128xf32>
    %broadcast_in_dim3A_66 = vector.shape_cast %reduce_sum3A_65 : vector<128xf32> to vector<1x128xf32>
    %div3A_67 = arith.constant 1.000000e+04 : f32
    %div3A_68 = vector.broadcast %div3A_67 : f32 to vector<1x128xf32>
    %div3A_69 = arith.divf %broadcast_in_dim3A_66, %div3A_68 : vector<1x128xf32>
    %sub3A_70 = vector.broadcast %div3A_69 : vector<1x128xf32> to vector<10000x128xf32>
    %sub3A_71 = arith.subf %add3A_57, %sub3A_70 : vector<10000x128xf32>
    %sub3A_72 = vector.broadcast %div3A_69 : vector<1x128xf32> to vector<10000x128xf32>
    %sub3A_73 = arith.subf %add3A_57, %sub3A_72 : vector<10000x128xf32>
    %mul3A_74 = arith.mulf %sub3A_71, %sub3A_73 : vector<10000x128xf32>
    %reduce_sum3A_75 = arith.constant dense<0.000000e+00> : vector<128xf32>
    %reduce_sum3A_76 = vector.multi_reduction <add>, %mul3A_74, %reduce_sum3A_75 [0] : vector<10000x128xf32> to vector<128xf32>
    %broadcast_in_dim3A_77 = vector.shape_cast %reduce_sum3A_76 : vector<128xf32> to vector<1x128xf32>
    %div3A_78 = arith.constant 1.000000e+04 : f32
    %div3A_79 = vector.broadcast %div3A_78 : f32 to vector<1x128xf32>
    %div3A_80 = arith.divf %broadcast_in_dim3A_77, %div3A_79 : vector<1x128xf32>
    %sub3A_81 = vector.broadcast %div3A_69 : vector<1x128xf32> to vector<10000x128xf32>
    %sub3A_82 = arith.subf %add3A_57, %sub3A_81 : vector<10000x128xf32>
    %mul3A_83 = vector.broadcast %get3A_60 : vector<1x128xf32> to vector<10000x128xf32>
    %mul3A_84 = arith.mulf %mul3A_83, %sub3A_82 : vector<10000x128xf32>
    %add3A_85 = arith.constant 9.99999974E-6 : f32
    %add3A_86 = vector.broadcast %add3A_85 : f32 to vector<1x128xf32>
    %add3A_87 = arith.addf %div3A_80, %add3A_86 : vector<1x128xf32>
    %rsqrt3A_88 = math.rsqrt %add3A_87 : vector<1x128xf32>
    %mul3A_89 = vector.broadcast %rsqrt3A_88 : vector<1x128xf32> to vector<10000x128xf32>
    %mul3A_90 = arith.mulf %mul3A_84, %mul3A_89 : vector<10000x128xf32>
    %add3A_91 = vector.broadcast %get3A_63 : vector<1x128xf32> to vector<10000x128xf32>
    %add3A_92 = arith.addf %mul3A_90, %add3A_91 : vector<10000x128xf32>
    %max3A_93 = arith.constant 0.000000e+00 : f32
    %max3A_94 = vector.broadcast %max3A_93 : f32 to vector<10000x128xf32>
    %max3A_95 = arith.maximumf %add3A_92, %max3A_94 : vector<10000x128xf32>
    %get3A_96 = arith.constant 0 : index
    %get3A_97 = arith.constant 0 : index
    %get3A_98 = vector.load %arg10[%get3A_96, %get3A_97] : memref<10000x1xi32, #tpu.memory_space<vmem>>, vector<10000x1xi32>
    %iota3A = tpu.iota {dimensions = array<i32: 1>} : vector<1x16xi32>
    %eq3A = vector.broadcast %get3A_98 : vector<10000x1xi32> to vector<10000x16xi32>
    %eq3A_99 = vector.broadcast %iota3A : vector<1x16xi32> to vector<10000x16xi32>
    %eq3A_100 = arith.cmpi eq, %eq3A, %eq3A_99 : vector<10000x16xi32>
    %convert_element_type3A_101 = arith.extui %eq3A_100 : vector<10000x16xi1> to vector<10000x16xi32>
    %convert_element_type3A_102 = arith.sitofp %convert_element_type3A_101 : vector<10000x16xi32> to vector<10000x16xf32>
    %iota3A_103 = tpu.iota {dimensions = array<i32: 0>} : vector<16x1xi32>
    %get3A_104 = arith.constant 0 : index
    %get3A_105 = arith.constant 0 : index
    %get3A_106 = vector.load %arg11[%get3A_104, %get3A_105] : memref<1x10000xi32, #tpu.memory_space<vmem>>, vector<1x10000xi32>
    %eq3A_107 = vector.broadcast %iota3A_103 : vector<16x1xi32> to vector<16x10000xi32>
    %eq3A_108 = vector.broadcast %get3A_106 : vector<1x10000xi32> to vector<16x10000xi32>
    %eq3A_109 = arith.cmpi eq, %eq3A_107, %eq3A_108 : vector<16x10000xi32>
    %convert_element_type3A_110 = arith.extui %eq3A_109 : vector<16x10000xi1> to vector<16x10000xi32>
    %convert_element_type3A_111 = arith.sitofp %convert_element_type3A_110 : vector<16x10000xi32> to vector<16x10000xf32>
    %dot_general3A_112 = arith.constant dense<0.000000e+00> : vector<16x128xf32>
    %dot_general3A_113 = tpu.matmul %convert_element_type3A_111, %max3A_95, %dot_general3A_112 {dimension_numbers = #tpu.dot_dimension_numbers<[1], [0], [0], [1], [0, 0, 1, 1], [], []>, precision = #tpu.contract_precision<fp32>, transpose_lhs_hint = false} : vector<16x10000xf32>, vector<10000x128xf32>, vector<16x128xf32> -> vector<16x128xf32>
    %get3A_114 = arith.constant 0 : index
    %get3A_115 = arith.constant 0 : index
    %get3A_116 = vector.load %arg12[%get3A_114, %get3A_115] : memref<1x128xf32, #tpu.memory_space<vmem>>, vector<1x128xf32>
    %add3A_117 = vector.broadcast %get3A_116 : vector<1x128xf32> to vector<16x128xf32>
    %add3A_118 = arith.addf %dot_general3A_113, %add3A_117 : vector<16x128xf32>
    %get3A_119 = arith.constant 0 : index
    %get3A_120 = arith.constant 0 : index
    %get3A_121 = vector.load %arg13[%get3A_119, %get3A_120] : memref<128x256xf32, #tpu.memory_space<vmem>>, vector<128x256xf32>
    %convert_element_type3A_122 = arith.truncf %add3A_118 : vector<16x128xf32> to vector<16x128xbf16>
    %convert_element_type3A_123 = arith.truncf %get3A_121 : vector<128x256xf32> to vector<128x256xbf16>
    %dot_general3A_124 = arith.constant dense<0.000000e+00> : vector<16x256xf32>
    %dot_general3A_125 = tpu.matmul %convert_element_type3A_122, %convert_element_type3A_123, %dot_general3A_124 {dimension_numbers = #tpu.dot_dimension_numbers<[1], [0], [0], [1], [0, 0, 1, 1], [], []>, transpose_lhs_hint = false} : vector<16x128xbf16>, vector<128x256xbf16>, vector<16x256xf32> -> vector<16x256xf32>
    %get3A_126 = arith.constant 0 : index
    %get3A_127 = arith.constant 0 : index
    %get3A_128 = vector.load %arg14[%get3A_126, %get3A_127] : memref<1x256xf32, #tpu.memory_space<vmem>>, vector<1x256xf32>
    %add3A_129 = vector.broadcast %get3A_128 : vector<1x256xf32> to vector<16x256xf32>
    %add3A_130 = arith.addf %dot_general3A_125, %add3A_129 : vector<16x256xf32>
    %get3A_131 = arith.constant 0 : index
    %get3A_132 = arith.constant 0 : index
    %get3A_133 = vector.load %arg15[%get3A_131, %get3A_132] : memref<1x256xf32, #tpu.memory_space<vmem>>, vector<1x256xf32>
    %get3A_134 = arith.constant 0 : index
    %get3A_135 = arith.constant 0 : index
    %get3A_136 = vector.load %arg16[%get3A_134, %get3A_135] : memref<1x256xf32, #tpu.memory_space<vmem>>, vector<1x256xf32>
    %reduce_sum3A_137 = arith.constant dense<0.000000e+00> : vector<256xf32>
    %reduce_sum3A_138 = vector.multi_reduction <add>, %add3A_130, %reduce_sum3A_137 [0] : vector<16x256xf32> to vector<256xf32>
    %broadcast_in_dim3A_139 = vector.shape_cast %reduce_sum3A_138 : vector<256xf32> to vector<1x256xf32>
    %div3A_140 = arith.constant 1.600000e+01 : f32
    %div3A_141 = vector.broadcast %div3A_140 : f32 to vector<1x256xf32>
    %div3A_142 = arith.divf %broadcast_in_dim3A_139, %div3A_141 : vector<1x256xf32>
    %sub3A_143 = vector.broadcast %div3A_142 : vector<1x256xf32> to vector<16x256xf32>
    %sub3A_144 = arith.subf %add3A_130, %sub3A_143 : vector<16x256xf32>
    %sub3A_145 = vector.broadcast %div3A_142 : vector<1x256xf32> to vector<16x256xf32>
    %sub3A_146 = arith.subf %add3A_130, %sub3A_145 : vector<16x256xf32>
    %mul3A_147 = arith.mulf %sub3A_144, %sub3A_146 : vector<16x256xf32>
    %reduce_sum3A_148 = arith.constant dense<0.000000e+00> : vector<256xf32>
    %reduce_sum3A_149 = vector.multi_reduction <add>, %mul3A_147, %reduce_sum3A_148 [0] : vector<16x256xf32> to vector<256xf32>
    %broadcast_in_dim3A_150 = vector.shape_cast %reduce_sum3A_149 : vector<256xf32> to vector<1x256xf32>
    %div3A_151 = arith.constant 1.600000e+01 : f32
    %div3A_152 = vector.broadcast %div3A_151 : f32 to vector<1x256xf32>
    %div3A_153 = arith.divf %broadcast_in_dim3A_150, %div3A_152 : vector<1x256xf32>
    %sub3A_154 = vector.broadcast %div3A_142 : vector<1x256xf32> to vector<16x256xf32>
    %sub3A_155 = arith.subf %add3A_130, %sub3A_154 : vector<16x256xf32>
    %mul3A_156 = vector.broadcast %get3A_133 : vector<1x256xf32> to vector<16x256xf32>
    %mul3A_157 = arith.mulf %mul3A_156, %sub3A_155 : vector<16x256xf32>
    %add3A_158 = arith.constant 9.99999974E-6 : f32
    %add3A_159 = vector.broadcast %add3A_158 : f32 to vector<1x256xf32>
    %add3A_160 = arith.addf %div3A_153, %add3A_159 : vector<1x256xf32>
    %rsqrt3A_161 = math.rsqrt %add3A_160 : vector<1x256xf32>
    %mul3A_162 = vector.broadcast %rsqrt3A_161 : vector<1x256xf32> to vector<16x256xf32>
    %mul3A_163 = arith.mulf %mul3A_157, %mul3A_162 : vector<16x256xf32>
    %add3A_164 = vector.broadcast %get3A_136 : vector<1x256xf32> to vector<16x256xf32>
    %add3A_165 = arith.addf %mul3A_163, %add3A_164 : vector<16x256xf32>
    %max3A_166 = arith.constant 0.000000e+00 : f32
    %max3A_167 = vector.broadcast %max3A_166 : f32 to vector<16x256xf32>
    %max3A_168 = arith.maximumf %add3A_165, %max3A_167 : vector<16x256xf32>
    %get3A_169 = arith.constant 0 : index
    %get3A_170 = arith.constant 0 : index
    %get3A_171 = vector.load %arg17[%get3A_169, %get3A_170] : memref<256x128xf32, #tpu.memory_space<vmem>>, vector<256x128xf32>
    %convert_element_type3A_172 = arith.truncf %max3A_168 : vector<16x256xf32> to vector<16x256xbf16>
    %convert_element_type3A_173 = arith.truncf %get3A_171 : vector<256x128xf32> to vector<256x128xbf16>
    %dot_general3A_174 = arith.constant dense<0.000000e+00> : vector<16x128xf32>
    %dot_general3A_175 = tpu.matmul %convert_element_type3A_172, %convert_element_type3A_173, %dot_general3A_174 {dimension_numbers = #tpu.dot_dimension_numbers<[1], [0], [0], [1], [0, 0, 1, 1], [], []>, transpose_lhs_hint = false} : vector<16x256xbf16>, vector<256x128xbf16>, vector<16x128xf32> -> vector<16x128xf32>
    %get3A_176 = arith.constant 0 : index
    %get3A_177 = arith.constant 0 : index
    %get3A_178 = vector.load %arg18[%get3A_176, %get3A_177] : memref<1x128xf32, #tpu.memory_space<vmem>>, vector<1x128xf32>
    %add3A_179 = vector.broadcast %get3A_178 : vector<1x128xf32> to vector<16x128xf32>
    %add3A_180 = arith.addf %dot_general3A_175, %add3A_179 : vector<16x128xf32>
    %get3A_181 = arith.constant 0 : index
    %get3A_182 = arith.constant 0 : index
    %get3A_183 = vector.load %arg19[%get3A_181, %get3A_182] : memref<1x128xf32, #tpu.memory_space<vmem>>, vector<1x128xf32>
    %get3A_184 = arith.constant 0 : index
    %get3A_185 = arith.constant 0 : index
    %get3A_186 = vector.load %arg20[%get3A_184, %get3A_185] : memref<1x128xf32, #tpu.memory_space<vmem>>, vector<1x128xf32>
    %reduce_sum3A_187 = arith.constant dense<0.000000e+00> : vector<128xf32>
    %reduce_sum3A_188 = vector.multi_reduction <add>, %add3A_180, %reduce_sum3A_187 [0] : vector<16x128xf32> to vector<128xf32>
    %broadcast_in_dim3A_189 = vector.shape_cast %reduce_sum3A_188 : vector<128xf32> to vector<1x128xf32>
    %div3A_190 = arith.constant 1.600000e+01 : f32
    %div3A_191 = vector.broadcast %div3A_190 : f32 to vector<1x128xf32>
    %div3A_192 = arith.divf %broadcast_in_dim3A_189, %div3A_191 : vector<1x128xf32>
    %sub3A_193 = vector.broadcast %div3A_192 : vector<1x128xf32> to vector<16x128xf32>
    %sub3A_194 = arith.subf %add3A_180, %sub3A_193 : vector<16x128xf32>
    %sub3A_195 = vector.broadcast %div3A_192 : vector<1x128xf32> to vector<16x128xf32>
    %sub3A_196 = arith.subf %add3A_180, %sub3A_195 : vector<16x128xf32>
    %mul3A_197 = arith.mulf %sub3A_194, %sub3A_196 : vector<16x128xf32>
    %reduce_sum3A_198 = arith.constant dense<0.000000e+00> : vector<128xf32>
    %reduce_sum3A_199 = vector.multi_reduction <add>, %mul3A_197, %reduce_sum3A_198 [0] : vector<16x128xf32> to vector<128xf32>
    %broadcast_in_dim3A_200 = vector.shape_cast %reduce_sum3A_199 : vector<128xf32> to vector<1x128xf32>
    %div3A_201 = arith.constant 1.600000e+01 : f32
    %div3A_202 = vector.broadcast %div3A_201 : f32 to vector<1x128xf32>
    %div3A_203 = arith.divf %broadcast_in_dim3A_200, %div3A_202 : vector<1x128xf32>
    %sub3A_204 = vector.broadcast %div3A_192 : vector<1x128xf32> to vector<16x128xf32>
    %sub3A_205 = arith.subf %add3A_180, %sub3A_204 : vector<16x128xf32>
    %mul3A_206 = vector.broadcast %get3A_183 : vector<1x128xf32> to vector<16x128xf32>
    %mul3A_207 = arith.mulf %mul3A_206, %sub3A_205 : vector<16x128xf32>
    %add3A_208 = arith.constant 9.99999974E-6 : f32
    %add3A_209 = vector.broadcast %add3A_208 : f32 to vector<1x128xf32>
    %add3A_210 = arith.addf %div3A_203, %add3A_209 : vector<1x128xf32>
    %rsqrt3A_211 = math.rsqrt %add3A_210 : vector<1x128xf32>
    %mul3A_212 = vector.broadcast %rsqrt3A_211 : vector<1x128xf32> to vector<16x128xf32>
    %mul3A_213 = arith.mulf %mul3A_207, %mul3A_212 : vector<16x128xf32>
    %add3A_214 = vector.broadcast %get3A_186 : vector<1x128xf32> to vector<16x128xf32>
    %add3A_215 = arith.addf %mul3A_213, %add3A_214 : vector<16x128xf32>
    %max3A_216 = arith.constant 0.000000e+00 : f32
    %max3A_217 = vector.broadcast %max3A_216 : f32 to vector<16x128xf32>
    %max3A_218 = arith.maximumf %add3A_215, %max3A_217 : vector<16x128xf32>
    %dot_general3A_219 = arith.constant dense<0.000000e+00> : vector<10000x128xf32>
    %dot_general3A_220 = tpu.matmul %convert_element_type3A_102, %max3A_218, %dot_general3A_219 {dimension_numbers = #tpu.dot_dimension_numbers<[1], [0], [0], [1], [0, 0, 1, 1], [], []>, precision = #tpu.contract_precision<fp32>, transpose_lhs_hint = false} : vector<10000x16xf32>, vector<16x128xf32>, vector<10000x128xf32> -> vector<10000x128xf32>
    %add3A_221 = arith.addf %max3A_95, %dot_general3A_220 : vector<10000x128xf32>
    %swap3A = arith.constant 0 : index
    %swap3A_222 = arith.constant 0 : index
    %swap3A_223 = vector.load %arg21[%swap3A, %swap3A_222] : memref<10000x128xf32, #tpu.memory_space<vmem>>, vector<10000x128xf32>
    tpu.vector_store %arg21[%swap3A, %swap3A_222], %add3A_221 {strides = array<i32>} : memref<10000x128xf32, #tpu.memory_space<vmem>>, vector<10000x128xf32>,
    return
  }
}

module attributes {stable_mosaic.version = 14 : i64} {
  func.func @_layer3_body(%arg0: memref<10000x128xf32, #tpu.memory_space<vmem>>, %arg1: memref<10000x128xf32, #tpu.memory_space<vmem>>, %arg2: memref<10000x128xf32, #tpu.memory_space<vmem>>, %arg3: memref<128x256xf32, #tpu.memory_space<vmem>>, %arg4: memref<1x256xf32, #tpu.memory_space<vmem>>, %arg5: memref<1x256xf32, #tpu.memory_space<vmem>>, %arg6: memref<1x256xf32, #tpu.memory_space<vmem>>, %arg7: memref<256x128xf32, #tpu.memory_space<vmem>>, %arg8: memref<1x128xf32, #tpu.memory_space<vmem>>, %arg9: memref<1x128xf32, #tpu.memory_space<vmem>>, %arg10: memref<1x128xf32, #tpu.memory_space<vmem>>, %arg11: memref<1x10000xi32, #tpu.memory_space<vmem>>, %arg12: memref<16x128xf32, #tpu.memory_space<vmem>>) attributes {dimension_semantics = [], scalar_prefetch = 0 : i64, scratch_operands = 0 : i64, tpu.core_type = #tpu.core_type<tc>} {
    %get3A = arith.constant 0 : index
    %get3A_0 = arith.constant 0 : index
    %get3A_1 = vector.load %arg0[%get3A, %get3A_0] : memref<10000x128xf32, #tpu.memory_space<vmem>>, vector<10000x128xf32>
    %get3A_2 = arith.constant 0 : index
    %get3A_3 = arith.constant 0 : index
    %get3A_4 = vector.load %arg1[%get3A_2, %get3A_3] : memref<10000x128xf32, #tpu.memory_space<vmem>>, vector<10000x128xf32>
    %add3A = arith.addf %get3A_1, %get3A_4 : vector<10000x128xf32>
    %get3A_5 = arith.constant 0 : index
    %get3A_6 = arith.constant 0 : index
    %get3A_7 = vector.load %arg2[%get3A_5, %get3A_6] : memref<10000x128xf32, #tpu.memory_space<vmem>>, vector<10000x128xf32>
    %add3A_8 = arith.addf %add3A, %get3A_7 : vector<10000x128xf32>
    %get3A_9 = arith.constant 0 : index
    %get3A_10 = arith.constant 0 : index
    %get3A_11 = vector.load %arg3[%get3A_9, %get3A_10] : memref<128x256xf32, #tpu.memory_space<vmem>>, vector<128x256xf32>
    %get3A_12 = arith.constant 0 : index
    %get3A_13 = arith.constant 0 : index
    %get3A_14 = vector.load %arg4[%get3A_12, %get3A_13] : memref<1x256xf32, #tpu.memory_space<vmem>>, vector<1x256xf32>
    %get3A_15 = arith.constant 0 : index
    %get3A_16 = arith.constant 0 : index
    %get3A_17 = vector.load %arg5[%get3A_15, %get3A_16] : memref<1x256xf32, #tpu.memory_space<vmem>>, vector<1x256xf32>
    %get3A_18 = arith.constant 0 : index
    %get3A_19 = arith.constant 0 : index
    %get3A_20 = vector.load %arg6[%get3A_18, %get3A_19] : memref<1x256xf32, #tpu.memory_space<vmem>>, vector<1x256xf32>
    %get3A_21 = arith.constant 0 : index
    %get3A_22 = arith.constant 0 : index
    %get3A_23 = vector.load %arg7[%get3A_21, %get3A_22] : memref<256x128xf32, #tpu.memory_space<vmem>>, vector<256x128xf32>
    %get3A_24 = arith.constant 0 : index
    %get3A_25 = arith.constant 0 : index
    %get3A_26 = vector.load %arg8[%get3A_24, %get3A_25] : memref<1x128xf32, #tpu.memory_space<vmem>>, vector<1x128xf32>
    %convert_element_type3A = arith.truncf %add3A_8 : vector<10000x128xf32> to vector<10000x128xbf16>
    %convert_element_type3A_27 = arith.truncf %get3A_11 : vector<128x256xf32> to vector<128x256xbf16>
    %dot_general3A = arith.constant dense<0.000000e+00> : vector<10000x256xf32>
    %dot_general3A_28 = tpu.matmul %convert_element_type3A, %convert_element_type3A_27, %dot_general3A {dimension_numbers = #tpu.dot_dimension_numbers<[1], [0], [0], [1], [0, 0, 1, 1], [], []>, transpose_lhs_hint = false} : vector<10000x128xbf16>, vector<128x256xbf16>, vector<10000x256xf32> -> vector<10000x256xf32>
    %add3A_29 = vector.broadcast %get3A_14 : vector<1x256xf32> to vector<10000x256xf32>
    %add3A_30 = arith.addf %dot_general3A_28, %add3A_29 : vector<10000x256xf32>
    %reduce_sum3A = arith.constant dense<0.000000e+00> : vector<256xf32>
    %reduce_sum3A_31 = vector.multi_reduction <add>, %add3A_30, %reduce_sum3A [0] : vector<10000x256xf32> to vector<256xf32>
    %broadcast_in_dim3A = vector.shape_cast %reduce_sum3A_31 : vector<256xf32> to vector<1x256xf32>
    %div3A = arith.constant 1.000000e+04 : f32
    %div3A_32 = vector.broadcast %div3A : f32 to vector<1x256xf32>
    %div3A_33 = arith.divf %broadcast_in_dim3A, %div3A_32 : vector<1x256xf32>
    %sub3A = vector.broadcast %div3A_33 : vector<1x256xf32> to vector<10000x256xf32>
    %sub3A_34 = arith.subf %add3A_30, %sub3A : vector<10000x256xf32>
    %sub3A_35 = vector.broadcast %div3A_33 : vector<1x256xf32> to vector<10000x256xf32>
    %sub3A_36 = arith.subf %add3A_30, %sub3A_35 : vector<10000x256xf32>
    %mul3A = arith.mulf %sub3A_34, %sub3A_36 : vector<10000x256xf32>
    %reduce_sum3A_37 = arith.constant dense<0.000000e+00> : vector<256xf32>
    %reduce_sum3A_38 = vector.multi_reduction <add>, %mul3A, %reduce_sum3A_37 [0] : vector<10000x256xf32> to vector<256xf32>
    %broadcast_in_dim3A_39 = vector.shape_cast %reduce_sum3A_38 : vector<256xf32> to vector<1x256xf32>
    %div3A_40 = arith.constant 1.000000e+04 : f32
    %div3A_41 = vector.broadcast %div3A_40 : f32 to vector<1x256xf32>
    %div3A_42 = arith.divf %broadcast_in_dim3A_39, %div3A_41 : vector<1x256xf32>
    %sub3A_43 = vector.broadcast %div3A_33 : vector<1x256xf32> to vector<10000x256xf32>
    %sub3A_44 = arith.subf %add3A_30, %sub3A_43 : vector<10000x256xf32>
    %mul3A_45 = vector.broadcast %get3A_17 : vector<1x256xf32> to vector<10000x256xf32>
    %mul3A_46 = arith.mulf %mul3A_45, %sub3A_44 : vector<10000x256xf32>
    %add3A_47 = arith.constant 9.99999974E-6 : f32
    %add3A_48 = vector.broadcast %add3A_47 : f32 to vector<1x256xf32>
    %add3A_49 = arith.addf %div3A_42, %add3A_48 : vector<1x256xf32>
    %rsqrt3A = math.rsqrt %add3A_49 : vector<1x256xf32>
    %mul3A_50 = vector.broadcast %rsqrt3A : vector<1x256xf32> to vector<10000x256xf32>
    %mul3A_51 = arith.mulf %mul3A_46, %mul3A_50 : vector<10000x256xf32>
    %add3A_52 = vector.broadcast %get3A_20 : vector<1x256xf32> to vector<10000x256xf32>
    %add3A_53 = arith.addf %mul3A_51, %add3A_52 : vector<10000x256xf32>
    %max3A = arith.constant 0.000000e+00 : f32
    %max3A_54 = vector.broadcast %max3A : f32 to vector<10000x256xf32>
    %max3A_55 = arith.maximumf %add3A_53, %max3A_54 : vector<10000x256xf32>
    %convert_element_type3A_56 = arith.truncf %max3A_55 : vector<10000x256xf32> to vector<10000x256xbf16>
    %convert_element_type3A_57 = arith.truncf %get3A_23 : vector<256x128xf32> to vector<256x128xbf16>
    %dot_general3A_58 = arith.constant dense<0.000000e+00> : vector<10000x128xf32>
    %dot_general3A_59 = tpu.matmul %convert_element_type3A_56, %convert_element_type3A_57, %dot_general3A_58 {dimension_numbers = #tpu.dot_dimension_numbers<[1], [0], [0], [1], [0, 0, 1, 1], [], []>, transpose_lhs_hint = false} : vector<10000x256xbf16>, vector<256x128xbf16>, vector<10000x128xf32> -> vector<10000x128xf32>
    %add3A_60 = vector.broadcast %get3A_26 : vector<1x128xf32> to vector<10000x128xf32>
    %add3A_61 = arith.addf %dot_general3A_59, %add3A_60 : vector<10000x128xf32>
    %get3A_62 = arith.constant 0 : index
    %get3A_63 = arith.constant 0 : index
    %get3A_64 = vector.load %arg9[%get3A_62, %get3A_63] : memref<1x128xf32, #tpu.memory_space<vmem>>, vector<1x128xf32>
    %get3A_65 = arith.constant 0 : index
    %get3A_66 = arith.constant 0 : index
    %get3A_67 = vector.load %arg10[%get3A_65, %get3A_66] : memref<1x128xf32, #tpu.memory_space<vmem>>, vector<1x128xf32>
    %reduce_sum3A_68 = arith.constant dense<0.000000e+00> : vector<128xf32>
    %reduce_sum3A_69 = vector.multi_reduction <add>, %add3A_61, %reduce_sum3A_68 [0] : vector<10000x128xf32> to vector<128xf32>
    %broadcast_in_dim3A_70 = vector.shape_cast %reduce_sum3A_69 : vector<128xf32> to vector<1x128xf32>
    %div3A_71 = arith.constant 1.000000e+04 : f32
    %div3A_72 = vector.broadcast %div3A_71 : f32 to vector<1x128xf32>
    %div3A_73 = arith.divf %broadcast_in_dim3A_70, %div3A_72 : vector<1x128xf32>
    %sub3A_74 = vector.broadcast %div3A_73 : vector<1x128xf32> to vector<10000x128xf32>
    %sub3A_75 = arith.subf %add3A_61, %sub3A_74 : vector<10000x128xf32>
    %sub3A_76 = vector.broadcast %div3A_73 : vector<1x128xf32> to vector<10000x128xf32>
    %sub3A_77 = arith.subf %add3A_61, %sub3A_76 : vector<10000x128xf32>
    %mul3A_78 = arith.mulf %sub3A_75, %sub3A_77 : vector<10000x128xf32>
    %reduce_sum3A_79 = arith.constant dense<0.000000e+00> : vector<128xf32>
    %reduce_sum3A_80 = vector.multi_reduction <add>, %mul3A_78, %reduce_sum3A_79 [0] : vector<10000x128xf32> to vector<128xf32>
    %broadcast_in_dim3A_81 = vector.shape_cast %reduce_sum3A_80 : vector<128xf32> to vector<1x128xf32>
    %div3A_82 = arith.constant 1.000000e+04 : f32
    %div3A_83 = vector.broadcast %div3A_82 : f32 to vector<1x128xf32>
    %div3A_84 = arith.divf %broadcast_in_dim3A_81, %div3A_83 : vector<1x128xf32>
    %sub3A_85 = vector.broadcast %div3A_73 : vector<1x128xf32> to vector<10000x128xf32>
    %sub3A_86 = arith.subf %add3A_61, %sub3A_85 : vector<10000x128xf32>
    %mul3A_87 = vector.broadcast %get3A_64 : vector<1x128xf32> to vector<10000x128xf32>
    %mul3A_88 = arith.mulf %mul3A_87, %sub3A_86 : vector<10000x128xf32>
    %add3A_89 = arith.constant 9.99999974E-6 : f32
    %add3A_90 = vector.broadcast %add3A_89 : f32 to vector<1x128xf32>
    %add3A_91 = arith.addf %div3A_84, %add3A_90 : vector<1x128xf32>
    %rsqrt3A_92 = math.rsqrt %add3A_91 : vector<1x128xf32>
    %mul3A_93 = vector.broadcast %rsqrt3A_92 : vector<1x128xf32> to vector<10000x128xf32>
    %mul3A_94 = arith.mulf %mul3A_88, %mul3A_93 : vector<10000x128xf32>
    %add3A_95 = vector.broadcast %get3A_67 : vector<1x128xf32> to vector<10000x128xf32>
    %add3A_96 = arith.addf %mul3A_94, %add3A_95 : vector<10000x128xf32>
    %iota3A = tpu.iota {dimensions = array<i32: 0>} : vector<16x1xi32>
    %get3A_97 = arith.constant 0 : index
    %get3A_98 = arith.constant 0 : index
    %get3A_99 = vector.load %arg11[%get3A_97, %get3A_98] : memref<1x10000xi32, #tpu.memory_space<vmem>>, vector<1x10000xi32>
    %eq3A = vector.broadcast %iota3A : vector<16x1xi32> to vector<16x10000xi32>
    %eq3A_100 = vector.broadcast %get3A_99 : vector<1x10000xi32> to vector<16x10000xi32>
    %eq3A_101 = arith.cmpi eq, %eq3A, %eq3A_100 : vector<16x10000xi32>
    %convert_element_type3A_102 = arith.extui %eq3A_101 : vector<16x10000xi1> to vector<16x10000xi32>
    %convert_element_type3A_103 = arith.sitofp %convert_element_type3A_102 : vector<16x10000xi32> to vector<16x10000xf32>
    %dot_general3A_104 = arith.constant dense<0.000000e+00> : vector<16x128xf32>
    %dot_general3A_105 = tpu.matmul %convert_element_type3A_103, %add3A_96, %dot_general3A_104 {dimension_numbers = #tpu.dot_dimension_numbers<[1], [0], [0], [1], [0, 0, 1, 1], [], []>, precision = #tpu.contract_precision<fp32>, transpose_lhs_hint = false} : vector<16x10000xf32>, vector<10000x128xf32>, vector<16x128xf32> -> vector<16x128xf32>
    %reduce_sum3A_106 = arith.constant dense<0.000000e+00> : vector<16xf32>
    %reduce_sum3A_107 = vector.multi_reduction <add>, %convert_element_type3A_103, %reduce_sum3A_106 [1] : vector<16x10000xf32> to vector<16xf32>
    %broadcast_in_dim3A_108 = vector.shape_cast %reduce_sum3A_107 : vector<16xf32> to vector<16x1xf32>
    %max3A_109 = arith.constant 1.000000e+00 : f32
    %max3A_110 = vector.broadcast %max3A_109 : f32 to vector<16x1xf32>
    %max3A_111 = arith.maximumf %broadcast_in_dim3A_108, %max3A_110 : vector<16x1xf32>
    %div3A_112 = vector.broadcast %max3A_111 : vector<16x1xf32> to vector<16x128xf32>
    %div3A_113 = arith.divf %dot_general3A_105, %div3A_112 : vector<16x128xf32>
    %swap3A = arith.constant 0 : index
    %swap3A_114 = arith.constant 0 : index
    %swap3A_115 = vector.load %arg12[%swap3A, %swap3A_114] : memref<16x128xf32, #tpu.memory_space<vmem>>, vector<16x128xf32>
    tpu.vector_store %arg12[%swap3A, %swap3A_114], %div3A_113 {strides = array<i32>} : memref<16x128xf32, #tpu.memory_space<vmem>>, vector<16x128xf32>,
    return
  }
}

</mosaic_0001>

<sc_bundles>
// kernel: kernel.11.cloned.1.call-start
scs
__scs_entry_jumppad:
0x0: {  	(pc) =	sbr.rel $0x88, $3  }
0x1: {  	(tag) =	ssettag $0x0;
	lr =	simm.s32 $0x1  }
0x2: {  	[smem:$0x3F7D] =	sst lr;
	_ =	strace $0xD0000000  }
0x3: {  	_ = 	snop  }
0x4: {  	_ = 	snop  }
0x5: {  	_ = 	snop  }
0x6: {  	_ = 	snop  }
0x7: {  	_ = 	snop  }
__scs_overlays_trampoline_lowered:
0x8: {  	[smem:$0x3F8C] =	sst s0  }
0x9: {  	[smem:$0x3F8D] =	sst s1  }
0xa: {  	[smem:$0x3F8E] =	sst s2  }
0xb: {  	[smem:$0x3F8F] =	sst s3  }
0xc: {  	[smem:$0x3F90] =	sst s4  }
0xd: {  	[smem:$0x3F91] =	sst s5  }
0xe: {  	[smem:$0x3F92] =	sst s6  }
0xf: {  	[smem:$0x3F93] =	sst s7  }
0x10: {  	[smem:$0x3F94] =	sst s8  }
0x11: {  	[smem:$0x3F95] =	sst s9;
	s0 =	simm.s32 @!p0 $0x0  }
0x12: {  	s1 =	sld [smem:$0x3F7B];
	s0 =	simm.s32 @p0 $0x1  }
0x13: {  	[smem:$0x3F96] =	sst s0;
	s0 =	simm.s32 @!p1 $0x0  }
0x14: {  	s2 =	sld [smem:$0x3F7A];
	s0 =	simm.s32 @p1 $0x1  }
0x15: {  	[smem:$0x3F97] =	sst s0;
	s0 =	simm.s32 @!p2 $0x0  }
0x16: {  	s3 =	sld [smem:$0x3FDB];
	s0 =	simm.s32 @p2 $0x1  }
0x17: {  	s4 =	simm.s32 $0x1BF5;
	[smem:$0x3F99] =	sst s0  }
0x18: {  	s0 =	sld [smem:$0x3F7C];
	_ =	swait.ge [sflag:s4], $0x0  }
0x19: {  	s7 =	sld [smem:$0x3F7D]  }
0x1a: {  	s8 =	sadd.s32 $0xFFFFE003, lr  }
0x1b: {  	s9 =	sadd.s32 $0xFFFFFEF7, lr;
	s5 =	simm.s32 $0xFFFFFFFF;
	p2 =	slt.u32 s8, $0xFFFFF086  }
0x1c: {  	p1 =	slt.u32 s9, $0xF7A;
	s5 =	simm.s32 @!p2 $0x0  }
0x1d: {  	s5 =	simm.s32 @p1 $0x1;
	p0 =	seq.s32 s7, s2  }
0x1e: {  	s7 =	smul.u32 @!p0 $0xF7A, s2;
	p2 =	seq.s32 @!p0 s5, $0x0  }
0x1f: {  	s9 =	smul.u32 $0xF7A, s1;
	s8 =	simm.s32 @!p0 $0x1BF5;
	p2 =	por !p2, p0  }
0x20: {  	[sflag:s8] =	ssyncset.s32 @!p0 $0xFFFFF086;
	s6 =	sadd.s32 @!p0 s3, s7;
	s7 =	simm.s32 @!p0 $0x108  }
0x21: {  	s3 =	sadd.s32 s3, s9;
	s6 =	sadd.s32 @!p0 $0x88, s6;
	s7 =	simm.s32 @p2 $0x1082  }
0x22: {  	[simem:s7], [sflag:s8] =	dma.local @!p0 [hbm:s6], $0xF7A  }
0x23: {  	s9 =	sor.u32 $0xD0000000, s2;
	s6 =	simm.s32 $0x108;
	_ =	swait.ge @!p0 [sflag:s8], $0x0  }
0x24: {  	s3 =	sadd.s32 $0x88, s3;
	s6 =	simm.s32 @!p1 $0x1082;
	[sflag:s4] =	ssyncset.s32 $0xFFFFF086  }
0x25: {  	[simem:s6], [sflag:s4] =	dma.local [hbm:s3], $0xF7A  }
0x26: {  	[smem:$0x3F7D] =	sst s1;
	(tag) =	ssettag s2;
	_ =	strace s9  }
0x27: {  	s1 =	sld [smem:$0x3F8D]  }
0x28: {  	s2 =	sld [smem:$0x3F8E]  }
0x29: {  	s4 =	sld [smem:$0x3F90]  }
0x2a: {  	p0 =	seq.s32 s5, $0x0;
	s5 =	sld [smem:$0x3F91]  }
0x2b: {  	s6 =	sld [smem:$0x3F92]  }
0x2c: {  	s7 =	sld [smem:$0x3F93]  }
0x2d: {  	s3 =	simm.s32 $0x108;
	s8 =	sld [smem:$0x3F94]  }
0x2e: {  	s3 =	simm.s32 @!p0 $0x1082;
	s9 =	sld [smem:$0x3F95]  }
0x2f: {  	lr =	sadd.s32 s0, s3;
	s0 =	sld [smem:$0x3F8C]  }
0x30: {  	s3 =	sld [smem:$0x3F8F]  }
0x31: {  	[smem:$0x3F98] =	sst s10  }
0x32: {  	s10 =	sld [smem:$0x3F96];
	_ =	sdelay $0x3  }
0x33: {  	p0 =	seq.s32 s10, $0x1;
	s10 =	sld [smem:$0x3F98];
	_ =	sdelay $0x3  }
0x34: {  	[smem:$0x3F98] =	sst s10  }
0x35: {  	s10 =	sld [smem:$0x3F97];
	_ =	sdelay $0x3  }
0x36: {  	p1 =	seq.s32 s10, $0x1;
	s10 =	sld [smem:$0x3F98];
	_ =	sdelay $0x3  }
0x37: {  	[smem:$0x3F98] =	sst s10  }
0x38: {  	s10 =	sld [smem:$0x3F99]  }
0x39: {  	_ = 	snop;
	(pc) =	sbr.ind lr, $3  }
0x3a: {  	_ = 	snop  }
0x3b: {  	_ = 	snop  }
0x3c: {  	p2 =	seq.s32 s10, $0x1;
	s10 =	sld [smem:$0x3F98]  }
0x3d: {  	_ =	shalt  }
0x3e: {  	_ =	shalt  }
0x3f: {  	_ =	shalt  }
0x40: {  	_ =	shalt  }
0x41: {  	_ =	shalt  }
0x42: {  	_ =	shalt  }
0x43: {  	_ =	shalt  }
0x44: {  	_ =	shalt  }
0x45: {  	_ =	shalt  }
0x46: {  	_ =	shalt  }
0x47: {  	_ =	shalt  }
0x48: {  	_ =	shalt  }
0x49: {  	_ =	shalt  }
0x4a: {  	_ =	shalt  }
0x4b: {  	_ =	shalt  }
0x4c: {  	_ =	shalt  }
0x4d: {  	_ =	shalt  }
0x4e: {  	_ =	shalt  }
0x4f: {  	_ =	shalt  }
0x50: {  	_ =	shalt  }
0x51: {  	_ =	shalt  }
0x52: {  	_ =	shalt  }
0x53: {  	_ =	shalt  }
0x54: {  	_ =	shalt  }
0x55: {  	_ =	shalt  }
0x56: {  	_ =	shalt  }
0x57: {  	_ =	shalt  }
0x58: {  	_ =	shalt  }
0x59: {  	_ =	shalt  }
0x5a: {  	_ =	shalt  }
0x5b: {  	_ =	shalt  }
0x5c: {  	_ =	shalt  }
0x5d: {  	_ =	shalt  }
0x5e: {  	_ =	shalt  }
0x5f: {  	_ =	shalt  }
0x60: {  	_ =	shalt  }
0x61: {  	_ =	shalt  }
0x62: {  	_ =	shalt  }
0x63: {  	_ =	shalt  }
0x64: {  	_ =	shalt  }
0x65: {  	_ =	shalt  }
0x66: {  	_ =	shalt  }
0x67: {  	_ =	shalt  }
0x68: {  	_ =	shalt  }
0x69: {  	_ =	shalt  }
0x6a: {  	_ =	shalt  }
0x6b: {  	_ =	shalt  }
0x6c: {  	_ =	shalt  }
0x6d: {  	_ =	shalt  }
0x6e: {  	_ =	shalt  }
0x6f: {  	_ =	shalt  }
0x70: {  	_ =	shalt  }
0x71: {  	_ =	shalt  }
0x72: {  	_ =	shalt  }
0x73: {  	_ =	shalt  }
0x74: {  	_ =	shalt  }
0x75: {  	_ =	shalt  }
0x76: {  	_ =	shalt  }
0x77: {  	_ =	shalt  }
0x78: {  	_ =	shalt  }
0x79: {  	_ =	shalt  }
0x7a: {  	_ =	shalt  }
0x7b: {  	_ =	shalt  }
0x7c: {  	_ =	shalt  }
0x7d: {  	_ =	shalt  }
0x7e: {  	_ =	shalt  }
0x7f: {  	_ =	shalt  }
0x80: {  	_ =	shalt  }
0x81: {  	_ =	shalt  }
0x82: {  	_ =	shalt  }
0x83: {  	_ =	shalt  }
0x84: {  	_ =	shalt  }
0x85: {  	_ =	shalt  }
0x86: {  	_ =	shalt  }
0x87: {  	_ =	shalt  }
.Lfunc_end0:
.L_simem_size_0:
called_computation.1_lowered:
.L_overlay_start_0:
0x88: {  	s2 =	sld [smem:$0x3FD9]  }
0x89: {  	s3 =	sld [smem:$0x3FFE];
	_ =	sdelay $0x1  }
0x8a: {  	s1 =	srdreg.scid  }
0x8b: {  	s0 =	sand.u32 $0x1, s1  }
0x8c: {  	s16 =	sshll.u32 s0, $0xA;
	s2 =	sadd.s32 s3, s2  }
0x8d: {  	s2 =	sadd.s32 s2, s16  }
0x8e: {  	[smem:$0x3FA4] =	sst s2  }
0x8f: {  	_ = 	snop  }
0x90: {  	(tm) =	ssettm $0x1  }
0x91: {  	s17 =	sld [smem:$0x3FFB];
	_ =	sdelay $0x3  }
0x92: {  	_ =	strace s17  }
0x93: {  	s2 =	sld [smem:$0x3FFC];
	_ =	sdelay $0x3  }
0x94: {  	_ =	strace s2  }
0x95: {  	s2 =	sld [smem:$0x3FFD];
	_ =	sdelay $0x3  }
0x96: {  	_ =	strace s2  }
0x97: {  	_ =	strace $0x8FFFFFFF  }
0x98: {  	s18 =	sld [smem:$0x3FDB];
	_ =	sdelay $0x1  }
0x99: {  	s19 =	simm.s32 $_scs_section_size  }
0x9a: {  	s4 =	simm.s32 $_size__tile_overlayer_lowered;
	s5 =	simm.s32 $_tile_overlayer_lowered  }
0x9b: {  	s22 =	simm.s32 $0x1BFF;
	s21 =	sshll.u32 s5, $0x1;
	s2 =	sadd.s32 s19, s18  }
0x9c: {  	s6 =	simm.s32 $0x0;
	s20 =	sshll.u32 s4, $0x1;
	s4 =	sadd.s32 s21, s2  }
0x9d: {  	[timem:s6], [sflag:s22] =	dma.local [hbm:s4], s20  }
0x9e: {  	_ =	swait.ge [sflag:s22], s20  }
0x9f: {  	s3 =	ssub.s32 $0x0, s20;
	[sflag:s22] =	ssyncset.done $0x0  }
0xa0: {  	[sflag:s22] =	ssyncadd.s32 s3;
	_ =	sdelay $0x1  }
0xa1: {  	s23 =	simm.s32 $0x1B8B  }
0xa2: {  	_ =	swait.ge [sflag:s23], $0x1  }
0xa3: {  	[sflag:s23] =	ssyncset.done $0x0  }
0xa4: {  	s25 =	simm.s32 $0x1B8E;
	s24 =	sld [smem:$0x3FFE];
	[sflag:s23] =	ssyncadd.s32 $0xFFFFFFFF  }
0xa5: {  	s26 =	simm.s32 $execute0_lowered;
	[smem:$0x3FD2] =	sst s25  }
0xa6: {  	s4 =	sshll.u32 s26, $0x1;
	_ =	strace $0x80000049;
	[dreg:$0x1] =	wrdreg $0xFFFFFFFF  }
0xa7: {  	s28 =	simm.s32 $_size_execute0_lowered;
	s2 =	sadd.s32 s2, s4;
	[dreg:$0x0] =	wrdreg $0x0  }
0xa8: {  	s4 =	sshll.u32 s28, $0x1;
	[dreg:$0x2] =	wrdreg s2  }
0xa9: {  	[dreg:$0x3] =	wrdreg s4  }
0xaa: {  	[dreg:$0x4] =	wrdreg $0xC0  }
0xab: {  	_ =	task [dreg:s6], $0x5FFFF  }
0xac: {  	[dreg:$0x1] =	wrdreg $0xFFFFFFFF  }
0xad: {  	[dreg:$0x0] =	wrdreg $0x60  }
0xae: {  	[dreg:$0x2] =	wrdreg s24  }
0xaf: {  	[dreg:$0x3] =	wrdreg $0xC7000  }
0xb0: {  	[dreg:$0x4] =	wrdreg $0x9  }
0xb1: {  	_ =	task.clear_ibuf [dreg:s6], $0x5FFFF;
	_ =	strace $0x90000049  }
0xb2: {  	s29 =	simm.s32 $0x9;
	_ =	strace $0x8000004B  }
0xb3: {  	_ =	swait.ge [sflag:s29], $0x1  }
0xb4: {  	[sflag:s29] =	ssyncadd.s32 $0xFFFFFFFF  }
0xb5: {  	_ =	strace $0x9000004B  }
0xb6: {  	_ =	sfence  }
0xb7: {  	s30 =	sld [smem:$0x0];
	_ =	sdelay $0x2  }
0xb8: {  	s31 =	sshll.u32 s1, $0xD;
	s1 =	sshrl.u32 s1, $0x2  }
0xb9: {  	s3 =	sand.u32 $0x4000, s31;
	s1 =	sadd.s32 s1, s30  }
0xba: {  	s0 =	sor.u32 s3, s0;
	s1 =	sshll.u32 s1, $0x11  }
0xbb: {  	s0 =	sor.u32 s1, s0  }
0xbc: {  	s0 =	sadd.s32 $0x8F2B, s0  }
0xbd: {  	[sflag:s0] =	ssyncadd.remote.s32 $0x1  }
0xbe: {  	_ =	sfence.sel $0xFFFF  }
0xbf: {  	[dreg:$0x0] =	wrdreg $0xFFFFFFFF;
	(pc) =	sbr.abs _section_cstart, $3  }
0xc0: {  	[dreg:$0x1] =	wrdreg $0xFFFFFFFF  }
0xc1: {  	_ =	task.clear_ibuf [dreg:s6], $0x2FFFF;
	_ =	strace $0x9FFFFFFF  }
0xc2: {  	(tm) =	ssettm $0x7FFFFFFF  }
0xc3: {  	_ =	shalt  }
tec
execute0_lowered:
.L_overlay_start_1:
0x0: {  	(tag) =	ssettag $0x1  }
0x1: {  	s7 =	rddreg [dreg:$0x0]  }
0x2: {  	s2 =	rddreg [dreg:$0x1]  }
0x3: {  	s0 =	rddreg [dreg:$0x2];
	s4 =	srdreg.scid  }
0x4: {  	s1 =	stileid.u32;
	s3 =	simm.s32 $0x0;
	s14 =	simm.s32 $0x9F00  }
0x5: {  	s17 =	simm.s32 $0x4F00;
	s20 =	simm.s32 $0x50;
	s21 =	simm.s32 $0x9E80  }
0x6: {  	s22 =	simm.s32 $0x9E00;
	s23 =	simm.s32 $0x0;
	s8 =	sand.u32 $0x1, s4  }
0x7: {  	s29 =	sshll.u32 s1, $0x1;
	[smem:$0x7FF] =	sst s3;
	s4 =	sadd.s32 $0x1A000, s7  }
0x8: {  	s5 =	sadd.s32 $0x10200, s7;
	s11 =	smul.u32 $0x2A000, s1;
	s6 =	sadd.s32 $0x6400, s7  }
0x9: {  	s16 =	smul.u32 $0x150, s1;
	s9 =	sor.u32 s8, s29;
	s30 =	ssub.s32 $0x2, s8  }
0xa: {  	_ =	strace $0x8000004A;
	s10 =	smul.u32 $0x1400, s9;
	s8 =	sshrl.u32 s30, $0x1  }
0xb: {  	s15 =	smul.u32 $0x140, s9;
	s31 =	sshrl.u32 s11, $0x2;
	s13 =	ssub.s32 s30, s8  }
.Ltmp0:
0xc: {  	s12 =	sadd.s32 s10, s7;
	s7 =	sadd.s32 s31, s2;
	(pc) =	sbr.rel .LBB2_1-.Ltmp0, $4  }
0xd: {  	s18 =	sadd.s32 $0x140, s15;
	s19 =	ssub.s32 s16, s15;
	s13 =	smax.u32 s13, $0x1  }
0xe: {  	v3 =	vmov s16;
	v0 =	vmov s15;
	s15 =	simm.s32 $0x2;
	s16 =	simm.s32 $0x2780;
	s8 =	sadd.s32 $0x2800, s7  }
0xf: {  	v4 =	vimm.f32 $0.0e+00;
	v5 =	vimm.s32 $0x0;
	v3 =	vadd.s32 $0x140, v3;
	s9 =	sadd.s32 $0x5000, s7;
	s10 =	sadd.s32 $0x7800, s7;
	s11 =	sadd.s32 $0xA000, s7  }
0x10: {  	v3 =	vbroadcast v3, $0x0;
	s12 =	sadd.s32 $0x41200, s12;
	v1 =	vmov s18;
	v2 =	vmov s19;
	s18 =	simm.s32 $0x7680;
	s19 =	simm.s32 $0x1  }
.LBB2_11:
0x11: {  	s23 =	sadd.s32 $0x1, s23  }
0x12: {  	s24 =	sshll.u32 s1, $0x6;
	p0 =	sne.s32 s23, s13  }
.Ltmp1:
0x13: {  	s25 =	sshrl.u32 s7, $0x3;
	s24 =	sor.u32 $0x1C02, s24;
	(pc) =	sbr.rel @!p0 .LBB2_12-.Ltmp1, $4  }
0x14: {  	[hbm:s12], [sflag:s24] =	dma.local [spmem:s25], $0x1400  }
0x15: {  	_ =	swait.ge [sflag:s15], $0x1400  }
0x16: {  	[sflag:s15] =	ssyncset.done $0x0  }
0x17: {  	[sflag:s15] =	ssyncadd.s32 $0xFFFFEC00  }
.LBB2_1:
0x18: {  	s24 =	sand.u32 $0xFE00, s3  }
0x19: {  	s25 =	sand.u32 $0x70, s3;
	s26 =	sshrl.u32 s24, $0x2  }
0x1a: {  	s24 =	simm.s32 $0x40;
	s26 =	sor.u32 s25, s26;
	s25 =	simm.s32 $0x0  }
.LBB2_2:
0x1b: {  	p0 =	sne.s32 s24, $0x9FC0  }
0x1c: {  	[tilespmem:s26+$0x9F00] =	vst v4;
	s25 =	sadd.s32 $0x10, s25;
	s26 =	smov.u32 s24;
	s24 =	sadd.s32 $0x40, s24  }
.Ltmp2:
0x1d: {  	(pc) =	sbr.rel @p0 .LBB2_2-.Ltmp2, $4  }
0x1e: {  	_ = 	snop  }
0x1f: {  	s26 =	sand.u32 $0xFE00, s26  }
0x20: {  	s28 =	sand.u32 $0x70, s25;
	s26 =	sshrl.u32 s26, $0x2  }
0x21: {  	s26 =	sor.u32 s28, s26  }
0x22: {  	[tilespmem:s26+$0x9F00] =	vst v4  }
0x23: {  	[spmem:s7] =	stream.linear.scatter [tilespmem:s14], [sflag:$0x2], $0x2800, $0x38;
	[tilespmem:$0x16F00] =	vst v63  }
0x24: {  	_ =	swait.ge [sflag:s15], $0x2800  }
0x25: {  	[sflag:s15] =	ssyncset.done $0x0  }
0x26: {  	[sflag:s15] =	ssyncadd.s32 $0xFFFFD800  }
0x27: {  	[spmem:s8] =	stream.linear.scatter [tilespmem:s14], [sflag:$0x2], $0x2800, $0x38;
	[tilespmem:$0x16F00] =	vst v63  }
0x28: {  	_ =	swait.ge [sflag:s15], $0x2800  }
0x29: {  	[sflag:s15] =	ssyncset.done $0x0  }
0x2a: {  	[sflag:s15] =	ssyncadd.s32 $0xFFFFD800  }
0x2b: {  	[spmem:s9] =	stream.linear.scatter [tilespmem:s14], [sflag:$0x2], $0x2800, $0x38;
	[tilespmem:$0x16F00] =	vst v63  }
0x2c: {  	_ =	swait.ge [sflag:s15], $0x2800  }
0x2d: {  	[sflag:s15] =	ssyncset.done $0x0  }
0x2e: {  	[sflag:s15] =	ssyncadd.s32 $0xFFFFD800  }
0x2f: {  	[spmem:s10] =	stream.linear.scatter [tilespmem:s14], [sflag:$0x2], $0x2800, $0x38;
	[tilespmem:$0x16F00] =	vst v63  }
0x30: {  	_ =	swait.ge [sflag:s15], $0x2800  }
0x31: {  	[sflag:s15] =	ssyncset.done $0x0  }
.Ltmp3:
0x32: {  	[sflag:s15] =	ssyncadd.s32 $0xFFFFD800;
	(pc) =	sbr.rel .LBB2_4-.Ltmp3, $4  }
0x33: {  	[spmem:s11] =	stream.linear.scatter [tilespmem:s14], [sflag:$0x2], $0x800, $0x38;
	[tilespmem:$0x16F00] =	vst v63  }
0x34: {  	_ =	swait.ge [sflag:s15], $0x800  }
0x35: {  	[sflag:s15] =	ssyncset.done $0x0  }
0x36: {  	s24 =	simm.s32 $0x0;
	s25 =	simm.s32 $0x0;
	[sflag:s15] =	ssyncadd.s32 $0xFFFFF800  }
.LBB2_9:
0x37: {  	[sflag:s15] =	ssyncadd.s32 $0xFFFFD800  }
.LBB2_10:
0x38: {  	s25 =	sadd.s32 $0x1, s25  }
0x39: {  	p0 =	sne.s32 s25, $0x20  }
.Ltmp4:
0x3a: {  	_ = 	snop;
	(pc) =	sbr.rel @!p0 .LBB2_11-.Ltmp4, $1  }
0x3b: {  	_ =	sdelay $0x3  }
.LBB2_4:
0x3c: {  	s26 =	smul.u32 $0x4E2, s25;
	_ =	sdelay $0x1  }
0x3d: {  	s28 =	sadd.s32 s6, s26  }
0x3e: {  	[tilespmem:s24], [sflag:$0x2] =	stream.linear.gather [hbm4b:s28+s24], $0x2710, $0x38;
	[tilespmem:$0x16F00] =	vst v63  }
0x3f: {  	_ =	swait.ge [sflag:s15], $0x2710  }
0x40: {  	[sflag:s15] =	ssyncset.done $0x0  }
0x41: {  	s26 =	sadd.s32 s5, s26;
	[sflag:s15] =	ssyncadd.s32 $0xFFFFD8F0  }
0x42: {  	[tilespmem:s16], [sflag:$0x2] =	stream.linear.gather [hbm4b:s26+s24], $0x2710, $0x38;
	[tilespmem:$0x16F00] =	vst v63  }
0x43: {  	_ =	swait.ge [sflag:s15], $0x2710  }
0x44: {  	[sflag:s15] =	ssyncset.done $0x0  }
0x45: {  	s31 =	simm.s32 $0x0;
	[sflag:s15] =	ssyncadd.s32 $0xFFFFD8F0  }
0x46: {  	v6 =	vld [tilespmem:s31+$0x0];
	_ =	sdelay $0x4  }
0x47: {  	vm0 =	vge.s32 v6, v0;
	vm1 =	vlt.s32 v6, v1  }
0x48: {  	vm0 =	vmand vm0, vm1  }
0x49: {  	v7 =	vsel vm0, $0x1, v5  }
0x4a: {  	(xrf0) =	vadd.scan.msk.s32 $0xffff, v7;
	_ =	sdelay $0x5  }
0x4b: {  	s28 =	simm.s32 $0xFFFFFFFF;
	v7, _, _ =	vpop (xrf0)  }
0x4c: {  	v8 =	vadd.s32 s28, v7;
	(v2sf) =	vpush v7, $0xF  }
0x4d: {  	v8 =	vnsel vm0, $0x277F, v8  }
0x4e: {  	v9 =	vld [tilespmem:s31+$0x2780];
	_ =	sdelay $0x2  }
0x4f: {  	v6 =	vadd.s32 v6, v2  }
0x50: {  	[tilespmem:v8+s17+$0x0] =	vst.idx.msk $0xffff, v6  }
0x51: {  	s29 =	simm.s32 $0x80;
	s26 =	simm.s32 $0x10;
	s28 =	simm.s32 $0x0;
	[tilespmem:v8+s18+$0x0] =	vst.idx.msk $0xffff, v9  }
.LBB2_5:
0x52: {  	p0 =	sne.s32 s29, $0x9C00;
	v6 =	vld [tilespmem:s26+$0x0];
	_ =	sdelay $0x4  }
0x53: {  	vm0 =	vge.s32 v6, v0;
	vm1 =	vlt.s32 v6, v1;
	v6 =	vadd.s32 v6, v2  }
0x54: {  	vm0 =	vmand vm0, vm1  }
0x55: {  	v7 =	vsel vm0, $0x1, v5;
	s30 =	spop (v2sf)  }
0x56: {  	(xrf0) =	vadd.scan.msk.s32 $0xffff, v7;
	s28 =	sadd.s32 s28, s30  }
0x57: {  	s30 =	sadd.s32 $0xFFFFFFFF, s28;
	_ =	sdelay $0x4  }
0x58: {  	v7, _, _ =	vpop (xrf0)  }
0x59: {  	v8 =	vadd.s32 s30, v7;
	(v2sf) =	vpush v7, $0xF  }
0x5a: {  	v7 =	vnsel vm0, $0x277F, v8  }
0x5b: {  	v8 =	vld [tilespmem:s26+$0x2780]  }
.Ltmp5:
0x5c: {  	(pc) =	sbr.rel @p0 .LBB2_5-.Ltmp5, $3  }
0x5d: {  	_ =	sdelay $0x1  }
0x5e: {  	[tilespmem:v7+s17+$0x0] =	vst.idx.msk $0xffff, v6  }
0x5f: {  	s26 =	sshra.s32 s29, $0x2;
	s29 =	sadd.s32 $0x40, s29;
	[tilespmem:v7+s18+$0x0] =	vst.idx.msk $0xffff, v8  }
0x60: {  	v6 =	vld [tilespmem:s26+$0x0];
	_ =	sdelay $0x4  }
0x61: {  	vm0 =	vge.s32 v6, v0;
	vm1 =	vlt.s32 v6, v1  }
0x62: {  	vm0 =	vmand vm0, vm1  }
0x63: {  	v7 =	vsel vm0, $0x1, v5  }
0x64: {  	(xrf0) =	vadd.scan.msk.s32 $0xffff, v7;
	_ =	sdelay $0x5  }
0x65: {  	v7, _, _ =	vpop (xrf0)  }
0x66: {  	(v2sf) =	vpush v7, $0xF;
	_ =	sdelay $0xb  }
0x67: {  	s29 =	spop (v2sf)  }
0x68: {  	s28 =	sadd.s32 s28, s29  }
0x69: {  	s29 =	sadd.s32 $0xFFFFFFFF, s28  }
0x6a: {  	v7 =	vadd.s32 s29, v7;
	s29 =	spop (v2sf)  }
0x6b: {  	s28 =	sadd.s32 s28, s29  }
0x6c: {  	v8 =	vld [tilespmem:s26+$0x2780];
	s26 =	sadd.s32 $0x4F, s28  }
0x6d: {  	s29 =	smulhi.u32 $0x66666667, s26;
	s30 =	sshra.s32 s26, $0x1F  }
0x6e: {  	s30 =	smul.u32 $0x66666667, s30  }
0x6f: {  	v7 =	vnsel vm0, $0x277F, v7  }
0x70: {  	s29 =	sadd.s32 s30, s29  }
0x71: {  	s30 =	sshrl.u32 s29, $0x1F;
	s29 =	sshra.s32 s29, $0x5  }
0x72: {  	s29 =	sadd.s32 s30, s29  }
0x73: {  	v6 =	vadd.s32 v6, v2;
	s30 =	smul.u32 $0xFFFFFFB0, s29  }
0x74: {  	[tilespmem:v7+s17+$0x0] =	vst.idx.msk $0xffff, v6;
	s31 =	ssub.s32 $0xFFFFFFB1, s28  }
0x75: {  	[tilespmem:v7+s18+$0x0] =	vst.idx.msk $0xffff, v8;
	p0 =	slt.s32 s26, $0x1;
	p1 =	sne.s32 s30, s31  }
0x76: {  	[tilespmem:s28+$0x4F00] =	vst v3;
	p0 =	por !p0, !p1  }
0x77: {  	[tilespmem:s28+$0x7680] =	vst v5;
	s26 =	simm.s32 $0x1;
	p0 =	por !p0, !p0  }
0x78: {  	[tilespmem:s28+$0x4F10] =	vst v3;
	s26 =	simm.s32 @!p0 $0x0  }
0x79: {  	[tilespmem:s28+$0x7690] =	vst v5;
	s29 =	ssub.s32 s29, s26  }
0x7a: {  	[tilespmem:s28+$0x4F20] =	vst v3;
	p0 =	slt.s32 s29, $0x1  }
.Ltmp6:
0x7b: {  	[tilespmem:s28+$0x76A0] =	vst v5;
	(pc) =	sbr.rel @p0 .LBB2_10-.Ltmp6, $4  }
0x7c: {  	[tilespmem:s28+$0x4F30] =	vst v3  }
0x7d: {  	[tilespmem:s28+$0x76B0] =	vst v5  }
0x7e: {  	[tilespmem:s28+$0x4F40] =	vst v3  }
0x7f: {  	[tilespmem:s28+$0x76C0] =	vst v5  }
0x80: {  	s26 =	simm.s32 $0x4F20  }
0x81: {  	v6 =	vld [tilespmem:s26+$0xFFFFFFE0];
	_ =	sdelay $0x4  }
0x82: {  	s28 =	simm.s32 $0x76A0;
	[tilespmem:$0x9E00] =	vst v6  }
0x83: {  	v6 =	vld [tilespmem:s28+$0xFFFFFFE0];
	_ =	sdelay $0x4  }
0x84: {  	[tilespmem:$0x9E80] =	vst v6  }
0x85: {  	v6 =	vld [tilespmem:s26+$0xFFFFFFF0];
	_ =	sdelay $0x4  }
0x86: {  	[tilespmem:$0x9E10] =	vst v6  }
0x87: {  	v6 =	vld [tilespmem:s28+$0xFFFFFFF0];
	_ =	sdelay $0x4  }
0x88: {  	[tilespmem:$0x9E90] =	vst v6  }
0x89: {  	v6 =	vld [tilespmem:s26+$0x0];
	_ =	sdelay $0x4  }
0x8a: {  	[tilespmem:$0x9E20] =	vst v6  }
0x8b: {  	v6 =	vld [tilespmem:s28+$0x0];
	_ =	sdelay $0x4  }
0x8c: {  	[tilespmem:$0x9EA0] =	vst v6  }
0x8d: {  	v6 =	vld [tilespmem:s26+$0x10];
	_ =	sdelay $0x4  }
0x8e: {  	[tilespmem:$0x9E30] =	vst v6  }
0x8f: {  	v6 =	vld [tilespmem:s28+$0x10];
	_ =	sdelay $0x4  }
0x90: {  	[tilespmem:$0x9EB0] =	vst v6  }
0x91: {  	v6 =	vld [tilespmem:s26+$0x20];
	_ =	sdelay $0x4  }
0x92: {  	[tilespmem:$0x9E40] =	vst v6  }
0x93: {  	v6 =	vld [tilespmem:s28+$0x20];
	_ =	sdelay $0x4  }
0x94: {  	[tilespmem:$0x9EC0] =	vst v6  }
0x95: {  	[tilespmem:s14], [sflag:$0x1] =	stream.indirect.gather [hbm4b:s4+s20], $0x80, s21, s20, $0xb8;
	[tilespmem:$0x16F00] =	vst v63  }
0x96: {  	p0 =	sne.s32 s29, $0x1;
	_ =	swait.ge [sflag:s19], $0x2800  }
.Ltmp7:
0x97: {  	[sflag:s19] =	ssyncset.done $0x0;
	(pc) =	sbr.rel @!p0 .LBB2_9-.Ltmp7, $4  }
0x98: {  	[sflag:s19] =	ssyncadd.s32 $0xFFFFD800  }
0x99: {  	[spmem:s2] =	stream.indirect.scatter.add.f32 [tilespmem:s14], [sflag:$0x2], $0x80, s22, s20, $0xb8;
	[tilespmem:$0x16F00] =	vst v63  }
0x9a: {  	_ =	swait.ge [sflag:s15], $0x2800  }
0x9b: {  	s29 =	sadd.s32 $0xFFFFFFFF, s29;
	[sflag:s15] =	ssyncset.done $0x0  }
.LBB2_8:
0x9c: {  	[sflag:s15] =	ssyncadd.s32 $0xFFFFD800;
	s26 =	sadd.s32 $0x50, s26;
	s28 =	sadd.s32 $0x50, s28  }
0x9d: {  	p0 =	sne.s32 s29, $0x1;
	s29 =	sadd.s32 $0xFFFFFFFF, s29;
	v6 =	vld [tilespmem:s26+$0xFFFFFFE0];
	_ =	sdelay $0x4  }
0x9e: {  	[tilespmem:$0x9E00] =	vst v6  }
0x9f: {  	v6 =	vld [tilespmem:s28+$0xFFFFFFE0];
	_ =	sdelay $0x4  }
0xa0: {  	[tilespmem:$0x9E80] =	vst v6  }
0xa1: {  	v6 =	vld [tilespmem:s26+$0xFFFFFFF0];
	_ =	sdelay $0x4  }
0xa2: {  	[tilespmem:$0x9E10] =	vst v6  }
0xa3: {  	v6 =	vld [tilespmem:s28+$0xFFFFFFF0];
	_ =	sdelay $0x4  }
0xa4: {  	[tilespmem:$0x9E90] =	vst v6  }
0xa5: {  	v6 =	vld [tilespmem:s26+$0x0];
	_ =	sdelay $0x4  }
0xa6: {  	[tilespmem:$0x9E20] =	vst v6  }
0xa7: {  	v6 =	vld [tilespmem:s28+$0x0];
	_ =	sdelay $0x4  }
0xa8: {  	[tilespmem:$0x9EA0] =	vst v6  }
0xa9: {  	v6 =	vld [tilespmem:s26+$0x10];
	_ =	sdelay $0x4  }
0xaa: {  	[tilespmem:$0x9E30] =	vst v6  }
0xab: {  	v6 =	vld [tilespmem:s28+$0x10];
	_ =	sdelay $0x4  }
0xac: {  	[tilespmem:$0x9EB0] =	vst v6  }
0xad: {  	v6 =	vld [tilespmem:s26+$0x20];
	_ =	sdelay $0x4  }
0xae: {  	[tilespmem:$0x9E40] =	vst v6  }
0xaf: {  	v6 =	vld [tilespmem:s28+$0x20];
	_ =	sdelay $0x4  }
0xb0: {  	[tilespmem:$0x9EC0] =	vst v6  }
0xb1: {  	[tilespmem:s14], [sflag:$0x1] =	stream.indirect.gather [hbm4b:s4+s20], $0x80, s21, s20, $0xb8;
	[tilespmem:$0x16F00] =	vst v63  }
0xb2: {  	_ =	swait.ge [sflag:s19], $0x2800  }
.Ltmp8:
0xb3: {  	[sflag:s19] =	ssyncset.done $0x0;
	(pc) =	sbr.rel @p0 .LBB2_8-.Ltmp8, $4  }
0xb4: {  	[sflag:s19] =	ssyncadd.s32 $0xFFFFD800  }
0xb5: {  	[spmem:s2] =	stream.indirect.scatter.add.f32 [tilespmem:s14], [sflag:$0x2], $0x80, s22, s20, $0xb8;
	[tilespmem:$0x16F00] =	vst v63  }
0xb6: {  	_ =	swait.ge [sflag:s15], $0x2800  }
0xb7: {  	[sflag:s15] =	ssyncset.done $0x0  }
.Ltmp9:
0xb8: {  	_ = 	snop;
	(pc) =	sbr.rel .LBB2_9-.Ltmp9, $1  }
0xb9: {  	_ =	sdelay $0x3  }
.LBB2_12:
0xba: {  	_ =	sfence.sel $0x180000  }
0xbb: {  	[bflag:$0x0] =	sbarrier.arrive $0xFFFF  }
0xbc: {  	p0 =	sne.s32 s1, $0x0;
	_ =	strace $0x9000004A  }
0xbd: {  	s0 =	sadd.s32 @!p0 $0x100000, s0;
	[bflag:$0x2] =	sbarrier.arrive $0xFFFF  }
0xbe: {  	[sflag:s0] =	ssyncadd.tile.s32 @!p0 $0x1;
	_ =	shalt  }
.Lfunc_end2:
_tile_overlayer_lowered:
.L_overlay_start_2:
0xbf: {  	(tag) =	ssettag $0x2  }
0xc0: {  	s0 =	rddreg [dreg:$0x0];
	s2 =	stileid.u32  }
0xc1: {  	s1 =	rddreg [dreg:$0x1];
	p0 =	sne.s32 s2, $0x0  }
0xc2: {  	s3 =	rddreg [dreg:$0x2];
	[bflag:$0x3] =	sbarrier.arrive $0xFFFF;
	s2 =	simm.s32 @!p0 $0x1C02  }
0xc3: {  	[timem:s3], [sflag:s2] =	dma.local @!p0 [hbm:s0], s1  }
0xc4: {  	s0 =	simm.s32 @!p0 $0x2  }
0xc5: {  	_ =	swait.ge @!p0 [sflag:s0], s1  }
0xc6: {  	s1 =	ssub.s32 @!p0 $0x0, s1;
	[sflag:s0] =	ssyncset.done @!p0 $0x0  }
0xc7: {  	[sflag:s0] =	ssyncadd.s32 @!p0 s1  }
0xc8: {  	[bflag:$0x3] =	sbarrier.arrive $0xFFFF  }
0xc9: {  	_ =	shalt  }

// kernel: kernel.14.cloned.1.call-start
scs
__scs_entry_jumppad:
0x0: {  	(pc) =	sbr.rel $0x88, $3  }
0x1: {  	(tag) =	ssettag $0x0;
	lr =	simm.s32 $0x1  }
0x2: {  	[smem:$0x3F7D] =	sst lr;
	_ =	strace $0xD0000000  }
0x3: {  	_ = 	snop  }
0x4: {  	_ = 	snop  }
0x5: {  	_ = 	snop  }
0x6: {  	_ = 	snop  }
0x7: {  	_ = 	snop  }
__scs_overlays_trampoline_lowered:
0x8: {  	[smem:$0x3F8C] =	sst s0  }
0x9: {  	[smem:$0x3F8D] =	sst s1  }
0xa: {  	[smem:$0x3F8E] =	sst s2  }
0xb: {  	[smem:$0x3F8F] =	sst s3  }
0xc: {  	[smem:$0x3F90] =	sst s4  }
0xd: {  	[smem:$0x3F91] =	sst s5  }
0xe: {  	[smem:$0x3F92] =	sst s6  }
0xf: {  	[smem:$0x3F93] =	sst s7  }
0x10: {  	[smem:$0x3F94] =	sst s8  }
0x11: {  	[smem:$0x3F95] =	sst s9;
	s0 =	simm.s32 @!p0 $0x0  }
0x12: {  	s1 =	sld [smem:$0x3F7B];
	s0 =	simm.s32 @p0 $0x1  }
0x13: {  	[smem:$0x3F96] =	sst s0;
	s0 =	simm.s32 @!p1 $0x0  }
0x14: {  	s2 =	sld [smem:$0x3F7A];
	s0 =	simm.s32 @p1 $0x1  }
0x15: {  	[smem:$0x3F97] =	sst s0;
	s0 =	simm.s32 @!p2 $0x0  }
0x16: {  	s3 =	sld [smem:$0x3FDB];
	s0 =	simm.s32 @p2 $0x1  }
0x17: {  	s4 =	simm.s32 $0x1BF5;
	[smem:$0x3F99] =	sst s0  }
0x18: {  	s0 =	sld [smem:$0x3F7C];
	_ =	swait.ge [sflag:s4], $0x0  }
0x19: {  	s7 =	sld [smem:$0x3F7D]  }
0x1a: {  	s8 =	sadd.s32 $0xFFFFE003, lr  }
0x1b: {  	s9 =	sadd.s32 $0xFFFFFEF7, lr;
	s5 =	simm.s32 $0xFFFFFFFF;
	p2 =	slt.u32 s8, $0xFFFFF086  }
0x1c: {  	p1 =	slt.u32 s9, $0xF7A;
	s5 =	simm.s32 @!p2 $0x0  }
0x1d: {  	s5 =	simm.s32 @p1 $0x1;
	p0 =	seq.s32 s7, s2  }
0x1e: {  	s7 =	smul.u32 @!p0 $0xF7A, s2;
	p2 =	seq.s32 @!p0 s5, $0x0  }
0x1f: {  	s9 =	smul.u32 $0xF7A, s1;
	s8 =	simm.s32 @!p0 $0x1BF5;
	p2 =	por !p2, p0  }
0x20: {  	[sflag:s8] =	ssyncset.s32 @!p0 $0xFFFFF086;
	s6 =	sadd.s32 @!p0 s3, s7;
	s7 =	simm.s32 @!p0 $0x108  }
0x21: {  	s3 =	sadd.s32 s3, s9;
	s6 =	sadd.s32 @!p0 $0x88, s6;
	s7 =	simm.s32 @p2 $0x1082  }
0x22: {  	[simem:s7], [sflag:s8] =	dma.local @!p0 [hbm:s6], $0xF7A  }
0x23: {  	s9 =	sor.u32 $0xD0000000, s2;
	s6 =	simm.s32 $0x108;
	_ =	swait.ge @!p0 [sflag:s8], $0x0  }
0x24: {  	s3 =	sadd.s32 $0x88, s3;
	s6 =	simm.s32 @!p1 $0x1082;
	[sflag:s4] =	ssyncset.s32 $0xFFFFF086  }
0x25: {  	[simem:s6], [sflag:s4] =	dma.local [hbm:s3], $0xF7A  }
0x26: {  	[smem:$0x3F7D] =	sst s1;
	(tag) =	ssettag s2;
	_ =	strace s9  }
0x27: {  	s1 =	sld [smem:$0x3F8D]  }
0x28: {  	s2 =	sld [smem:$0x3F8E]  }
0x29: {  	s4 =	sld [smem:$0x3F90]  }
0x2a: {  	p0 =	seq.s32 s5, $0x0;
	s5 =	sld [smem:$0x3F91]  }
0x2b: {  	s6 =	sld [smem:$0x3F92]  }
0x2c: {  	s7 =	sld [smem:$0x3F93]  }
0x2d: {  	s3 =	simm.s32 $0x108;
	s8 =	sld [smem:$0x3F94]  }
0x2e: {  	s3 =	simm.s32 @!p0 $0x1082;
	s9 =	sld [smem:$0x3F95]  }
0x2f: {  	lr =	sadd.s32 s0, s3;
	s0 =	sld [smem:$0x3F8C]  }
0x30: {  	s3 =	sld [smem:$0x3F8F]  }
0x31: {  	[smem:$0x3F98] =	sst s10  }
0x32: {  	s10 =	sld [smem:$0x3F96];
	_ =	sdelay $0x3  }
0x33: {  	p0 =	seq.s32 s10, $0x1;
	s10 =	sld [smem:$0x3F98];
	_ =	sdelay $0x3  }
0x34: {  	[smem:$0x3F98] =	sst s10  }
0x35: {  	s10 =	sld [smem:$0x3F97];
	_ =	sdelay $0x3  }
0x36: {  	p1 =	seq.s32 s10, $0x1;
	s10 =	sld [smem:$0x3F98];
	_ =	sdelay $0x3  }
0x37: {  	[smem:$0x3F98] =	sst s10  }
0x38: {  	s10 =	sld [smem:$0x3F99]  }
0x39: {  	_ = 	snop;
	(pc) =	sbr.ind lr, $3  }
0x3a: {  	_ = 	snop  }
0x3b: {  	_ = 	snop  }
0x3c: {  	p2 =	seq.s32 s10, $0x1;
	s10 =	sld [smem:$0x3F98]  }
0x3d: {  	_ =	shalt  }
0x3e: {  	_ =	shalt  }
0x3f: {  	_ =	shalt  }
0x40: {  	_ =	shalt  }
0x41: {  	_ =	shalt  }
0x42: {  	_ =	shalt  }
0x43: {  	_ =	shalt  }
0x44: {  	_ =	shalt  }
0x45: {  	_ =	shalt  }
0x46: {  	_ =	shalt  }
0x47: {  	_ =	shalt  }
0x48: {  	_ =	shalt  }
0x49: {  	_ =	shalt  }
0x4a: {  	_ =	shalt  }
0x4b: {  	_ =	shalt  }
0x4c: {  	_ =	shalt  }
0x4d: {  	_ =	shalt  }
0x4e: {  	_ =	shalt  }
0x4f: {  	_ =	shalt  }
0x50: {  	_ =	shalt  }
0x51: {  	_ =	shalt  }
0x52: {  	_ =	shalt  }
0x53: {  	_ =	shalt  }
0x54: {  	_ =	shalt  }
0x55: {  	_ =	shalt  }
0x56: {  	_ =	shalt  }
0x57: {  	_ =	shalt  }
0x58: {  	_ =	shalt  }
0x59: {  	_ =	shalt  }
0x5a: {  	_ =	shalt  }
0x5b: {  	_ =	shalt  }
0x5c: {  	_ =	shalt  }
0x5d: {  	_ =	shalt  }
0x5e: {  	_ =	shalt  }
0x5f: {  	_ =	shalt  }
0x60: {  	_ =	shalt  }
0x61: {  	_ =	shalt  }
0x62: {  	_ =	shalt  }
0x63: {  	_ =	shalt  }
0x64: {  	_ =	shalt  }
0x65: {  	_ =	shalt  }
0x66: {  	_ =	shalt  }
0x67: {  	_ =	shalt  }
0x68: {  	_ =	shalt  }
0x69: {  	_ =	shalt  }
0x6a: {  	_ =	shalt  }
0x6b: {  	_ =	shalt  }
0x6c: {  	_ =	shalt  }
0x6d: {  	_ =	shalt  }
0x6e: {  	_ =	shalt  }
0x6f: {  	_ =	shalt  }
0x70: {  	_ =	shalt  }
0x71: {  	_ =	shalt  }
0x72: {  	_ =	shalt  }
0x73: {  	_ =	shalt  }
0x74: {  	_ =	shalt  }
0x75: {  	_ =	shalt  }
0x76: {  	_ =	shalt  }
0x77: {  	_ =	shalt  }
0x78: {  	_ =	shalt  }
0x79: {  	_ =	shalt  }
0x7a: {  	_ =	shalt  }
0x7b: {  	_ =	shalt  }
0x7c: {  	_ =	shalt  }
0x7d: {  	_ =	shalt  }
0x7e: {  	_ =	shalt  }
0x7f: {  	_ =	shalt  }
0x80: {  	_ =	shalt  }
0x81: {  	_ =	shalt  }
0x82: {  	_ =	shalt  }
0x83: {  	_ =	shalt  }
0x84: {  	_ =	shalt  }
0x85: {  	_ =	shalt  }
0x86: {  	_ =	shalt  }
0x87: {  	_ =	shalt  }
.Lfunc_end0:
.L_simem_size_0:
called_computation.2_lowered:
.L_overlay_start_0:
0x88: {  	s2 =	sld [smem:$0x3FD9]  }
0x89: {  	s3 =	sld [smem:$0x3FFE];
	_ =	sdelay $0x1  }
0x8a: {  	s1 =	srdreg.scid  }
0x8b: {  	s0 =	sand.u32 $0x1, s1  }
0x8c: {  	s16 =	sshll.u32 s0, $0xA;
	s2 =	sadd.s32 s3, s2  }
0x8d: {  	s2 =	sadd.s32 s2, s16  }
0x8e: {  	[smem:$0x3FA4] =	sst s2  }
0x8f: {  	_ = 	snop  }
0x90: {  	(tm) =	ssettm $0x1  }
0x91: {  	s17 =	sld [smem:$0x3FFB];
	_ =	sdelay $0x3  }
0x92: {  	_ =	strace s17  }
0x93: {  	s2 =	sld [smem:$0x3FFC];
	_ =	sdelay $0x3  }
0x94: {  	_ =	strace s2  }
0x95: {  	s2 =	sld [smem:$0x3FFD];
	_ =	sdelay $0x3  }
0x96: {  	_ =	strace s2  }
0x97: {  	_ =	strace $0x8FFFFFFF  }
0x98: {  	s18 =	sld [smem:$0x3FDB];
	_ =	sdelay $0x1  }
0x99: {  	s19 =	simm.s32 $_scs_section_size  }
0x9a: {  	s4 =	simm.s32 $_size__tile_overlayer_lowered;
	s5 =	simm.s32 $_tile_overlayer_lowered  }
0x9b: {  	s22 =	simm.s32 $0x1BFF;
	s21 =	sshll.u32 s5, $0x1;
	s2 =	sadd.s32 s19, s18  }
0x9c: {  	s6 =	simm.s32 $0x0;
	s20 =	sshll.u32 s4, $0x1;
	s4 =	sadd.s32 s21, s2  }
0x9d: {  	[timem:s6], [sflag:s22] =	dma.local [hbm:s4], s20  }
0x9e: {  	_ =	swait.ge [sflag:s22], s20  }
0x9f: {  	s3 =	ssub.s32 $0x0, s20;
	[sflag:s22] =	ssyncset.done $0x0  }
0xa0: {  	[sflag:s22] =	ssyncadd.s32 s3;
	_ =	sdelay $0x1  }
0xa1: {  	s23 =	simm.s32 $0x1B8B  }
0xa2: {  	_ =	swait.ge [sflag:s23], $0x1  }
0xa3: {  	[sflag:s23] =	ssyncset.done $0x0  }
0xa4: {  	s25 =	simm.s32 $0x1B8E;
	s24 =	sld [smem:$0x3FFE];
	[sflag:s23] =	ssyncadd.s32 $0xFFFFFFFF  }
0xa5: {  	s26 =	simm.s32 $execute0_lowered;
	[smem:$0x3FD2] =	sst s25  }
0xa6: {  	s4 =	sshll.u32 s26, $0x1;
	_ =	strace $0x8000004C;
	[dreg:$0x1] =	wrdreg $0xFFFFFFFF  }
0xa7: {  	s28 =	simm.s32 $_size_execute0_lowered;
	s2 =	sadd.s32 s2, s4;
	[dreg:$0x0] =	wrdreg $0x0  }
0xa8: {  	s4 =	sshll.u32 s28, $0x1;
	[dreg:$0x2] =	wrdreg s2  }
0xa9: {  	[dreg:$0x3] =	wrdreg s4  }
0xaa: {  	[dreg:$0x4] =	wrdreg $0xC0  }
0xab: {  	_ =	task [dreg:s6], $0x5FFFF  }
0xac: {  	[dreg:$0x1] =	wrdreg $0xFFFFFFFF  }
0xad: {  	[dreg:$0x0] =	wrdreg $0x60  }
0xae: {  	[dreg:$0x2] =	wrdreg s24  }
0xaf: {  	[dreg:$0x3] =	wrdreg $0xA8000  }
0xb0: {  	[dreg:$0x4] =	wrdreg $0x9  }
0xb1: {  	_ =	task.clear_ibuf [dreg:s6], $0x5FFFF;
	_ =	strace $0x9000004C  }
0xb2: {  	s29 =	simm.s32 $0x9;
	_ =	strace $0x8000004E  }
0xb3: {  	_ =	swait.ge [sflag:s29], $0x1  }
0xb4: {  	[sflag:s29] =	ssyncadd.s32 $0xFFFFFFFF  }
0xb5: {  	_ =	strace $0x9000004E  }
0xb6: {  	_ =	sfence  }
0xb7: {  	s30 =	sld [smem:$0x0];
	_ =	sdelay $0x2  }
0xb8: {  	s31 =	sshll.u32 s1, $0xD;
	s1 =	sshrl.u32 s1, $0x2  }
0xb9: {  	s3 =	sand.u32 $0x4000, s31;
	s1 =	sadd.s32 s1, s30  }
0xba: {  	s0 =	sor.u32 s3, s0;
	s1 =	sshll.u32 s1, $0x11  }
0xbb: {  	s0 =	sor.u32 s1, s0  }
0xbc: {  	s0 =	sadd.s32 $0x8F2B, s0  }
0xbd: {  	[sflag:s0] =	ssyncadd.remote.s32 $0x1  }
0xbe: {  	_ =	sfence.sel $0xFFFF  }
0xbf: {  	[dreg:$0x0] =	wrdreg $0xFFFFFFFF;
	(pc) =	sbr.abs _section_cstart, $3  }
0xc0: {  	[dreg:$0x1] =	wrdreg $0xFFFFFFFF  }
0xc1: {  	_ =	task.clear_ibuf [dreg:s6], $0x2FFFF;
	_ =	strace $0x9FFFFFFF  }
0xc2: {  	(tm) =	ssettm $0x7FFFFFFF  }
0xc3: {  	_ =	shalt  }
tec
execute0_lowered:
.L_overlay_start_1:
0x0: {  	(tag) =	ssettag $0x1  }
0x1: {  	s6 =	rddreg [dreg:$0x0]  }
0x2: {  	s1 =	rddreg [dreg:$0x1]  }
0x3: {  	s2 =	srdreg.scid;
	s0 =	rddreg [dreg:$0x2];
	s3 =	simm.s32 $0x0  }
0x4: {  	s17 =	simm.s32 $0x8000;
	s18 =	simm.s32 $0x2;
	s19 =	simm.s32 $0x4000  }
0x5: {  	s20 =	simm.s32 $0x50;
	s5 =	sand.u32 $0x1, s2;
	s2 =	stileid.u32  }
0x6: {  	s21 =	simm.s32 $0x1;
	[smem:$0x7FF] =	sst s3;
	s7 =	smul.u32 $0x140000, s5  }
0x7: {  	s4 =	sshll.u32 s2, $0xC;
	s8 =	sshll.u32 s5, $0xB;
	s9 =	smul.u32 $0x14000, s2  }
0x8: {  	s10 =	smul.u32 $0x50000, s2;
	_ =	strace $0x8000004D;
	s29 =	ssub.s32 $0x2, s5  }
0x9: {  	s8 =	sor.u32 s8, s4;
	s4 =	sadd.s32 $0x6400, s6;
	s31 =	sshrl.u32 s29, $0x1  }
0xa: {  	s14 =	sadd.s32 s8, s6;
	s7 =	sadd.s32 s9, s7;
	s30 =	sshrl.u32 s10, $0x2  }
0xb: {  	s16 =	ssub.s32 s29, s31;
	s7 =	sshrl.u32 s7, $0x3;
	s5 =	sadd.s32 s30, s1  }
0xc: {  	s13 =	sadd.s32 $0x79200, s14;
	s14 =	sadd.s32 $0x69200, s14;
	s16 =	smax.u32 s16, $0x1  }
0xd: {  	s15 =	sadd.s32 s7, s6;
	s6 =	sadd.s32 $0x2800, s5;
	s7 =	sadd.s32 $0x5000, s5  }
0xe: {  	s8 =	sadd.s32 $0x7800, s5;
	s9 =	sadd.s32 $0xA000, s5;
	s10 =	sadd.s32 $0xC800, s5  }
0xf: {  	v0 =	vimm.f32 $0.0e+00;
	s11 =	sadd.s32 $0xF000, s5;
	s12 =	sadd.s32 $0x11800, s5;
	s15 =	sadd.s32 $0x89200, s15  }
.LBB2_1:
0x10: {  	s22 =	simm.s32 $0x0;
	s23 =	simm.s32 $0x200  }
.LBB2_2:
0x11: {  	p0 =	sne.s32 s23, $0x9E00;
	[tilespmem:s22+$0x8070] =	vst v0  }
0x12: {  	[tilespmem:s22+$0x8000] =	vst v0  }
0x13: {  	[tilespmem:s22+$0x8010] =	vst v0  }
.Ltmp0:
0x14: {  	[tilespmem:s22+$0x8020] =	vst v0;
	(pc) =	sbr.rel @p0 .LBB2_2-.Ltmp0, $4  }
0x15: {  	[tilespmem:s22+$0x8030] =	vst v0  }
0x16: {  	[tilespmem:s22+$0x8040] =	vst v0  }
0x17: {  	[tilespmem:s22+$0x8050] =	vst v0  }
0x18: {  	[tilespmem:s22+$0x8060] =	vst v0;
	s22 =	sshra.s32 s23, $0x2;
	s23 =	sadd.s32 $0x200, s23  }
0x19: {  	[tilespmem:s22+$0x8070] =	vst v0  }
0x1a: {  	[tilespmem:s22+$0x8000] =	vst v0  }
0x1b: {  	[tilespmem:s22+$0x8010] =	vst v0  }
0x1c: {  	[tilespmem:s22+$0x8020] =	vst v0  }
0x1d: {  	[tilespmem:s22+$0x8030] =	vst v0  }
0x1e: {  	[tilespmem:s22+$0x8040] =	vst v0  }
0x1f: {  	[tilespmem:s22+$0x8050] =	vst v0  }
0x20: {  	[tilespmem:s22+$0x8060] =	vst v0  }
0x21: {  	[spmem:s5] =	stream.linear.scatter [tilespmem:s17], [sflag:$0x2], $0x2800, $0x38;
	[tilespmem:$0x1E800] =	vst v63  }
0x22: {  	_ =	swait.ge [sflag:s18], $0x2800  }
0x23: {  	[sflag:s18] =	ssyncset.done $0x0  }
0x24: {  	[sflag:s18] =	ssyncadd.s32 $0xFFFFD800  }
0x25: {  	[spmem:s6] =	stream.linear.scatter [tilespmem:s17], [sflag:$0x2], $0x2800, $0x38;
	[tilespmem:$0x1E800] =	vst v63  }
0x26: {  	_ =	swait.ge [sflag:s18], $0x2800  }
0x27: {  	[sflag:s18] =	ssyncset.done $0x0  }
0x28: {  	[sflag:s18] =	ssyncadd.s32 $0xFFFFD800  }
0x29: {  	[spmem:s7] =	stream.linear.scatter [tilespmem:s17], [sflag:$0x2], $0x2800, $0x38;
	[tilespmem:$0x1E800] =	vst v63  }
0x2a: {  	_ =	swait.ge [sflag:s18], $0x2800  }
0x2b: {  	[sflag:s18] =	ssyncset.done $0x0  }
0x2c: {  	[sflag:s18] =	ssyncadd.s32 $0xFFFFD800  }
0x2d: {  	[spmem:s8] =	stream.linear.scatter [tilespmem:s17], [sflag:$0x2], $0x2800, $0x38;
	[tilespmem:$0x1E800] =	vst v63  }
0x2e: {  	_ =	swait.ge [sflag:s18], $0x2800  }
0x2f: {  	[sflag:s18] =	ssyncset.done $0x0  }
0x30: {  	[sflag:s18] =	ssyncadd.s32 $0xFFFFD800  }
0x31: {  	[spmem:s9] =	stream.linear.scatter [tilespmem:s17], [sflag:$0x2], $0x2800, $0x38;
	[tilespmem:$0x1E800] =	vst v63  }
0x32: {  	_ =	swait.ge [sflag:s18], $0x2800  }
0x33: {  	[sflag:s18] =	ssyncset.done $0x0  }
0x34: {  	[sflag:s18] =	ssyncadd.s32 $0xFFFFD800  }
0x35: {  	[spmem:s10] =	stream.linear.scatter [tilespmem:s17], [sflag:$0x2], $0x2800, $0x38;
	[tilespmem:$0x1E800] =	vst v63  }
0x36: {  	_ =	swait.ge [sflag:s18], $0x2800  }
0x37: {  	[sflag:s18] =	ssyncset.done $0x0  }
0x38: {  	[sflag:s18] =	ssyncadd.s32 $0xFFFFD800  }
0x39: {  	[spmem:s11] =	stream.linear.scatter [tilespmem:s17], [sflag:$0x2], $0x2800, $0x38;
	[tilespmem:$0x1E800] =	vst v63  }
0x3a: {  	_ =	swait.ge [sflag:s18], $0x2800  }
0x3b: {  	[sflag:s18] =	ssyncset.done $0x0  }
0x3c: {  	[sflag:s18] =	ssyncadd.s32 $0xFFFFD800  }
0x3d: {  	[spmem:s12] =	stream.linear.scatter [tilespmem:s17], [sflag:$0x2], $0x2800, $0x38;
	[tilespmem:$0x1E800] =	vst v63  }
0x3e: {  	_ =	swait.ge [sflag:s18], $0x2800  }
0x3f: {  	[sflag:s18] =	ssyncset.done $0x0  }
0x40: {  	[sflag:s18] =	ssyncadd.s32 $0xFFFFD800  }
0x41: {  	s29 =	simm.s32 $0x0;
	[bflag:$0x0] =	sbarrier.arrive $0xFFFF  }
0x42: {  	[tilespmem:s29], [sflag:$0x2] =	stream.linear.gather [hbm4b:s13+s29], $0x4000, $0x38;
	[tilespmem:$0x1E800] =	vst v63  }
0x43: {  	_ =	swait.ge [sflag:s18], $0x4000  }
0x44: {  	[sflag:s18] =	ssyncset.done $0x0  }
0x45: {  	[sflag:s18] =	ssyncadd.s32 $0xFFFFC000  }
0x46: {  	[tilespmem:s19], [sflag:$0x2] =	stream.linear.gather [hbm4b:s14+s29], $0x4000, $0x38;
	[tilespmem:$0x1E800] =	vst v63  }
0x47: {  	_ =	swait.ge [sflag:s18], $0x4000  }
0x48: {  	[sflag:s18] =	ssyncset.done $0x0  }
0x49: {  	s30 =	simm.s32 $0x0;
	[sflag:s18] =	ssyncadd.s32 $0xFFFFC000  }
0x4a: {  	[tilespmem:s17], [sflag:$0x1] =	stream.indirect.gather [hbm4b:s4+s20], $0x80, s30, s20, $0xb8;
	[tilespmem:$0x1E800] =	vst v63  }
0x4b: {  	_ =	swait.ge [sflag:s21], $0x2800  }
0x4c: {  	[sflag:s21] =	ssyncset.done $0x0  }
0x4d: {  	s31 =	simm.s32 $0x4000;
	[sflag:s21] =	ssyncadd.s32 $0xFFFFD800  }
0x4e: {  	[spmem:s1] =	stream.indirect.scatter.add.f32 [tilespmem:s17], [sflag:$0x2], $0x80, s31, s20, $0xb8;
	[tilespmem:$0x1E800] =	vst v63  }
0x4f: {  	_ =	swait.ge [sflag:s18], $0x2800  }
0x50: {  	s22 =	simm.s32 $0x200;
	s23 =	simm.s32 $0x400;
	[sflag:s18] =	ssyncset.done $0x0  }
.LBB2_4:
0x51: {  	s24 =	sshra.s32 s22, $0x2  }
0x52: {  	[sflag:s18] =	ssyncadd.s32 $0xFFFFD800;
	s22 =	smov.u32 s23;
	s25 =	sadd.s32 $0x200, s23  }
0x53: {  	[tilespmem:s17], [sflag:$0x1] =	stream.indirect.gather [hbm4b:s4+s20], $0x80, s24, s20, $0xb8;
	[tilespmem:$0x1E800] =	vst v63  }
0x54: {  	p0 =	sne.s32 s23, $0xFE00;
	_ =	swait.ge [sflag:s21], $0x2800  }
.Ltmp1:
0x55: {  	[sflag:s21] =	ssyncset.done $0x0;
	(pc) =	sbr.rel @p0 .LBB2_4-.Ltmp1, $4  }
0x56: {  	s23 =	sadd.s32 $0x4000, s24;
	[sflag:s21] =	ssyncadd.s32 $0xFFFFD800  }
0x57: {  	[spmem:s1] =	stream.indirect.scatter.add.f32 [tilespmem:s17], [sflag:$0x2], $0x80, s23, s20, $0xb8;
	[tilespmem:$0x1E800] =	vst v63  }
0x58: {  	_ =	swait.ge [sflag:s18], $0x2800  }
0x59: {  	s23 =	smov.u32 s25;
	[sflag:s18] =	ssyncset.done $0x0  }
0x5a: {  	s22 =	sshra.s32 s22, $0x2;
	[sflag:s18] =	ssyncadd.s32 $0xFFFFD800  }
0x5b: {  	[tilespmem:s17], [sflag:$0x1] =	stream.indirect.gather [hbm4b:s4+s20], $0x80, s22, s20, $0xb8;
	[tilespmem:$0x1E800] =	vst v63  }
0x5c: {  	_ =	swait.ge [sflag:s21], $0x2800  }
0x5d: {  	[sflag:s21] =	ssyncset.done $0x0  }
0x5e: {  	s22 =	sadd.s32 $0x4000, s22;
	[sflag:s21] =	ssyncadd.s32 $0xFFFFD800  }
0x5f: {  	[spmem:s1] =	stream.indirect.scatter.add.f32 [tilespmem:s17], [sflag:$0x2], $0x80, s22, s20, $0xb8;
	[tilespmem:$0x1E800] =	vst v63  }
0x60: {  	_ =	swait.ge [sflag:s18], $0x2800  }
0x61: {  	s31 =	sshll.u32 s2, $0x6;
	s3 =	sadd.s32 $0x1, s3;
	[sflag:s18] =	ssyncset.done $0x0  }
0x62: {  	s23 =	sshrl.u32 s5, $0x3;
	p0 =	sne.s32 s3, s16;
	[sflag:s18] =	ssyncadd.s32 $0xFFFFD800  }
.Ltmp2:
0x63: {  	s22 =	sor.u32 $0x1C02, s31;
	[bflag:$0x0] =	sbarrier.arrive $0xFFFF;
	(pc) =	sbr.rel @p0 .LBB2_1-.Ltmp2, $4  }
0x64: {  	[hbm:s15], [sflag:s22] =	dma.local [spmem:s23], $0x2800  }
0x65: {  	_ =	swait.ge [sflag:s18], $0x2800  }
0x66: {  	[sflag:s18] =	ssyncset.done $0x0  }
0x67: {  	[sflag:s18] =	ssyncadd.s32 $0xFFFFD800  }
0x68: {  	_ =	sfence.sel $0x180000  }
0x69: {  	[bflag:$0x0] =	sbarrier.arrive $0xFFFF  }
0x6a: {  	p0 =	sne.s32 s2, $0x0;
	_ =	strace $0x9000004D  }
0x6b: {  	s0 =	sadd.s32 @!p0 $0x100000, s0;
	[bflag:$0x2] =	sbarrier.arrive $0xFFFF  }
0x6c: {  	[sflag:s0] =	ssyncadd.tile.s32 @!p0 $0x1;
	_ =	shalt  }
.Lfunc_end2:
_tile_overlayer_lowered:
.L_overlay_start_2:
0x6d: {  	(tag) =	ssettag $0x2  }
0x6e: {  	s0 =	rddreg [dreg:$0x0];
	s2 =	stileid.u32  }
0x6f: {  	s1 =	rddreg [dreg:$0x1];
	p0 =	sne.s32 s2, $0x0  }
0x70: {  	s3 =	rddreg [dreg:$0x2];
	[bflag:$0x3] =	sbarrier.arrive $0xFFFF;
	s2 =	simm.s32 @!p0 $0x1C02  }
0x71: {  	[timem:s3], [sflag:s2] =	dma.local @!p0 [hbm:s0], s1  }
0x72: {  	s0 =	simm.s32 @!p0 $0x2  }
0x73: {  	_ =	swait.ge @!p0 [sflag:s0], s1  }
0x74: {  	s1 =	ssub.s32 @!p0 $0x0, s1;
	[sflag:s0] =	ssyncset.done @!p0 $0x0  }
0x75: {  	[sflag:s0] =	ssyncadd.s32 @!p0 s1  }
0x76: {  	[bflag:$0x3] =	sbarrier.arrive $0xFFFF  }
0x77: {  	_ =	shalt  }

// kernel: kernel.8.cloned.1.call-start
scs
__scs_entry_jumppad:
0x0: {  	(pc) =	sbr.rel $0x88, $3  }
0x1: {  	(tag) =	ssettag $0x0;
	lr =	simm.s32 $0x1  }
0x2: {  	[smem:$0x3F7D] =	sst lr;
	_ =	strace $0xD0000000  }
0x3: {  	_ = 	snop  }
0x4: {  	_ = 	snop  }
0x5: {  	_ = 	snop  }
0x6: {  	_ = 	snop  }
0x7: {  	_ = 	snop  }
__scs_overlays_trampoline_lowered:
0x8: {  	[smem:$0x3F8C] =	sst s0  }
0x9: {  	[smem:$0x3F8D] =	sst s1  }
0xa: {  	[smem:$0x3F8E] =	sst s2  }
0xb: {  	[smem:$0x3F8F] =	sst s3  }
0xc: {  	[smem:$0x3F90] =	sst s4  }
0xd: {  	[smem:$0x3F91] =	sst s5  }
0xe: {  	[smem:$0x3F92] =	sst s6  }
0xf: {  	[smem:$0x3F93] =	sst s7  }
0x10: {  	[smem:$0x3F94] =	sst s8  }
0x11: {  	[smem:$0x3F95] =	sst s9;
	s0 =	simm.s32 @!p0 $0x0  }
0x12: {  	s1 =	sld [smem:$0x3F7B];
	s0 =	simm.s32 @p0 $0x1  }
0x13: {  	[smem:$0x3F96] =	sst s0;
	s0 =	simm.s32 @!p1 $0x0  }
0x14: {  	s2 =	sld [smem:$0x3F7A];
	s0 =	simm.s32 @p1 $0x1  }
0x15: {  	[smem:$0x3F97] =	sst s0;
	s0 =	simm.s32 @!p2 $0x0  }
0x16: {  	s3 =	sld [smem:$0x3FDB];
	s0 =	simm.s32 @p2 $0x1  }
0x17: {  	s4 =	simm.s32 $0x1BF5;
	[smem:$0x3F99] =	sst s0  }
0x18: {  	s0 =	sld [smem:$0x3F7C];
	_ =	swait.ge [sflag:s4], $0x0  }
0x19: {  	s7 =	sld [smem:$0x3F7D]  }
0x1a: {  	s8 =	sadd.s32 $0xFFFFE003, lr  }
0x1b: {  	s9 =	sadd.s32 $0xFFFFFEF7, lr;
	s5 =	simm.s32 $0xFFFFFFFF;
	p2 =	slt.u32 s8, $0xFFFFF086  }
0x1c: {  	p1 =	slt.u32 s9, $0xF7A;
	s5 =	simm.s32 @!p2 $0x0  }
0x1d: {  	s5 =	simm.s32 @p1 $0x1;
	p0 =	seq.s32 s7, s2  }
0x1e: {  	s7 =	smul.u32 @!p0 $0xF7A, s2;
	p2 =	seq.s32 @!p0 s5, $0x0  }
0x1f: {  	s9 =	smul.u32 $0xF7A, s1;
	s8 =	simm.s32 @!p0 $0x1BF5;
	p2 =	por !p2, p0  }
0x20: {  	[sflag:s8] =	ssyncset.s32 @!p0 $0xFFFFF086;
	s6 =	sadd.s32 @!p0 s3, s7;
	s7 =	simm.s32 @!p0 $0x108  }
0x21: {  	s3 =	sadd.s32 s3, s9;
	s6 =	sadd.s32 @!p0 $0x88, s6;
	s7 =	simm.s32 @p2 $0x1082  }
0x22: {  	[simem:s7], [sflag:s8] =	dma.local @!p0 [hbm:s6], $0xF7A  }
0x23: {  	s9 =	sor.u32 $0xD0000000, s2;
	s6 =	simm.s32 $0x108;
	_ =	swait.ge @!p0 [sflag:s8], $0x0  }
0x24: {  	s3 =	sadd.s32 $0x88, s3;
	s6 =	simm.s32 @!p1 $0x1082;
	[sflag:s4] =	ssyncset.s32 $0xFFFFF086  }
0x25: {  	[simem:s6], [sflag:s4] =	dma.local [hbm:s3], $0xF7A  }
0x26: {  	[smem:$0x3F7D] =	sst s1;
	(tag) =	ssettag s2;
	_ =	strace s9  }
0x27: {  	s1 =	sld [smem:$0x3F8D]  }
0x28: {  	s2 =	sld [smem:$0x3F8E]  }
0x29: {  	s4 =	sld [smem:$0x3F90]  }
0x2a: {  	p0 =	seq.s32 s5, $0x0;
	s5 =	sld [smem:$0x3F91]  }
0x2b: {  	s6 =	sld [smem:$0x3F92]  }
0x2c: {  	s7 =	sld [smem:$0x3F93]  }
0x2d: {  	s3 =	simm.s32 $0x108;
	s8 =	sld [smem:$0x3F94]  }
0x2e: {  	s3 =	simm.s32 @!p0 $0x1082;
	s9 =	sld [smem:$0x3F95]  }
0x2f: {  	lr =	sadd.s32 s0, s3;
	s0 =	sld [smem:$0x3F8C]  }
0x30: {  	s3 =	sld [smem:$0x3F8F]  }
0x31: {  	[smem:$0x3F98] =	sst s10  }
0x32: {  	s10 =	sld [smem:$0x3F96];
	_ =	sdelay $0x3  }
0x33: {  	p0 =	seq.s32 s10, $0x1;
	s10 =	sld [smem:$0x3F98];
	_ =	sdelay $0x3  }
0x34: {  	[smem:$0x3F98] =	sst s10  }
0x35: {  	s10 =	sld [smem:$0x3F97];
	_ =	sdelay $0x3  }
0x36: {  	p1 =	seq.s32 s10, $0x1;
	s10 =	sld [smem:$0x3F98];
	_ =	sdelay $0x3  }
0x37: {  	[smem:$0x3F98] =	sst s10  }
0x38: {  	s10 =	sld [smem:$0x3F99]  }
0x39: {  	_ = 	snop;
	(pc) =	sbr.ind lr, $3  }
0x3a: {  	_ = 	snop  }
0x3b: {  	_ = 	snop  }
0x3c: {  	p2 =	seq.s32 s10, $0x1;
	s10 =	sld [smem:$0x3F98]  }
0x3d: {  	_ =	shalt  }
0x3e: {  	_ =	shalt  }
0x3f: {  	_ =	shalt  }
0x40: {  	_ =	shalt  }
0x41: {  	_ =	shalt  }
0x42: {  	_ =	shalt  }
0x43: {  	_ =	shalt  }
0x44: {  	_ =	shalt  }
0x45: {  	_ =	shalt  }
0x46: {  	_ =	shalt  }
0x47: {  	_ =	shalt  }
0x48: {  	_ =	shalt  }
0x49: {  	_ =	shalt  }
0x4a: {  	_ =	shalt  }
0x4b: {  	_ =	shalt  }
0x4c: {  	_ =	shalt  }
0x4d: {  	_ =	shalt  }
0x4e: {  	_ =	shalt  }
0x4f: {  	_ =	shalt  }
0x50: {  	_ =	shalt  }
0x51: {  	_ =	shalt  }
0x52: {  	_ =	shalt  }
0x53: {  	_ =	shalt  }
0x54: {  	_ =	shalt  }
0x55: {  	_ =	shalt  }
0x56: {  	_ =	shalt  }
0x57: {  	_ =	shalt  }
0x58: {  	_ =	shalt  }
0x59: {  	_ =	shalt  }
0x5a: {  	_ =	shalt  }
0x5b: {  	_ =	shalt  }
0x5c: {  	_ =	shalt  }
0x5d: {  	_ =	shalt  }
0x5e: {  	_ =	shalt  }
0x5f: {  	_ =	shalt  }
0x60: {  	_ =	shalt  }
0x61: {  	_ =	shalt  }
0x62: {  	_ =	shalt  }
0x63: {  	_ =	shalt  }
0x64: {  	_ =	shalt  }
0x65: {  	_ =	shalt  }
0x66: {  	_ =	shalt  }
0x67: {  	_ =	shalt  }
0x68: {  	_ =	shalt  }
0x69: {  	_ =	shalt  }
0x6a: {  	_ =	shalt  }
0x6b: {  	_ =	shalt  }
0x6c: {  	_ =	shalt  }
0x6d: {  	_ =	shalt  }
0x6e: {  	_ =	shalt  }
0x6f: {  	_ =	shalt  }
0x70: {  	_ =	shalt  }
0x71: {  	_ =	shalt  }
0x72: {  	_ =	shalt  }
0x73: {  	_ =	shalt  }
0x74: {  	_ =	shalt  }
0x75: {  	_ =	shalt  }
0x76: {  	_ =	shalt  }
0x77: {  	_ =	shalt  }
0x78: {  	_ =	shalt  }
0x79: {  	_ =	shalt  }
0x7a: {  	_ =	shalt  }
0x7b: {  	_ =	shalt  }
0x7c: {  	_ =	shalt  }
0x7d: {  	_ =	shalt  }
0x7e: {  	_ =	shalt  }
0x7f: {  	_ =	shalt  }
0x80: {  	_ =	shalt  }
0x81: {  	_ =	shalt  }
0x82: {  	_ =	shalt  }
0x83: {  	_ =	shalt  }
0x84: {  	_ =	shalt  }
0x85: {  	_ =	shalt  }
0x86: {  	_ =	shalt  }
0x87: {  	_ =	shalt  }
.Lfunc_end0:
.L_simem_size_0:
called_computation_lowered:
.L_overlay_start_0:
0x88: {  	s2 =	sld [smem:$0x3FD9]  }
0x89: {  	s3 =	sld [smem:$0x3FFE];
	_ =	sdelay $0x1  }
0x8a: {  	s1 =	srdreg.scid  }
0x8b: {  	s0 =	sand.u32 $0x1, s1  }
0x8c: {  	s17 =	sshll.u32 s0, $0xA;
	s2 =	sadd.s32 s3, s2  }
0x8d: {  	s2 =	sadd.s32 s2, s17  }
0x8e: {  	[smem:$0x3FA4] =	sst s2  }
0x8f: {  	_ = 	snop  }
0x90: {  	s2 =	sld [smem:$0x3FC9];
	(tm) =	ssettm $0x1  }
0x91: {  	s18 =	sld [smem:$0x3FFB];
	_ =	sdelay $0x3  }
0x92: {  	_ =	strace s18  }
0x93: {  	s3 =	sld [smem:$0x3FFC];
	_ =	sdelay $0x3  }
0x94: {  	_ =	strace s3  }
0x95: {  	s3 =	sld [smem:$0x3FFD];
	_ =	sdelay $0x3  }
0x96: {  	_ =	strace s3  }
0x97: {  	_ =	strace $0x8FFFFFFF  }
0x98: {  	s19 =	sld [smem:$0x3FDB];
	_ =	sdelay $0x1  }
0x99: {  	s4 =	simm.s32 $_scs_section_size  }
0x9a: {  	s5 =	simm.s32 $_size__tile_overlayer_lowered;
	s6 =	simm.s32 $_tile_overlayer_lowered  }
0x9b: {  	s22 =	simm.s32 $0x1BFF;
	s21 =	sshll.u32 s6, $0x1;
	s3 =	sadd.s32 s4, s19  }
0x9c: {  	s7 =	simm.s32 $0x0;
	s20 =	sshll.u32 s5, $0x1;
	s5 =	sadd.s32 s21, s3  }
0x9d: {  	[timem:s7], [sflag:s22] =	dma.local [hbm:s5], s20  }
0x9e: {  	_ =	swait.ge [sflag:s22], s20  }
0x9f: {  	s4 =	ssub.s32 $0x0, s20;
	[sflag:s22] =	ssyncset.done $0x0  }
0xa0: {  	[sflag:s22] =	ssyncadd.s32 s4;
	_ =	sdelay $0x1  }
0xa1: {  	s23 =	simm.s32 $0x1B8B  }
0xa2: {  	_ =	swait.ge [sflag:s23], $0x1  }
0xa3: {  	[sflag:s23] =	ssyncset.done $0x0  }
0xa4: {  	s25 =	simm.s32 $0x1B8E;
	s24 =	sld [smem:$0x3FFE];
	[sflag:s23] =	ssyncadd.s32 $0xFFFFFFFF  }
0xa5: {  	s26 =	simm.s32 $execute0_lowered;
	[smem:$0x3FD2] =	sst s25  }
0xa6: {  	s5 =	sshll.u32 s26, $0x1;
	_ =	strace $0x80000046;
	[dreg:$0x1] =	wrdreg $0xFFFFFFFF  }
0xa7: {  	s28 =	simm.s32 $_size_execute0_lowered;
	s3 =	sadd.s32 s3, s5;
	[dreg:$0x0] =	wrdreg $0x0  }
0xa8: {  	s5 =	sshll.u32 s28, $0x1;
	[dreg:$0x2] =	wrdreg s3  }
0xa9: {  	[dreg:$0x3] =	wrdreg s5  }
0xaa: {  	[dreg:$0x4] =	wrdreg $0xC0  }
0xab: {  	_ =	task [dreg:s7], $0x5FFFF  }
0xac: {  	[dreg:$0x1] =	wrdreg $0xFFFFFFFF  }
0xad: {  	[dreg:$0x0] =	wrdreg $0x60  }
0xae: {  	[dreg:$0x2] =	wrdreg s2  }
0xaf: {  	[dreg:$0x3] =	wrdreg s24  }
0xb0: {  	[dreg:$0x4] =	wrdreg $0xC7000  }
0xb1: {  	[dreg:$0x5] =	wrdreg $0x9  }
0xb2: {  	_ =	task.clear_ibuf [dreg:s7], $0x6FFFF;
	_ =	strace $0x90000046  }
0xb3: {  	s29 =	simm.s32 $0x9;
	_ =	strace $0x80000048  }
0xb4: {  	_ =	swait.ge [sflag:s29], $0x1  }
0xb5: {  	[sflag:s29] =	ssyncadd.s32 $0xFFFFFFFF  }
0xb6: {  	_ =	strace $0x90000048  }
0xb7: {  	_ =	sfence  }
0xb8: {  	s30 =	sld [smem:$0x0];
	_ =	sdelay $0x2  }
0xb9: {  	s31 =	sshll.u32 s1, $0xD;
	s1 =	sshrl.u32 s1, $0x2  }
0xba: {  	s3 =	sand.u32 $0x4000, s31;
	s1 =	sadd.s32 s1, s30  }
0xbb: {  	s0 =	sor.u32 s3, s0;
	s1 =	sshll.u32 s1, $0x11  }
0xbc: {  	s0 =	sor.u32 s1, s0  }
0xbd: {  	s0 =	sadd.s32 $0x8F2B, s0  }
0xbe: {  	[sflag:s0] =	ssyncadd.remote.s32 $0x1  }
0xbf: {  	_ =	sfence.sel $0xFFFF  }
0xc0: {  	[dreg:$0x0] =	wrdreg $0xFFFFFFFF;
	(pc) =	sbr.abs _section_cstart, $3  }
0xc1: {  	[dreg:$0x1] =	wrdreg $0xFFFFFFFF  }
0xc2: {  	_ =	task.clear_ibuf [dreg:s7], $0x2FFFF;
	_ =	strace $0x9FFFFFFF  }
0xc3: {  	(tm) =	ssettm $0x7FFFFFFF  }
tec
execute0_lowered:
.L_overlay_start_1:
0x0: {  	(tag) =	ssettag $0x1  }
0x1: {  	s1 =	rddreg [dreg:$0x0]  }
0x2: {  	s7 =	rddreg [dreg:$0x1]  }
0x3: {  	s2 =	srdreg.scid;
	s0 =	stileid.u32  }
0x4: {  	s3 =	rddreg [dreg:$0x2];
	s4 =	simm.s32 $0x0;
	s14 =	simm.s32 $0x9F00  }
0x5: {  	s17 =	simm.s32 $0x4F00;
	s20 =	simm.s32 $0x50;
	s21 =	simm.s32 $0x9E80  }
0x6: {  	s22 =	simm.s32 $0x9E00;
	s23 =	simm.s32 $0x0;
	s8 =	sand.u32 $0x1, s2  }
0x7: {  	s5 =	sshll.u32 s0, $0x1;
	s2 =	rddreg [dreg:$0x3];
	s11 =	smul.u32 $0x2A000, s0  }
0x8: {  	[smem:$0x7FF] =	sst s4;
	s6 =	sadd.s32 $0x6400, s7;
	s16 =	smul.u32 $0x150, s0  }
0x9: {  	s9 =	sor.u32 s8, s5;
	_ =	strace $0x80000047;
	s30 =	ssub.s32 $0x2, s8  }
0xa: {  	s5 =	sadd.s32 $0x10200, s7;
	s10 =	smul.u32 $0x1400, s9;
	s8 =	sshrl.u32 s30, $0x1  }
0xb: {  	s15 =	smul.u32 $0x140, s9;
	s31 =	sshrl.u32 s11, $0x2;
	s13 =	ssub.s32 s30, s8  }
.Ltmp0:
0xc: {  	s12 =	sadd.s32 s10, s7;
	s7 =	sadd.s32 s31, s3;
	(pc) =	sbr.rel .LBB2_1-.Ltmp0, $4  }
0xd: {  	s18 =	sadd.s32 $0x140, s15;
	s19 =	ssub.s32 s16, s15;
	s13 =	smax.u32 s13, $0x1  }
0xe: {  	v3 =	vmov s16;
	v0 =	vmov s15;
	s15 =	simm.s32 $0x2;
	s16 =	simm.s32 $0x2780;
	s8 =	sadd.s32 $0x2800, s7  }
0xf: {  	v4 =	vimm.f32 $0.0e+00;
	v5 =	vimm.s32 $0x0;
	v3 =	vadd.s32 $0x140, v3;
	s9 =	sadd.s32 $0x5000, s7;
	s10 =	sadd.s32 $0x7800, s7;
	s11 =	sadd.s32 $0xA000, s7  }
0x10: {  	v3 =	vbroadcast v3, $0x0;
	s12 =	sadd.s32 $0x1A000, s12;
	v1 =	vmov s18;
	v2 =	vmov s19;
	s18 =	simm.s32 $0x7680;
	s19 =	simm.s32 $0x1  }
.LBB2_11:
0x11: {  	s23 =	sadd.s32 $0x1, s23  }
0x12: {  	s24 =	sshll.u32 s0, $0x6;
	p0 =	sne.s32 s23, s13  }
.Ltmp1:
0x13: {  	s25 =	sshrl.u32 s7, $0x3;
	s24 =	sor.u32 $0x1C02, s24;
	(pc) =	sbr.rel @!p0 .LBB2_12-.Ltmp1, $4  }
0x14: {  	[hbm:s12], [sflag:s24] =	dma.local [spmem:s25], $0x1400  }
0x15: {  	_ =	swait.ge [sflag:s15], $0x1400  }
0x16: {  	[sflag:s15] =	ssyncset.done $0x0  }
0x17: {  	[sflag:s15] =	ssyncadd.s32 $0xFFFFEC00  }
.LBB2_1:
0x18: {  	s24 =	sand.u32 $0xFE00, s4  }
0x19: {  	s25 =	sand.u32 $0x70, s4;
	s26 =	sshrl.u32 s24, $0x2  }
0x1a: {  	s24 =	simm.s32 $0x40;
	s26 =	sor.u32 s25, s26;
	s25 =	simm.s32 $0x0  }
.LBB2_2:
0x1b: {  	p0 =	sne.s32 s24, $0x9FC0  }
0x1c: {  	[tilespmem:s26+$0x9F00] =	vst v4;
	s25 =	sadd.s32 $0x10, s25;
	s26 =	smov.u32 s24;
	s24 =	sadd.s32 $0x40, s24  }
.Ltmp2:
0x1d: {  	(pc) =	sbr.rel @p0 .LBB2_2-.Ltmp2, $4  }
0x1e: {  	_ = 	snop  }
0x1f: {  	s26 =	sand.u32 $0xFE00, s26  }
0x20: {  	s28 =	sand.u32 $0x70, s25;
	s26 =	sshrl.u32 s26, $0x2  }
0x21: {  	s26 =	sor.u32 s28, s26  }
0x22: {  	[tilespmem:s26+$0x9F00] =	vst v4  }
0x23: {  	[spmem:s7] =	stream.linear.scatter [tilespmem:s14], [sflag:$0x2], $0x2800, $0x38;
	[tilespmem:$0x16F00] =	vst v63  }
0x24: {  	_ =	swait.ge [sflag:s15], $0x2800  }
0x25: {  	[sflag:s15] =	ssyncset.done $0x0  }
0x26: {  	[sflag:s15] =	ssyncadd.s32 $0xFFFFD800  }
0x27: {  	[spmem:s8] =	stream.linear.scatter [tilespmem:s14], [sflag:$0x2], $0x2800, $0x38;
	[tilespmem:$0x16F00] =	vst v63  }
0x28: {  	_ =	swait.ge [sflag:s15], $0x2800  }
0x29: {  	[sflag:s15] =	ssyncset.done $0x0  }
0x2a: {  	[sflag:s15] =	ssyncadd.s32 $0xFFFFD800  }
0x2b: {  	[spmem:s9] =	stream.linear.scatter [tilespmem:s14], [sflag:$0x2], $0x2800, $0x38;
	[tilespmem:$0x16F00] =	vst v63  }
0x2c: {  	_ =	swait.ge [sflag:s15], $0x2800  }
0x2d: {  	[sflag:s15] =	ssyncset.done $0x0  }
0x2e: {  	[sflag:s15] =	ssyncadd.s32 $0xFFFFD800  }
0x2f: {  	[spmem:s10] =	stream.linear.scatter [tilespmem:s14], [sflag:$0x2], $0x2800, $0x38;
	[tilespmem:$0x16F00] =	vst v63  }
0x30: {  	_ =	swait.ge [sflag:s15], $0x2800  }
0x31: {  	[sflag:s15] =	ssyncset.done $0x0  }
.Ltmp3:
0x32: {  	[sflag:s15] =	ssyncadd.s32 $0xFFFFD800;
	(pc) =	sbr.rel .LBB2_4-.Ltmp3, $4  }
0x33: {  	[spmem:s11] =	stream.linear.scatter [tilespmem:s14], [sflag:$0x2], $0x800, $0x38;
	[tilespmem:$0x16F00] =	vst v63  }
0x34: {  	_ =	swait.ge [sflag:s15], $0x800  }
0x35: {  	[sflag:s15] =	ssyncset.done $0x0  }
0x36: {  	s24 =	simm.s32 $0x0;
	s25 =	simm.s32 $0x0;
	[sflag:s15] =	ssyncadd.s32 $0xFFFFF800  }
.LBB2_9:
0x37: {  	[sflag:s15] =	ssyncadd.s32 $0xFFFFD800  }
.LBB2_10:
0x38: {  	s25 =	sadd.s32 $0x1, s25  }
0x39: {  	p0 =	sne.s32 s25, $0x20  }
.Ltmp4:
0x3a: {  	_ = 	snop;
	(pc) =	sbr.rel @!p0 .LBB2_11-.Ltmp4, $1  }
0x3b: {  	_ =	sdelay $0x3  }
.LBB2_4:
0x3c: {  	s26 =	smul.u32 $0x4E2, s25;
	_ =	sdelay $0x1  }
0x3d: {  	s28 =	sadd.s32 s6, s26  }
0x3e: {  	[tilespmem:s24], [sflag:$0x2] =	stream.linear.gather [hbm4b:s28+s24], $0x2710, $0x38;
	[tilespmem:$0x16F00] =	vst v63  }
0x3f: {  	_ =	swait.ge [sflag:s15], $0x2710  }
0x40: {  	[sflag:s15] =	ssyncset.done $0x0  }
0x41: {  	s26 =	sadd.s32 s5, s26;
	[sflag:s15] =	ssyncadd.s32 $0xFFFFD8F0  }
0x42: {  	[tilespmem:s16], [sflag:$0x2] =	stream.linear.gather [hbm4b:s26+s24], $0x2710, $0x38;
	[tilespmem:$0x16F00] =	vst v63  }
0x43: {  	_ =	swait.ge [sflag:s15], $0x2710  }
0x44: {  	[sflag:s15] =	ssyncset.done $0x0  }
0x45: {  	s31 =	simm.s32 $0x0;
	[sflag:s15] =	ssyncadd.s32 $0xFFFFD8F0  }
0x46: {  	v6 =	vld [tilespmem:s31+$0x0];
	_ =	sdelay $0x4  }
0x47: {  	vm0 =	vge.s32 v6, v0;
	vm1 =	vlt.s32 v6, v1  }
0x48: {  	vm0 =	vmand vm0, vm1  }
0x49: {  	v7 =	vsel vm0, $0x1, v5  }
0x4a: {  	(xrf0) =	vadd.scan.msk.s32 $0xffff, v7;
	_ =	sdelay $0x5  }
0x4b: {  	s28 =	simm.s32 $0xFFFFFFFF;
	v7, _, _ =	vpop (xrf0)  }
0x4c: {  	v8 =	vadd.s32 s28, v7;
	(v2sf) =	vpush v7, $0xF  }
0x4d: {  	v8 =	vnsel vm0, $0x277F, v8  }
0x4e: {  	v9 =	vld [tilespmem:s31+$0x2780];
	_ =	sdelay $0x2  }
0x4f: {  	v6 =	vadd.s32 v6, v2  }
0x50: {  	[tilespmem:v8+s17+$0x0] =	vst.idx.msk $0xffff, v6  }
0x51: {  	s29 =	simm.s32 $0x80;
	s26 =	simm.s32 $0x10;
	s28 =	simm.s32 $0x0;
	[tilespmem:v8+s18+$0x0] =	vst.idx.msk $0xffff, v9  }
.LBB2_5:
0x52: {  	p0 =	sne.s32 s29, $0x9C00;
	v6 =	vld [tilespmem:s26+$0x0];
	_ =	sdelay $0x4  }
0x53: {  	vm0 =	vge.s32 v6, v0;
	vm1 =	vlt.s32 v6, v1;
	v6 =	vadd.s32 v6, v2  }
0x54: {  	vm0 =	vmand vm0, vm1  }
0x55: {  	v7 =	vsel vm0, $0x1, v5;
	s30 =	spop (v2sf)  }
0x56: {  	(xrf0) =	vadd.scan.msk.s32 $0xffff, v7;
	s28 =	sadd.s32 s28, s30  }
0x57: {  	s30 =	sadd.s32 $0xFFFFFFFF, s28;
	_ =	sdelay $0x4  }
0x58: {  	v7, _, _ =	vpop (xrf0)  }
0x59: {  	v8 =	vadd.s32 s30, v7;
	(v2sf) =	vpush v7, $0xF  }
0x5a: {  	v7 =	vnsel vm0, $0x277F, v8  }
0x5b: {  	v8 =	vld [tilespmem:s26+$0x2780]  }
.Ltmp5:
0x5c: {  	(pc) =	sbr.rel @p0 .LBB2_5-.Ltmp5, $3  }
0x5d: {  	_ =	sdelay $0x1  }
0x5e: {  	[tilespmem:v7+s17+$0x0] =	vst.idx.msk $0xffff, v6  }
0x5f: {  	s26 =	sshra.s32 s29, $0x2;
	s29 =	sadd.s32 $0x40, s29;
	[tilespmem:v7+s18+$0x0] =	vst.idx.msk $0xffff, v8  }
0x60: {  	v6 =	vld [tilespmem:s26+$0x0];
	_ =	sdelay $0x4  }
0x61: {  	vm0 =	vge.s32 v6, v0;
	vm1 =	vlt.s32 v6, v1  }
0x62: {  	vm0 =	vmand vm0, vm1  }
0x63: {  	v7 =	vsel vm0, $0x1, v5  }
0x64: {  	(xrf0) =	vadd.scan.msk.s32 $0xffff, v7;
	_ =	sdelay $0x5  }
0x65: {  	v7, _, _ =	vpop (xrf0)  }
0x66: {  	(v2sf) =	vpush v7, $0xF;
	_ =	sdelay $0xb  }
0x67: {  	s29 =	spop (v2sf)  }
0x68: {  	s28 =	sadd.s32 s28, s29  }
0x69: {  	s29 =	sadd.s32 $0xFFFFFFFF, s28  }
0x6a: {  	v7 =	vadd.s32 s29, v7;
	s29 =	spop (v2sf)  }
0x6b: {  	s28 =	sadd.s32 s28, s29  }
0x6c: {  	v8 =	vld [tilespmem:s26+$0x2780];
	s26 =	sadd.s32 $0x4F, s28  }
0x6d: {  	s29 =	smulhi.u32 $0x66666667, s26;
	s30 =	sshra.s32 s26, $0x1F  }
0x6e: {  	s30 =	smul.u32 $0x66666667, s30  }
0x6f: {  	v7 =	vnsel vm0, $0x277F, v7  }
0x70: {  	s29 =	sadd.s32 s30, s29  }
0x71: {  	s30 =	sshrl.u32 s29, $0x1F;
	s29 =	sshra.s32 s29, $0x5  }
0x72: {  	s29 =	sadd.s32 s30, s29  }
0x73: {  	v6 =	vadd.s32 v6, v2;
	s30 =	smul.u32 $0xFFFFFFB0, s29  }
0x74: {  	[tilespmem:v7+s17+$0x0] =	vst.idx.msk $0xffff, v6;
	s31 =	ssub.s32 $0xFFFFFFB1, s28  }
0x75: {  	[tilespmem:v7+s18+$0x0] =	vst.idx.msk $0xffff, v8;
	p0 =	slt.s32 s26, $0x1;
	p1 =	sne.s32 s30, s31  }
0x76: {  	[tilespmem:s28+$0x4F00] =	vst v3;
	p0 =	por !p0, !p1  }
0x77: {  	[tilespmem:s28+$0x7680] =	vst v5;
	s26 =	simm.s32 $0x1;
	p0 =	por !p0, !p0  }
0x78: {  	[tilespmem:s28+$0x4F10] =	vst v3;
	s26 =	simm.s32 @!p0 $0x0  }
0x79: {  	[tilespmem:s28+$0x7690] =	vst v5;
	s29 =	ssub.s32 s29, s26  }
0x7a: {  	[tilespmem:s28+$0x4F20] =	vst v3;
	p0 =	slt.s32 s29, $0x1  }
.Ltmp6:
0x7b: {  	[tilespmem:s28+$0x76A0] =	vst v5;
	(pc) =	sbr.rel @p0 .LBB2_10-.Ltmp6, $4  }
0x7c: {  	[tilespmem:s28+$0x4F30] =	vst v3  }
0x7d: {  	[tilespmem:s28+$0x76B0] =	vst v5  }
0x7e: {  	[tilespmem:s28+$0x4F40] =	vst v3  }
0x7f: {  	[tilespmem:s28+$0x76C0] =	vst v5  }
0x80: {  	s26 =	simm.s32 $0x4F20  }
0x81: {  	v6 =	vld [tilespmem:s26+$0xFFFFFFE0];
	_ =	sdelay $0x4  }
0x82: {  	s28 =	simm.s32 $0x76A0;
	[tilespmem:$0x9E00] =	vst v6  }
0x83: {  	v6 =	vld [tilespmem:s28+$0xFFFFFFE0];
	_ =	sdelay $0x4  }
0x84: {  	[tilespmem:$0x9E80] =	vst v6  }
0x85: {  	v6 =	vld [tilespmem:s26+$0xFFFFFFF0];
	_ =	sdelay $0x4  }
0x86: {  	[tilespmem:$0x9E10] =	vst v6  }
0x87: {  	v6 =	vld [tilespmem:s28+$0xFFFFFFF0];
	_ =	sdelay $0x4  }
0x88: {  	[tilespmem:$0x9E90] =	vst v6  }
0x89: {  	v6 =	vld [tilespmem:s26+$0x0];
	_ =	sdelay $0x4  }
0x8a: {  	[tilespmem:$0x9E20] =	vst v6  }
0x8b: {  	v6 =	vld [tilespmem:s28+$0x0];
	_ =	sdelay $0x4  }
0x8c: {  	[tilespmem:$0x9EA0] =	vst v6  }
0x8d: {  	v6 =	vld [tilespmem:s26+$0x10];
	_ =	sdelay $0x4  }
0x8e: {  	[tilespmem:$0x9E30] =	vst v6  }
0x8f: {  	v6 =	vld [tilespmem:s28+$0x10];
	_ =	sdelay $0x4  }
0x90: {  	[tilespmem:$0x9EB0] =	vst v6  }
0x91: {  	v6 =	vld [tilespmem:s26+$0x20];
	_ =	sdelay $0x4  }
0x92: {  	[tilespmem:$0x9E40] =	vst v6  }
0x93: {  	v6 =	vld [tilespmem:s28+$0x20];
	_ =	sdelay $0x4  }
0x94: {  	[tilespmem:$0x9EC0] =	vst v6  }
0x95: {  	[tilespmem:s14], [sflag:$0x1] =	stream.indirect.gather [hbm4b:s1+s20], $0x80, s21, s20, $0xb8;
	[tilespmem:$0x16F00] =	vst v63  }
0x96: {  	p0 =	sne.s32 s29, $0x1;
	_ =	swait.ge [sflag:s19], $0x2800  }
.Ltmp7:
0x97: {  	[sflag:s19] =	ssyncset.done $0x0;
	(pc) =	sbr.rel @!p0 .LBB2_9-.Ltmp7, $4  }
0x98: {  	[sflag:s19] =	ssyncadd.s32 $0xFFFFD800  }
0x99: {  	[spmem:s3] =	stream.indirect.scatter.add.f32 [tilespmem:s14], [sflag:$0x2], $0x80, s22, s20, $0xb8;
	[tilespmem:$0x16F00] =	vst v63  }
0x9a: {  	_ =	swait.ge [sflag:s15], $0x2800  }
0x9b: {  	s29 =	sadd.s32 $0xFFFFFFFF, s29;
	[sflag:s15] =	ssyncset.done $0x0  }
.LBB2_8:
0x9c: {  	[sflag:s15] =	ssyncadd.s32 $0xFFFFD800;
	s26 =	sadd.s32 $0x50, s26;
	s28 =	sadd.s32 $0x50, s28  }
0x9d: {  	p0 =	sne.s32 s29, $0x1;
	s29 =	sadd.s32 $0xFFFFFFFF, s29;
	v6 =	vld [tilespmem:s26+$0xFFFFFFE0];
	_ =	sdelay $0x4  }
0x9e: {  	[tilespmem:$0x9E00] =	vst v6  }
0x9f: {  	v6 =	vld [tilespmem:s28+$0xFFFFFFE0];
	_ =	sdelay $0x4  }
0xa0: {  	[tilespmem:$0x9E80] =	vst v6  }
0xa1: {  	v6 =	vld [tilespmem:s26+$0xFFFFFFF0];
	_ =	sdelay $0x4  }
0xa2: {  	[tilespmem:$0x9E10] =	vst v6  }
0xa3: {  	v6 =	vld [tilespmem:s28+$0xFFFFFFF0];
	_ =	sdelay $0x4  }
0xa4: {  	[tilespmem:$0x9E90] =	vst v6  }
0xa5: {  	v6 =	vld [tilespmem:s26+$0x0];
	_ =	sdelay $0x4  }
0xa6: {  	[tilespmem:$0x9E20] =	vst v6  }
0xa7: {  	v6 =	vld [tilespmem:s28+$0x0];
	_ =	sdelay $0x4  }
0xa8: {  	[tilespmem:$0x9EA0] =	vst v6  }
0xa9: {  	v6 =	vld [tilespmem:s26+$0x10];
	_ =	sdelay $0x4  }
0xaa: {  	[tilespmem:$0x9E30] =	vst v6  }
0xab: {  	v6 =	vld [tilespmem:s28+$0x10];
	_ =	sdelay $0x4  }
0xac: {  	[tilespmem:$0x9EB0] =	vst v6  }
0xad: {  	v6 =	vld [tilespmem:s26+$0x20];
	_ =	sdelay $0x4  }
0xae: {  	[tilespmem:$0x9E40] =	vst v6  }
0xaf: {  	v6 =	vld [tilespmem:s28+$0x20];
	_ =	sdelay $0x4  }
0xb0: {  	[tilespmem:$0x9EC0] =	vst v6  }
0xb1: {  	[tilespmem:s14], [sflag:$0x1] =	stream.indirect.gather [hbm4b:s1+s20], $0x80, s21, s20, $0xb8;
	[tilespmem:$0x16F00] =	vst v63  }
0xb2: {  	_ =	swait.ge [sflag:s19], $0x2800  }
.Ltmp8:
0xb3: {  	[sflag:s19] =	ssyncset.done $0x0;
	(pc) =	sbr.rel @p0 .LBB2_8-.Ltmp8, $4  }
0xb4: {  	[sflag:s19] =	ssyncadd.s32 $0xFFFFD800  }
0xb5: {  	[spmem:s3] =	stream.indirect.scatter.add.f32 [tilespmem:s14], [sflag:$0x2], $0x80, s22, s20, $0xb8;
	[tilespmem:$0x16F00] =	vst v63  }
0xb6: {  	_ =	swait.ge [sflag:s15], $0x2800  }
0xb7: {  	[sflag:s15] =	ssyncset.done $0x0  }
.Ltmp9:
0xb8: {  	_ = 	snop;
	(pc) =	sbr.rel .LBB2_9-.Ltmp9, $1  }
0xb9: {  	_ =	sdelay $0x3  }
.LBB2_12:
0xba: {  	_ =	sfence.sel $0x180000  }
0xbb: {  	[bflag:$0x0] =	sbarrier.arrive $0xFFFF  }
0xbc: {  	p0 =	sne.s32 s0, $0x0;
	_ =	strace $0x90000047  }
0xbd: {  	s0 =	sadd.s32 @!p0 $0x100000, s2;
	[bflag:$0x2] =	sbarrier.arrive $0xFFFF  }
0xbe: {  	[sflag:s0] =	ssyncadd.tile.s32 @!p0 $0x1;
	_ =	shalt  }
.Lfunc_end2:
_tile_overlayer_lowered:
.L_overlay_start_2:
0xbf: {  	(tag) =	ssettag $0x2  }
0xc0: {  	s0 =	rddreg [dreg:$0x0];
	s2 =	stileid.u32  }
0xc1: {  	s1 =	rddreg [dreg:$0x1];
	p0 =	sne.s32 s2, $0x0  }
0xc2: {  	s3 =	rddreg [dreg:$0x2];
	[bflag:$0x3] =	sbarrier.arrive $0xFFFF;
	s2 =	simm.s32 @!p0 $0x1C02  }
0xc3: {  	[timem:s3], [sflag:s2] =	dma.local @!p0 [hbm:s0], s1  }
0xc4: {  	s0 =	simm.s32 @!p0 $0x2  }
0xc5: {  	_ =	swait.ge @!p0 [sflag:s0], s1  }
0xc6: {  	s1 =	ssub.s32 @!p0 $0x0, s1;
	[sflag:s0] =	ssyncset.done @!p0 $0x0  }
0xc7: {  	[sflag:s0] =	ssyncadd.s32 @!p0 s1  }
0xc8: {  	[bflag:$0x3] =	sbarrier.arrive $0xFFFF  }
0xc9: {  	_ =	shalt  }

</sc_bundles>
